<compile_context>
chip_gen: v7x
topology: tpu7x:2x2x1
jax: 0.10.2.dev20260603
libtpu: 0.0.44.dev20260713+nightly
codegen_flags: <defaults>
</compile_context>

<pallas_src>
import functools

import jax
import jax.numpy as jnp
from jax import lax
from jax.experimental import pallas as pl
from jax.experimental.pallas import tpu as pltpu
from jax.experimental.pallas import tpu_sc as plsc

N_REAL = 10000
N_PAD = 10240
N_EDGES = 320000
N_GRAPHS = 512
IN_DIM = 128
H = 64

NC, NS = 2, 16
NW = NC * NS
CHUNK = 128
NCHUNK = 80
NCH_TOT = NW * NCHUNK
E_PAD = NCH_TOT * CHUNK
ROWS_PER_TILE = N_PAD // NS
PAD_IDX = 10016
NBUF = 2

_MESH = plsc.VectorSubcoreMesh(
    core_axis_name="c", subcore_axis_name="s", num_cores=NC, num_subcores=NS
)
_SC_PARAMS = pltpu.CompilerParams(use_tc_tiling_on_sc=False)


@functools.partial(
    pl.kernel,
    out_type=jax.ShapeDtypeStruct((NC, N_PAD), jnp.float32),
    mesh=_MESH,
    scratch_types=[
        pltpu.VMEM((NCHUNK, CHUNK), jnp.int32),
        pltpu.VMEM((CHUNK,), jnp.float32),
        pltpu.VMEM_SHARED((N_PAD,), jnp.float32),
    ],
    compiler_params=_SC_PARAMS,
)
def _sc_deg(edst_hbm, out_hbm, didx, buf, degsp):
    c = lax.axis_index("c")
    s = lax.axis_index("s")
    wid = c * NS + s
    pltpu.sync_copy(edst_hbm.at[pl.ds(wid * NCHUNK, NCHUNK)], didx)

    def _zero(i, carry):
        buf[pl.ds(i * 16, 16)] = jnp.zeros((16,), jnp.float32)
        return carry

    lax.fori_loop(0, CHUNK // 16, _zero, 0)
    r0 = s * ROWS_PER_TILE
    for j in range(ROWS_PER_TILE // CHUNK):
        pltpu.sync_copy(buf, degsp.at[pl.ds(r0 + j * CHUNK, CHUNK)])
    plsc.subcore_barrier()

    def _ones(i, carry):
        buf[pl.ds(i * 16, 16)] = jnp.ones((16,), jnp.float32)
        return carry

    lax.fori_loop(0, CHUNK // 16, _ones, 0)

    def _scatter(k, carry):
        pltpu.sync_copy(buf, degsp.at[didx.at[k]], add=True)
        return carry

    lax.fori_loop(0, NCHUNK, _scatter, 0)
    plsc.subcore_barrier()
    for j in range(ROWS_PER_TILE // CHUNK):
        pltpu.sync_copy(degsp.at[pl.ds(r0 + j * CHUNK, CHUNK)], buf)
        pltpu.sync_copy(buf, out_hbm.at[c, pl.ds(r0 + j * CHUNK, CHUNK)])


NCHA = 80


@functools.partial(
    pl.kernel,
    out_type=jax.ShapeDtypeStruct((NC, N_PAD, H), jnp.float32),
    mesh=_MESH,
    scratch_types=(
        [
            pltpu.VMEM((NCHA, CHUNK), jnp.int32),
            pltpu.VMEM((NCHA, CHUNK), jnp.int32),
        ]
        + [pltpu.VMEM((CHUNK, H), jnp.float32) for _ in range(NBUF)]
        + [
            pltpu.VMEM_SHARED((N_PAD, H), jnp.float32),
            pltpu.VMEM_SHARED((N_PAD, H), jnp.float32),
        ]
        + [pltpu.SemaphoreType.DMA for _ in range(NBUF)]
    ),
    compiler_params=_SC_PARAMS,
)
def _sc_agg(xs_hbm, esrc_hbm, edst_hbm, out_hbm, sidx, didx, *rest):
    rows = list(rest[:NBUF])
    xs_sp = rest[NBUF]
    aggsp = rest[NBUF + 1]
    gsem = list(rest[NBUF + 2:])
    c = lax.axis_index("c")
    s = lax.axis_index("s")
    wid = c * NS + s
    pltpu.sync_copy(esrc_hbm.at[pl.ds(wid * NCHA, NCHA)], sidx)
    pltpu.sync_copy(edst_hbm.at[pl.ds(wid * NCHA, NCHA)], didx)

    def _zero(i, carry):
        for j in range(H // 16):
            rows[0][i, pl.ds(j * 16, 16)] = jnp.zeros((16,), jnp.float32)
        return carry

    lax.fori_loop(0, CHUNK, _zero, 0)
    r0 = s * ROWS_PER_TILE
    for j in range(ROWS_PER_TILE // CHUNK):
        pltpu.sync_copy(rows[0], aggsp.at[pl.ds(r0 + j * CHUNK, CHUNK)])
        pltpu.sync_copy(xs_hbm.at[pl.ds(r0 + j * CHUNK, CHUNK)], rows[1])
        pltpu.sync_copy(rows[1], xs_sp.at[pl.ds(r0 + j * CHUNK, CHUNK)])
    plsc.subcore_barrier()

    def _group(k4, carry):
        for b in range(NBUF):
            k = k4 * NBUF + b
            kprev = k - NBUF

            @pl.when(kprev >= 0)
            def _():
                pltpu.make_async_copy(
                    xs_sp.at[sidx.at[kprev]], rows[b], gsem[b]
                ).wait()
                pltpu.sync_copy(rows[b], aggsp.at[didx.at[kprev]], add=True)

            @pl.when(k < NCHA)
            def _():
                pltpu.async_copy(xs_sp.at[sidx.at[k]], rows[b], gsem[b])

        return carry

    lax.fori_loop(0, NCHA // NBUF + 1, _group, 0)

    plsc.subcore_barrier()
    for j in range(ROWS_PER_TILE // CHUNK):
        pltpu.sync_copy(aggsp.at[pl.ds(r0 + j * CHUNK, CHUNK)], rows[0])
        pltpu.sync_copy(rows[0], out_hbm.at[c, pl.ds(r0 + j * CHUNK, CHUNK)])


NP2 = N_PAD // 2


def _tc_mm_body(v_ref, w1_ref, xw_ref):
    xw_ref[...] = jnp.dot(
        v_ref[...], w1_ref[...], preferred_element_type=jnp.float32
    )


def _tc_mm(vp2, w1bd):
    return pl.pallas_call(
        _tc_mm_body,
        out_shape=jax.ShapeDtypeStruct((NP2, 2 * H), jnp.float32),
    )(vp2, w1bd)


def _tc_scale_body(xw_ref, deg2_ref, sel_ref, xs_ref, dinv_ref):
    dinv2 = lax.rsqrt(deg2_ref[...] + 1.0)
    dinv = jnp.dot(dinv2, sel_ref[...], preferred_element_type=jnp.float32)
    dinv_ref[...] = dinv
    xs_ref[...] = xw_ref[...] * dinv


def _tc_scale(xw, deg2, sel):
    return pl.pallas_call(
        _tc_scale_body,
        out_shape=(
            jax.ShapeDtypeStruct((NP2, 2 * H), jnp.float32),
            jax.ShapeDtypeStruct((NP2, 2 * H), jnp.float32),
        ),
    )(xw, deg2, sel)


def _tc_b_body(aggp_ref, xs_ref, dinv_ref, b_ref, w_ref, out_ref):
    agg = aggp_ref[0] + aggp_ref[1]
    h = jnp.maximum(dinv_ref[...] * (agg + xs_ref[...]) + b_ref[...], 0.0)
    out_ref[...] = (
        jnp.dot(h, w_ref[...], preferred_element_type=jnp.float32) * dinv_ref[...]
    )


def _tc_b(aggp, xs, dinv, b_row, w):
    return pl.pallas_call(
        _tc_b_body,
        out_shape=jax.ShapeDtypeStruct((NP2, 2 * H), jnp.float32),
    )(aggp, xs, dinv, b_row, w)


BLK = 1024
NB = NP2 // BLK


def _tc_pool_body(aggp_ref, xs_ref, dinv_ref, b_ref, bidse_ref, bidso_ref,
                  wfct_ref, bfc_ref, out_ref, sums, cnt):
    i = pl.program_id(0)

    @pl.when(i == 0)
    def _():
        sums[...] = jnp.zeros_like(sums)
        cnt[...] = jnp.zeros_like(cnt)

    agg = aggp_ref[0] + aggp_ref[1]
    h = jnp.maximum(dinv_ref[...] * (agg + xs_ref[...]) + b_ref[...], 0.0)
    gi = lax.broadcasted_iota(jnp.int32, (N_GRAPHS, BLK), 0)
    ohe = (bidse_ref[...] == gi).astype(jnp.float32)
    oho = (bidso_ref[...] == gi).astype(jnp.float32)
    sums[...] += jnp.dot(ohe, h[:, :H], preferred_element_type=jnp.float32)
    sums[...] += jnp.dot(oho, h[:, H:], preferred_element_type=jnp.float32)
    cnt[...] += jnp.sum(ohe, axis=1, keepdims=True)
    cnt[...] += jnp.sum(oho, axis=1, keepdims=True)

    @pl.when(i == NB - 1)
    def _():
        g = sums[...] / jnp.maximum(cnt[...], 1.0)
        out_ref[...] = (
            jnp.dot(g, wfct_ref[...], preferred_element_type=jnp.float32)
            + bfc_ref[...]
        )


def _tc_pool(aggp, xs, dinv, b_row, bidse, bidso, wfct, bfc_row):
    return pl.pallas_call(
        _tc_pool_body,
        grid=(NB,),
        in_specs=[
            pl.BlockSpec((NC, BLK, 2 * H), lambda i: (0, i, 0)),
            pl.BlockSpec((BLK, 2 * H), lambda i: (i, 0)),
            pl.BlockSpec((BLK, 2 * H), lambda i: (i, 0)),
            pl.BlockSpec((1, 2 * H), lambda i: (0, 0)),
            pl.BlockSpec((1, BLK), lambda i: (0, i)),
            pl.BlockSpec((1, BLK), lambda i: (0, i)),
            pl.BlockSpec((H, H), lambda i: (0, 0)),
            pl.BlockSpec((1, H), lambda i: (0, 0)),
        ],
        out_specs=pl.BlockSpec((N_GRAPHS, H), lambda i: (0, 0)),
        out_shape=jax.ShapeDtypeStruct((N_GRAPHS, H), jnp.float32),
        scratch_shapes=[
            pltpu.VMEM((N_GRAPHS, H), jnp.float32),
            pltpu.VMEM((N_GRAPHS, 1), jnp.float32),
        ],
    )(aggp, xs, dinv, b_row, bidse, bidso, wfct, bfc_row)


def kernel(V, E, batch_ids, W1, b1, W2, b2, Wfc, bfc):
    vp2 = (
        jnp.zeros((N_PAD, IN_DIM), jnp.float32).at[:N_REAL].set(V)
        .reshape(NP2, 2 * IN_DIM)
    )
    e = jnp.full((2, E_PAD), PAD_IDX, jnp.int32).at[:, :N_EDGES].set(E)
    esrc = e[0].reshape(NCH_TOT, CHUNK)
    edst = e[1].reshape(NCH_TOT, CHUNK)
    bids = jnp.full((N_PAD,), N_GRAPHS, jnp.int32).at[:N_REAL].set(batch_ids)
    bidse = bids[0::2].reshape(1, NP2)
    bidso = bids[1::2].reshape(1, NP2)

    w1bd = (
        jnp.zeros((2 * IN_DIM, 2 * H), jnp.float32)
        .at[:IN_DIM, :H].set(W1)
        .at[IN_DIM:, H:].set(W1)
    )
    w2bd = (
        jnp.zeros((2 * H, 2 * H), jnp.float32)
        .at[:H, :H].set(W2)
        .at[H:, H:].set(W2)
    )
    sel = jnp.zeros((2, 2 * H), jnp.float32).at[0, :H].set(1.0).at[1, H:].set(1.0)
    b1p = jnp.concatenate([b1, b1]).reshape(1, 2 * H)
    b2p = jnp.concatenate([b2, b2]).reshape(1, 2 * H)

    xw1 = _tc_mm(vp2, w1bd)
    dl = _sc_deg(edst)
    deg2 = (dl[0] + dl[1]).reshape(NP2, 2)
    xs1, dinv = _tc_scale(xw1, deg2, sel)
    agg1 = _sc_agg(xs1.reshape(N_PAD, H), esrc, edst).reshape(NC, NP2, 2 * H)
    xs2 = _tc_b(agg1, xs1, dinv, b1p, w2bd)
    agg2 = _sc_agg(xs2.reshape(N_PAD, H), esrc, edst).reshape(NC, NP2, 2 * H)
    return _tc_pool(agg2, xs2, dinv, b2p, bidse, bidso, Wfc.T, bfc.reshape(1, H))

# --- scband reference (transcript-rebuilt; emitter-appended) ---
"""Pipeline reference for scband-tumor-graph-gnn-2302102471068 (READ-ONLY COPY).

The authoritative reference and input builder live on the scoring server;
editing this copy changes nothing except your own understanding.
"""

import jax, jax.numpy as jnp
import numpy as np

N_NODES = 10000
N_EDGES = 320000
N_GRAPHS = 512
IN_DIM = 128
H1 = 64
H2 = 64
EMB = 64


def setup_inputs(seed: int = 0) -> dict:
    key = jax.random.key(seed)
    ks = jax.random.split(key, 10)
    V = jax.random.normal(ks[0], (N_NODES, IN_DIM), dtype=jnp.float32)
    E = jax.random.randint(ks[1], (2, N_EDGES), 0, N_NODES, dtype=jnp.int32)
    batch_ids = jnp.sort(jax.random.randint(ks[2], (N_NODES,), 0, N_GRAPHS, dtype=jnp.int32))
    W1 = jax.random.normal(ks[3], (IN_DIM, H1), dtype=jnp.float32) * 0.05
    b1 = jnp.zeros((H1,), dtype=jnp.float32)
    W2 = jax.random.normal(ks[4], (H1, H2), dtype=jnp.float32) * 0.05
    b2 = jnp.zeros((H2,), dtype=jnp.float32)
    Wfc = jax.random.normal(ks[5], (EMB, H2), dtype=jnp.float32) * 0.05
    bfc = jnp.zeros((EMB,), dtype=jnp.float32)
    return {"V": V, "E": E, "batch_ids": batch_ids, "W1": W1, "b1": b1, "W2": W2, "b2": b2, "Wfc": Wfc, "bfc": bfc}


def _gcn_conv(x, edge_index, W, b):
    # Faithful PyG GCNConv: add self-loops, symmetric deg normalization, sum-aggregate.
    N = x.shape[0]
    loop = jnp.arange(N, dtype=edge_index.dtype)
    src = jnp.concatenate([edge_index[0], loop])
    dst = jnp.concatenate([edge_index[1], loop])
    deg = jnp.zeros((N,), dtype=x.dtype).at[dst].add(1.0)
    dinv = jnp.where(deg > 0, jax.lax.rsqrt(deg), 0.0)
    norm = dinv[src] * dinv[dst]
    xw = x @ W
    msg = xw[src] * norm[:, None]
    out = jnp.zeros((N, W.shape[1]), dtype=x.dtype).at[dst].add(msg)
    return out + b


def reference(V, E, batch_ids, W1, b1, W2, b2, Wfc, bfc):
    h = jax.nn.relu(_gcn_conv(V, E, W1, b1))
    h = jax.nn.relu(_gcn_conv(h, E, W2, b2))
    sums = jax.ops.segment_sum(h, batch_ids, num_segments=N_GRAPHS)
    cnt = jax.ops.segment_sum(jnp.ones((h.shape[0], 1), dtype=h.dtype), batch_ids, num_segments=N_GRAPHS)
    G = sums / jnp.maximum(cnt, 1.0)
    return G @ Wfc.T + bfc

if __name__ == "__main__":
    import jax
    _d = setup_inputs()
    print(jax.jit(kernel)(*tuple(_d.values())))

</pallas_src>

<mosaic_0001>
#map = affine_map<(d0, d1) -> (0, 0)>
module attributes {stable_mosaic.version = 14 : i64} {
  func.func @_sc_deg(%arg0: i32, %arg1: i32, %arg2: memref<2560x128xi32, #tpu.memory_space<hbm>>, %arg3: memref<2x10240xf32, #tpu.memory_space<hbm>>, %arg4: memref<80x128xi32, #tpu.memory_space<vmem>>, %arg5: memref<128xf32, #tpu.memory_space<vmem>>, %arg6: memref<10240xf32, #tpu.memory_space<vmem_shared>>) attributes {dimension_semantics = [#tpu.dimension_semantics<core_parallel>, #tpu.dimension_semantics<subcore_parallel>], iteration_bounds = array<i64: 2, 16>, scalar_prefetch = 0 : i64, scratch_operands = 3 : i64, tpu.core_type = #tpu.core_type<sc_vector_subcore>, window_params = [{transform_indices = #map}, {transform_indices = #map}]} {
    %mul3A = arith.constant 16 : i32
    %mul3A_0 = arith.muli %arg0, %mul3A : i32
    %add3A = arith.addi %mul3A_0, %arg1 : i32
    %mul3A_1 = arith.constant 80 : i32
    %mul3A_2 = arith.muli %add3A, %mul3A_1 : i32
    "tpu.region"() ({
      %run_scoped3A = tpu.sem_alloc : memref<!tpu.dma_semaphore, #tpu.memory_space<semaphore_mem>>
      %dma_start3A = arith.constant 0 : i32
      %dma_start3A_53 = tpu.memref_slice %arg2[%mul3A_2, %dma_start3A] : memref<2560x128xi32, #tpu.memory_space<hbm>> -> memref<80x128xi32, #tpu.memory_space<hbm>>
      %dma_start3A_54 = arith.constant 0 : i32
      %dma_start3A_55 = tpu.memref_slice %arg2[%mul3A_2, %dma_start3A_54] : memref<2560x128xi32, #tpu.memory_space<hbm>> -> memref<80x128xi32, #tpu.memory_space<hbm>>
      tpu.enqueue_dma source(%dma_start3A_55 : memref<80x128xi32, #tpu.memory_space<hbm>>) target(%arg4 : memref<80x128xi32, #tpu.memory_space<vmem>>) target_semaphore(%run_scoped3A : memref<!tpu.dma_semaphore, #tpu.memory_space<semaphore_mem>>)
      %dma_wait3A = arith.constant 0 : i32
      %dma_wait3A_56 = tpu.memref_slice %arg2[%mul3A_2, %dma_wait3A] : memref<2560x128xi32, #tpu.memory_space<hbm>> -> memref<80x128xi32, #tpu.memory_space<hbm>>
      %dma_wait3A_57 = arith.constant 0 : i32
      %dma_wait3A_58 = tpu.memref_slice %arg2[%mul3A_2, %dma_wait3A_57] : memref<2560x128xi32, #tpu.memory_space<hbm>> -> memref<80x128xi32, #tpu.memory_space<hbm>>
      tpu.wait_dma2 semaphore(%run_scoped3A : memref<!tpu.dma_semaphore, #tpu.memory_space<semaphore_mem>>) src(%dma_wait3A_58 : memref<80x128xi32, #tpu.memory_space<hbm>>) dst(%arg4 : memref<80x128xi32, #tpu.memory_space<vmem>>)
      tpu.yield
    }) : () -> ()
    %scan3A = arith.constant 0 : i32
    %scan3A_3 = arith.constant 0 : i32
    %scan3A_4 = arith.constant 8 : i32
    %scan3A_5 = arith.addi %scan3A_3, %scan3A_4 : i32
    %scan3A_6 = arith.constant 1 : i32
    scf.for %scan3A_53 = %scan3A_3 to %scan3A_5 step %scan3A_6  : i32 {
      %broadcast_in_dim3A = arith.constant 0.000000e+00 : f32
      %broadcast_in_dim3A_54 = vector.broadcast %broadcast_in_dim3A : f32 to vector<16xf32>
      %mul3A_55 = arith.constant 16 : i32
      %mul3A_56 = arith.muli %scan3A_53, %mul3A_55 : i32
      %swap3A = arith.index_cast %mul3A_56 : i32 to index
      %swap3A_57 = tpu.vector_load %arg5[%swap3A] {strides = array<i32>} : memref<128xf32, #tpu.memory_space<vmem>>, vector<16xf32>,
      %swap3A_58 = vector.shape_cast %swap3A_57 : vector<16xf32> to vector<16xf32>
      %swap3A_59 = vector.shape_cast %broadcast_in_dim3A_54 : vector<16xf32> to vector<16xf32>
      tpu.vector_store %arg5[%swap3A], %swap3A_59 {strides = array<i32>} : memref<128xf32, #tpu.memory_space<vmem>>, vector<16xf32>,
    }
    %scan3A_7 = arith.constant 8 : i32
    %mul3A_8 = arith.constant 640 : i32
    %mul3A_9 = arith.muli %arg1, %mul3A_8 : i32
    %add3A_10 = arith.constant 0 : i32
    %add3A_11 = arith.addi %mul3A_9, %add3A_10 : i32
    "tpu.region"() ({
      %run_scoped3A = tpu.sem_alloc : memref<!tpu.dma_semaphore, #tpu.memory_space<semaphore_mem>>
      %dma_start3A = tpu.memref_slice %arg6[%add3A_11] : memref<10240xf32, #tpu.memory_space<vmem_shared>> -> memref<128xf32, #tpu.memory_space<vmem_shared>>
      %dma_start3A_53 = tpu.memref_slice %arg6[%add3A_11] : memref<10240xf32, #tpu.memory_space<vmem_shared>> -> memref<128xf32, #tpu.memory_space<vmem_shared>>
      tpu.enqueue_dma source(%arg5 : memref<128xf32, #tpu.memory_space<vmem>>) target(%dma_start3A_53 : memref<128xf32, #tpu.memory_space<vmem_shared>>) target_semaphore(%run_scoped3A : memref<!tpu.dma_semaphore, #tpu.memory_space<semaphore_mem>>)
      %dma_wait3A = tpu.memref_slice %arg6[%add3A_11] : memref<10240xf32, #tpu.memory_space<vmem_shared>> -> memref<128xf32, #tpu.memory_space<vmem_shared>>
      %dma_wait3A_54 = tpu.memref_slice %arg6[%add3A_11] : memref<10240xf32, #tpu.memory_space<vmem_shared>> -> memref<128xf32, #tpu.memory_space<vmem_shared>>
      tpu.wait_dma2 semaphore(%run_scoped3A : memref<!tpu.dma_semaphore, #tpu.memory_space<semaphore_mem>>) src(%arg5 : memref<128xf32, #tpu.memory_space<vmem>>) dst(%dma_wait3A_54 : memref<128xf32, #tpu.memory_space<vmem_shared>>)
      tpu.yield
    }) : () -> ()
    %add3A_12 = arith.constant 128 : i32
    %add3A_13 = arith.addi %mul3A_9, %add3A_12 : i32
    "tpu.region"() ({
      %run_scoped3A = tpu.sem_alloc : memref<!tpu.dma_semaphore, #tpu.memory_space<semaphore_mem>>
      %dma_start3A = tpu.memref_slice %arg6[%add3A_13] : memref<10240xf32, #tpu.memory_space<vmem_shared>> -> memref<128xf32, #tpu.memory_space<vmem_shared>>
      %dma_start3A_53 = tpu.memref_slice %arg6[%add3A_13] : memref<10240xf32, #tpu.memory_space<vmem_shared>> -> memref<128xf32, #tpu.memory_space<vmem_shared>>
      tpu.enqueue_dma source(%arg5 : memref<128xf32, #tpu.memory_space<vmem>>) target(%dma_start3A_53 : memref<128xf32, #tpu.memory_space<vmem_shared>>) target_semaphore(%run_scoped3A : memref<!tpu.dma_semaphore, #tpu.memory_space<semaphore_mem>>)
      %dma_wait3A = tpu.memref_slice %arg6[%add3A_13] : memref<10240xf32, #tpu.memory_space<vmem_shared>> -> memref<128xf32, #tpu.memory_space<vmem_shared>>
      %dma_wait3A_54 = tpu.memref_slice %arg6[%add3A_13] : memref<10240xf32, #tpu.memory_space<vmem_shared>> -> memref<128xf32, #tpu.memory_space<vmem_shared>>
      tpu.wait_dma2 semaphore(%run_scoped3A : memref<!tpu.dma_semaphore, #tpu.memory_space<semaphore_mem>>) src(%arg5 : memref<128xf32, #tpu.memory_space<vmem>>) dst(%dma_wait3A_54 : memref<128xf32, #tpu.memory_space<vmem_shared>>)
      tpu.yield
    }) : () -> ()
    %add3A_14 = arith.constant 256 : i32
    %add3A_15 = arith.addi %mul3A_9, %add3A_14 : i32
    "tpu.region"() ({
      %run_scoped3A = tpu.sem_alloc : memref<!tpu.dma_semaphore, #tpu.memory_space<semaphore_mem>>
      %dma_start3A = tpu.memref_slice %arg6[%add3A_15] : memref<10240xf32, #tpu.memory_space<vmem_shared>> -> memref<128xf32, #tpu.memory_space<vmem_shared>>
      %dma_start3A_53 = tpu.memref_slice %arg6[%add3A_15] : memref<10240xf32, #tpu.memory_space<vmem_shared>> -> memref<128xf32, #tpu.memory_space<vmem_shared>>
      tpu.enqueue_dma source(%arg5 : memref<128xf32, #tpu.memory_space<vmem>>) target(%dma_start3A_53 : memref<128xf32, #tpu.memory_space<vmem_shared>>) target_semaphore(%run_scoped3A : memref<!tpu.dma_semaphore, #tpu.memory_space<semaphore_mem>>)
      %dma_wait3A = tpu.memref_slice %arg6[%add3A_15] : memref<10240xf32, #tpu.memory_space<vmem_shared>> -> memref<128xf32, #tpu.memory_space<vmem_shared>>
      %dma_wait3A_54 = tpu.memref_slice %arg6[%add3A_15] : memref<10240xf32, #tpu.memory_space<vmem_shared>> -> memref<128xf32, #tpu.memory_space<vmem_shared>>
      tpu.wait_dma2 semaphore(%run_scoped3A : memref<!tpu.dma_semaphore, #tpu.memory_space<semaphore_mem>>) src(%arg5 : memref<128xf32, #tpu.memory_space<vmem>>) dst(%dma_wait3A_54 : memref<128xf32, #tpu.memory_space<vmem_shared>>)
      tpu.yield
    }) : () -> ()
    %add3A_16 = arith.constant 384 : i32
    %add3A_17 = arith.addi %mul3A_9, %add3A_16 : i32
    "tpu.region"() ({
      %run_scoped3A = tpu.sem_alloc : memref<!tpu.dma_semaphore, #tpu.memory_space<semaphore_mem>>
      %dma_start3A = tpu.memref_slice %arg6[%add3A_17] : memref<10240xf32, #tpu.memory_space<vmem_shared>> -> memref<128xf32, #tpu.memory_space<vmem_shared>>
      %dma_start3A_53 = tpu.memref_slice %arg6[%add3A_17] : memref<10240xf32, #tpu.memory_space<vmem_shared>> -> memref<128xf32, #tpu.memory_space<vmem_shared>>
      tpu.enqueue_dma source(%arg5 : memref<128xf32, #tpu.memory_space<vmem>>) target(%dma_start3A_53 : memref<128xf32, #tpu.memory_space<vmem_shared>>) target_semaphore(%run_scoped3A : memref<!tpu.dma_semaphore, #tpu.memory_space<semaphore_mem>>)
      %dma_wait3A = tpu.memref_slice %arg6[%add3A_17] : memref<10240xf32, #tpu.memory_space<vmem_shared>> -> memref<128xf32, #tpu.memory_space<vmem_shared>>
      %dma_wait3A_54 = tpu.memref_slice %arg6[%add3A_17] : memref<10240xf32, #tpu.memory_space<vmem_shared>> -> memref<128xf32, #tpu.memory_space<vmem_shared>>
      tpu.wait_dma2 semaphore(%run_scoped3A : memref<!tpu.dma_semaphore, #tpu.memory_space<semaphore_mem>>) src(%arg5 : memref<128xf32, #tpu.memory_space<vmem>>) dst(%dma_wait3A_54 : memref<128xf32, #tpu.memory_space<vmem_shared>>)
      tpu.yield
    }) : () -> ()
    %add3A_18 = arith.constant 512 : i32
    %add3A_19 = arith.addi %mul3A_9, %add3A_18 : i32
    "tpu.region"() ({
      %run_scoped3A = tpu.sem_alloc : memref<!tpu.dma_semaphore, #tpu.memory_space<semaphore_mem>>
      %dma_start3A = tpu.memref_slice %arg6[%add3A_19] : memref<10240xf32, #tpu.memory_space<vmem_shared>> -> memref<128xf32, #tpu.memory_space<vmem_shared>>
      %dma_start3A_53 = tpu.memref_slice %arg6[%add3A_19] : memref<10240xf32, #tpu.memory_space<vmem_shared>> -> memref<128xf32, #tpu.memory_space<vmem_shared>>
      tpu.enqueue_dma source(%arg5 : memref<128xf32, #tpu.memory_space<vmem>>) target(%dma_start3A_53 : memref<128xf32, #tpu.memory_space<vmem_shared>>) target_semaphore(%run_scoped3A : memref<!tpu.dma_semaphore, #tpu.memory_space<semaphore_mem>>)
      %dma_wait3A = tpu.memref_slice %arg6[%add3A_19] : memref<10240xf32, #tpu.memory_space<vmem_shared>> -> memref<128xf32, #tpu.memory_space<vmem_shared>>
      %dma_wait3A_54 = tpu.memref_slice %arg6[%add3A_19] : memref<10240xf32, #tpu.memory_space<vmem_shared>> -> memref<128xf32, #tpu.memory_space<vmem_shared>>
      tpu.wait_dma2 semaphore(%run_scoped3A : memref<!tpu.dma_semaphore, #tpu.memory_space<semaphore_mem>>) src(%arg5 : memref<128xf32, #tpu.memory_space<vmem>>) dst(%dma_wait3A_54 : memref<128xf32, #tpu.memory_space<vmem_shared>>)
      tpu.yield
    }) : () -> ()
    %barrier3A = arith.constant 0 : index
    tpu.barrier barrier_id(%barrier3A)
    %scan3A_20 = arith.constant 0 : i32
    %scan3A_21 = arith.constant 0 : i32
    %scan3A_22 = arith.constant 8 : i32
    %scan3A_23 = arith.addi %scan3A_21, %scan3A_22 : i32
    %scan3A_24 = arith.constant 1 : i32
    scf.for %scan3A_53 = %scan3A_21 to %scan3A_23 step %scan3A_24  : i32 {
      %broadcast_in_dim3A = arith.constant 1.000000e+00 : f32
      %broadcast_in_dim3A_54 = vector.broadcast %broadcast_in_dim3A : f32 to vector<16xf32>
      %mul3A_55 = arith.constant 16 : i32
      %mul3A_56 = arith.muli %scan3A_53, %mul3A_55 : i32
      %swap3A = arith.index_cast %mul3A_56 : i32 to index
      %swap3A_57 = tpu.vector_load %arg5[%swap3A] {strides = array<i32>} : memref<128xf32, #tpu.memory_space<vmem>>, vector<16xf32>,
      %swap3A_58 = vector.shape_cast %swap3A_57 : vector<16xf32> to vector<16xf32>
      %swap3A_59 = vector.shape_cast %broadcast_in_dim3A_54 : vector<16xf32> to vector<16xf32>
      tpu.vector_store %arg5[%swap3A], %swap3A_59 {strides = array<i32>} : memref<128xf32, #tpu.memory_space<vmem>>, vector<16xf32>,
    }
    %scan3A_25 = arith.constant 8 : i32
    %scan3A_26 = arith.constant 0 : i32
    %scan3A_27 = arith.constant 0 : i32
    %scan3A_28 = arith.constant 80 : i32
    %scan3A_29 = arith.addi %scan3A_27, %scan3A_28 : i32
    %scan3A_30 = arith.constant 1 : i32
    scf.for %scan3A_53 = %scan3A_27 to %scan3A_29 step %scan3A_30  : i32 {
      "tpu.region"() ({
        %run_scoped3A = tpu.sem_alloc : memref<!tpu.dma_semaphore, #tpu.memory_space<semaphore_mem>>
        %dma_start3A = arith.constant 0 : i32
        %dma_start3A_54 = tpu.memref_slice %arg4[%scan3A_53, %dma_start3A] : memref<80x128xi32, #tpu.memory_space<vmem>> -> memref<1x128xi32, #tpu.memory_space<vmem>>
        %dma_start3A_55 = tpu.memref_squeeze %dma_start3A_54 : memref<1x128xi32, #tpu.memory_space<vmem>> -> memref<128xi32, #tpu.memory_space<vmem>>
        %dma_start3A_56 = arith.constant 0 : i32
        %dma_start3A_57 = tpu.memref_slice %arg6[%dma_start3A_56] : memref<10240xf32, #tpu.memory_space<vmem_shared>> -> memref<10240xf32, #tpu.memory_space<vmem_shared>>
        tpu.enqueue_indirect_dma source(%arg5 : memref<128xf32, #tpu.memory_space<vmem>>) target(%dma_start3A_57 : memref<10240xf32, #tpu.memory_space<vmem_shared>>) offsets(%dma_start3A_55 : memref<128xi32, #tpu.memory_space<vmem>>) semaphore(%run_scoped3A : memref<!tpu.dma_semaphore, #tpu.memory_space<semaphore_mem>>) {add = true}
        %dma_wait3A = arith.constant 0 : i32
        %dma_wait3A_58 = tpu.memref_slice %arg4[%scan3A_53, %dma_wait3A] : memref<80x128xi32, #tpu.memory_space<vmem>> -> memref<1x128xi32, #tpu.memory_space<vmem>>
        %dma_wait3A_59 = tpu.memref_squeeze %dma_wait3A_58 : memref<1x128xi32, #tpu.memory_space<vmem>> -> memref<128xi32, #tpu.memory_space<vmem>>
        %dma_wait3A_60 = arith.constant 0 : i32
        %dma_wait3A_61 = tpu.memref_slice %arg6[%dma_wait3A_60] : memref<10240xf32, #tpu.memory_space<vmem_shared>> -> memref<10240xf32, #tpu.memory_space<vmem_shared>>
        tpu.wait_indirect_dma semaphore(%run_scoped3A : memref<!tpu.dma_semaphore, #tpu.memory_space<semaphore_mem>>) src(%arg5 : memref<128xf32, #tpu.memory_space<vmem>>) dst(%dma_wait3A_61 : memref<10240xf32, #tpu.memory_space<vmem_shared>>)
        tpu.yield
      }) : () -> ()
    }
    %scan3A_31 = arith.constant 80 : i32
    %barrier3A_32 = arith.constant 0 : index
    tpu.barrier barrier_id(%barrier3A_32)
    %add3A_33 = arith.constant 0 : i32
    %add3A_34 = arith.addi %mul3A_9, %add3A_33 : i32
    "tpu.region"() ({
      %run_scoped3A = tpu.sem_alloc : memref<!tpu.dma_semaphore, #tpu.memory_space<semaphore_mem>>
      %dma_start3A = tpu.memref_slice %arg6[%add3A_34] : memref<10240xf32, #tpu.memory_space<vmem_shared>> -> memref<128xf32, #tpu.memory_space<vmem_shared>>
      %dma_start3A_53 = tpu.memref_slice %arg6[%add3A_34] : memref<10240xf32, #tpu.memory_space<vmem_shared>> -> memref<128xf32, #tpu.memory_space<vmem_shared>>
      tpu.enqueue_dma source(%dma_start3A_53 : memref<128xf32, #tpu.memory_space<vmem_shared>>) target(%arg5 : memref<128xf32, #tpu.memory_space<vmem>>) target_semaphore(%run_scoped3A : memref<!tpu.dma_semaphore, #tpu.memory_space<semaphore_mem>>)
      %dma_wait3A = tpu.memref_slice %arg6[%add3A_34] : memref<10240xf32, #tpu.memory_space<vmem_shared>> -> memref<128xf32, #tpu.memory_space<vmem_shared>>
      %dma_wait3A_54 = tpu.memref_slice %arg6[%add3A_34] : memref<10240xf32, #tpu.memory_space<vmem_shared>> -> memref<128xf32, #tpu.memory_space<vmem_shared>>
      tpu.wait_dma2 semaphore(%run_scoped3A : memref<!tpu.dma_semaphore, #tpu.memory_space<semaphore_mem>>) src(%dma_wait3A_54 : memref<128xf32, #tpu.memory_space<vmem_shared>>) dst(%arg5 : memref<128xf32, #tpu.memory_space<vmem>>)
      tpu.yield
    }) : () -> ()
    %add3A_35 = arith.constant 0 : i32
    %add3A_36 = arith.addi %mul3A_9, %add3A_35 : i32
    "tpu.region"() ({
      %run_scoped3A = tpu.sem_alloc : memref<!tpu.dma_semaphore, #tpu.memory_space<semaphore_mem>>
      %dma_start3A = tpu.memref_slice %arg3[%arg0, %add3A_36] : memref<2x10240xf32, #tpu.memory_space<hbm>> -> memref<1x128xf32, #tpu.memory_space<hbm>>
      %dma_start3A_53 = tpu.memref_squeeze %dma_start3A : memref<1x128xf32, #tpu.memory_space<hbm>> -> memref<128xf32, #tpu.memory_space<hbm>>
      %dma_start3A_54 = tpu.memref_slice %arg3[%arg0, %add3A_36] : memref<2x10240xf32, #tpu.memory_space<hbm>> -> memref<1x128xf32, #tpu.memory_space<hbm>>
      %dma_start3A_55 = tpu.memref_squeeze %dma_start3A_54 : memref<1x128xf32, #tpu.memory_space<hbm>> -> memref<128xf32, #tpu.memory_space<hbm>>
      tpu.enqueue_dma source(%arg5 : memref<128xf32, #tpu.memory_space<vmem>>) target(%dma_start3A_55 : memref<128xf32, #tpu.memory_space<hbm>>) target_semaphore(%run_scoped3A : memref<!tpu.dma_semaphore, #tpu.memory_space<semaphore_mem>>)
      %dma_wait3A = tpu.memref_slice %arg3[%arg0, %add3A_36] : memref<2x10240xf32, #tpu.memory_space<hbm>> -> memref<1x128xf32, #tpu.memory_space<hbm>>
      %dma_wait3A_56 = tpu.memref_squeeze %dma_wait3A : memref<1x128xf32, #tpu.memory_space<hbm>> -> memref<128xf32, #tpu.memory_space<hbm>>
      %dma_wait3A_57 = tpu.memref_slice %arg3[%arg0, %add3A_36] : memref<2x10240xf32, #tpu.memory_space<hbm>> -> memref<1x128xf32, #tpu.memory_space<hbm>>
      %dma_wait3A_58 = tpu.memref_squeeze %dma_wait3A_57 : memref<1x128xf32, #tpu.memory_space<hbm>> -> memref<128xf32, #tpu.memory_space<hbm>>
      tpu.wait_dma2 semaphore(%run_scoped3A : memref<!tpu.dma_semaphore, #tpu.memory_space<semaphore_mem>>) src(%arg5 : memref<128xf32, #tpu.memory_space<vmem>>) dst(%dma_wait3A_58 : memref<128xf32, #tpu.memory_space<hbm>>)
      tpu.yield
    }) : () -> ()
    %add3A_37 = arith.constant 128 : i32
    %add3A_38 = arith.addi %mul3A_9, %add3A_37 : i32
    "tpu.region"() ({
      %run_scoped3A = tpu.sem_alloc : memref<!tpu.dma_semaphore, #tpu.memory_space<semaphore_mem>>
      %dma_start3A = tpu.memref_slice %arg6[%add3A_38] : memref<10240xf32, #tpu.memory_space<vmem_shared>> -> memref<128xf32, #tpu.memory_space<vmem_shared>>
      %dma_start3A_53 = tpu.memref_slice %arg6[%add3A_38] : memref<10240xf32, #tpu.memory_space<vmem_shared>> -> memref<128xf32, #tpu.memory_space<vmem_shared>>
      tpu.enqueue_dma source(%dma_start3A_53 : memref<128xf32, #tpu.memory_space<vmem_shared>>) target(%arg5 : memref<128xf32, #tpu.memory_space<vmem>>) target_semaphore(%run_scoped3A : memref<!tpu.dma_semaphore, #tpu.memory_space<semaphore_mem>>)
      %dma_wait3A = tpu.memref_slice %arg6[%add3A_38] : memref<10240xf32, #tpu.memory_space<vmem_shared>> -> memref<128xf32, #tpu.memory_space<vmem_shared>>
      %dma_wait3A_54 = tpu.memref_slice %arg6[%add3A_38] : memref<10240xf32, #tpu.memory_space<vmem_shared>> -> memref<128xf32, #tpu.memory_space<vmem_shared>>
      tpu.wait_dma2 semaphore(%run_scoped3A : memref<!tpu.dma_semaphore, #tpu.memory_space<semaphore_mem>>) src(%dma_wait3A_54 : memref<128xf32, #tpu.memory_space<vmem_shared>>) dst(%arg5 : memref<128xf32, #tpu.memory_space<vmem>>)
      tpu.yield
    }) : () -> ()
    %add3A_39 = arith.constant 128 : i32
    %add3A_40 = arith.addi %mul3A_9, %add3A_39 : i32
    "tpu.region"() ({
      %run_scoped3A = tpu.sem_alloc : memref<!tpu.dma_semaphore, #tpu.memory_space<semaphore_mem>>
      %dma_start3A = tpu.memref_slice %arg3[%arg0, %add3A_40] : memref<2x10240xf32, #tpu.memory_space<hbm>> -> memref<1x128xf32, #tpu.memory_space<hbm>>
      %dma_start3A_53 = tpu.memref_squeeze %dma_start3A : memref<1x128xf32, #tpu.memory_space<hbm>> -> memref<128xf32, #tpu.memory_space<hbm>>
      %dma_start3A_54 = tpu.memref_slice %arg3[%arg0, %add3A_40] : memref<2x10240xf32, #tpu.memory_space<hbm>> -> memref<1x128xf32, #tpu.memory_space<hbm>>
      %dma_start3A_55 = tpu.memref_squeeze %dma_start3A_54 : memref<1x128xf32, #tpu.memory_space<hbm>> -> memref<128xf32, #tpu.memory_space<hbm>>
      tpu.enqueue_dma source(%arg5 : memref<128xf32, #tpu.memory_space<vmem>>) target(%dma_start3A_55 : memref<128xf32, #tpu.memory_space<hbm>>) target_semaphore(%run_scoped3A : memref<!tpu.dma_semaphore, #tpu.memory_space<semaphore_mem>>)
      %dma_wait3A = tpu.memref_slice %arg3[%arg0, %add3A_40] : memref<2x10240xf32, #tpu.memory_space<hbm>> -> memref<1x128xf32, #tpu.memory_space<hbm>>
      %dma_wait3A_56 = tpu.memref_squeeze %dma_wait3A : memref<1x128xf32, #tpu.memory_space<hbm>> -> memref<128xf32, #tpu.memory_space<hbm>>
      %dma_wait3A_57 = tpu.memref_slice %arg3[%arg0, %add3A_40] : memref<2x10240xf32, #tpu.memory_space<hbm>> -> memref<1x128xf32, #tpu.memory_space<hbm>>
      %dma_wait3A_58 = tpu.memref_squeeze %dma_wait3A_57 : memref<1x128xf32, #tpu.memory_space<hbm>> -> memref<128xf32, #tpu.memory_space<hbm>>
      tpu.wait_dma2 semaphore(%run_scoped3A : memref<!tpu.dma_semaphore, #tpu.memory_space<semaphore_mem>>) src(%arg5 : memref<128xf32, #tpu.memory_space<vmem>>) dst(%dma_wait3A_58 : memref<128xf32, #tpu.memory_space<hbm>>)
      tpu.yield
    }) : () -> ()
    %add3A_41 = arith.constant 256 : i32
    %add3A_42 = arith.addi %mul3A_9, %add3A_41 : i32
    "tpu.region"() ({
      %run_scoped3A = tpu.sem_alloc : memref<!tpu.dma_semaphore, #tpu.memory_space<semaphore_mem>>
      %dma_start3A = tpu.memref_slice %arg6[%add3A_42] : memref<10240xf32, #tpu.memory_space<vmem_shared>> -> memref<128xf32, #tpu.memory_space<vmem_shared>>
      %dma_start3A_53 = tpu.memref_slice %arg6[%add3A_42] : memref<10240xf32, #tpu.memory_space<vmem_shared>> -> memref<128xf32, #tpu.memory_space<vmem_shared>>
      tpu.enqueue_dma source(%dma_start3A_53 : memref<128xf32, #tpu.memory_space<vmem_shared>>) target(%arg5 : memref<128xf32, #tpu.memory_space<vmem>>) target_semaphore(%run_scoped3A : memref<!tpu.dma_semaphore, #tpu.memory_space<semaphore_mem>>)
      %dma_wait3A = tpu.memref_slice %arg6[%add3A_42] : memref<10240xf32, #tpu.memory_space<vmem_shared>> -> memref<128xf32, #tpu.memory_space<vmem_shared>>
      %dma_wait3A_54 = tpu.memref_slice %arg6[%add3A_42] : memref<10240xf32, #tpu.memory_space<vmem_shared>> -> memref<128xf32, #tpu.memory_space<vmem_shared>>
      tpu.wait_dma2 semaphore(%run_scoped3A : memref<!tpu.dma_semaphore, #tpu.memory_space<semaphore_mem>>) src(%dma_wait3A_54 : memref<128xf32, #tpu.memory_space<vmem_shared>>) dst(%arg5 : memref<128xf32, #tpu.memory_space<vmem>>)
      tpu.yield
    }) : () -> ()
    %add3A_43 = arith.constant 256 : i32
    %add3A_44 = arith.addi %mul3A_9, %add3A_43 : i32
    "tpu.region"() ({
      %run_scoped3A = tpu.sem_alloc : memref<!tpu.dma_semaphore, #tpu.memory_space<semaphore_mem>>
      %dma_start3A = tpu.memref_slice %arg3[%arg0, %add3A_44] : memref<2x10240xf32, #tpu.memory_space<hbm>> -> memref<1x128xf32, #tpu.memory_space<hbm>>
      %dma_start3A_53 = tpu.memref_squeeze %dma_start3A : memref<1x128xf32, #tpu.memory_space<hbm>> -> memref<128xf32, #tpu.memory_space<hbm>>
      %dma_start3A_54 = tpu.memref_slice %arg3[%arg0, %add3A_44] : memref<2x10240xf32, #tpu.memory_space<hbm>> -> memref<1x128xf32, #tpu.memory_space<hbm>>
      %dma_start3A_55 = tpu.memref_squeeze %dma_start3A_54 : memref<1x128xf32, #tpu.memory_space<hbm>> -> memref<128xf32, #tpu.memory_space<hbm>>
      tpu.enqueue_dma source(%arg5 : memref<128xf32, #tpu.memory_space<vmem>>) target(%dma_start3A_55 : memref<128xf32, #tpu.memory_space<hbm>>) target_semaphore(%run_scoped3A : memref<!tpu.dma_semaphore, #tpu.memory_space<semaphore_mem>>)
      %dma_wait3A = tpu.memref_slice %arg3[%arg0, %add3A_44] : memref<2x10240xf32, #tpu.memory_space<hbm>> -> memref<1x128xf32, #tpu.memory_space<hbm>>
      %dma_wait3A_56 = tpu.memref_squeeze %dma_wait3A : memref<1x128xf32, #tpu.memory_space<hbm>> -> memref<128xf32, #tpu.memory_space<hbm>>
      %dma_wait3A_57 = tpu.memref_slice %arg3[%arg0, %add3A_44] : memref<2x10240xf32, #tpu.memory_space<hbm>> -> memref<1x128xf32, #tpu.memory_space<hbm>>
      %dma_wait3A_58 = tpu.memref_squeeze %dma_wait3A_57 : memref<1x128xf32, #tpu.memory_space<hbm>> -> memref<128xf32, #tpu.memory_space<hbm>>
      tpu.wait_dma2 semaphore(%run_scoped3A : memref<!tpu.dma_semaphore, #tpu.memory_space<semaphore_mem>>) src(%arg5 : memref<128xf32, #tpu.memory_space<vmem>>) dst(%dma_wait3A_58 : memref<128xf32, #tpu.memory_space<hbm>>)
      tpu.yield
    }) : () -> ()
    %add3A_45 = arith.constant 384 : i32
    %add3A_46 = arith.addi %mul3A_9, %add3A_45 : i32
    "tpu.region"() ({
      %run_scoped3A = tpu.sem_alloc : memref<!tpu.dma_semaphore, #tpu.memory_space<semaphore_mem>>
      %dma_start3A = tpu.memref_slice %arg6[%add3A_46] : memref<10240xf32, #tpu.memory_space<vmem_shared>> -> memref<128xf32, #tpu.memory_space<vmem_shared>>
      %dma_start3A_53 = tpu.memref_slice %arg6[%add3A_46] : memref<10240xf32, #tpu.memory_space<vmem_shared>> -> memref<128xf32, #tpu.memory_space<vmem_shared>>
      tpu.enqueue_dma source(%dma_start3A_53 : memref<128xf32, #tpu.memory_space<vmem_shared>>) target(%arg5 : memref<128xf32, #tpu.memory_space<vmem>>) target_semaphore(%run_scoped3A : memref<!tpu.dma_semaphore, #tpu.memory_space<semaphore_mem>>)
      %dma_wait3A = tpu.memref_slice %arg6[%add3A_46] : memref<10240xf32, #tpu.memory_space<vmem_shared>> -> memref<128xf32, #tpu.memory_space<vmem_shared>>
      %dma_wait3A_54 = tpu.memref_slice %arg6[%add3A_46] : memref<10240xf32, #tpu.memory_space<vmem_shared>> -> memref<128xf32, #tpu.memory_space<vmem_shared>>
      tpu.wait_dma2 semaphore(%run_scoped3A : memref<!tpu.dma_semaphore, #tpu.memory_space<semaphore_mem>>) src(%dma_wait3A_54 : memref<128xf32, #tpu.memory_space<vmem_shared>>) dst(%arg5 : memref<128xf32, #tpu.memory_space<vmem>>)
      tpu.yield
    }) : () -> ()
    %add3A_47 = arith.constant 384 : i32
    %add3A_48 = arith.addi %mul3A_9, %add3A_47 : i32
    "tpu.region"() ({
      %run_scoped3A = tpu.sem_alloc : memref<!tpu.dma_semaphore, #tpu.memory_space<semaphore_mem>>
      %dma_start3A = tpu.memref_slice %arg3[%arg0, %add3A_48] : memref<2x10240xf32, #tpu.memory_space<hbm>> -> memref<1x128xf32, #tpu.memory_space<hbm>>
      %dma_start3A_53 = tpu.memref_squeeze %dma_start3A : memref<1x128xf32, #tpu.memory_space<hbm>> -> memref<128xf32, #tpu.memory_space<hbm>>
      %dma_start3A_54 = tpu.memref_slice %arg3[%arg0, %add3A_48] : memref<2x10240xf32, #tpu.memory_space<hbm>> -> memref<1x128xf32, #tpu.memory_space<hbm>>
      %dma_start3A_55 = tpu.memref_squeeze %dma_start3A_54 : memref<1x128xf32, #tpu.memory_space<hbm>> -> memref<128xf32, #tpu.memory_space<hbm>>
      tpu.enqueue_dma source(%arg5 : memref<128xf32, #tpu.memory_space<vmem>>) target(%dma_start3A_55 : memref<128xf32, #tpu.memory_space<hbm>>) target_semaphore(%run_scoped3A : memref<!tpu.dma_semaphore, #tpu.memory_space<semaphore_mem>>)
      %dma_wait3A = tpu.memref_slice %arg3[%arg0, %add3A_48] : memref<2x10240xf32, #tpu.memory_space<hbm>> -> memref<1x128xf32, #tpu.memory_space<hbm>>
      %dma_wait3A_56 = tpu.memref_squeeze %dma_wait3A : memref<1x128xf32, #tpu.memory_space<hbm>> -> memref<128xf32, #tpu.memory_space<hbm>>
      %dma_wait3A_57 = tpu.memref_slice %arg3[%arg0, %add3A_48] : memref<2x10240xf32, #tpu.memory_space<hbm>> -> memref<1x128xf32, #tpu.memory_space<hbm>>
      %dma_wait3A_58 = tpu.memref_squeeze %dma_wait3A_57 : memref<1x128xf32, #tpu.memory_space<hbm>> -> memref<128xf32, #tpu.memory_space<hbm>>
      tpu.wait_dma2 semaphore(%run_scoped3A : memref<!tpu.dma_semaphore, #tpu.memory_space<semaphore_mem>>) src(%arg5 : memref<128xf32, #tpu.memory_space<vmem>>) dst(%dma_wait3A_58 : memref<128xf32, #tpu.memory_space<hbm>>)
      tpu.yield
    }) : () -> ()
    %add3A_49 = arith.constant 512 : i32
    %add3A_50 = arith.addi %mul3A_9, %add3A_49 : i32
    "tpu.region"() ({
      %run_scoped3A = tpu.sem_alloc : memref<!tpu.dma_semaphore, #tpu.memory_space<semaphore_mem>>
      %dma_start3A = tpu.memref_slice %arg6[%add3A_50] : memref<10240xf32, #tpu.memory_space<vmem_shared>> -> memref<128xf32, #tpu.memory_space<vmem_shared>>
      %dma_start3A_53 = tpu.memref_slice %arg6[%add3A_50] : memref<10240xf32, #tpu.memory_space<vmem_shared>> -> memref<128xf32, #tpu.memory_space<vmem_shared>>
      tpu.enqueue_dma source(%dma_start3A_53 : memref<128xf32, #tpu.memory_space<vmem_shared>>) target(%arg5 : memref<128xf32, #tpu.memory_space<vmem>>) target_semaphore(%run_scoped3A : memref<!tpu.dma_semaphore, #tpu.memory_space<semaphore_mem>>)
      %dma_wait3A = tpu.memref_slice %arg6[%add3A_50] : memref<10240xf32, #tpu.memory_space<vmem_shared>> -> memref<128xf32, #tpu.memory_space<vmem_shared>>
      %dma_wait3A_54 = tpu.memref_slice %arg6[%add3A_50] : memref<10240xf32, #tpu.memory_space<vmem_shared>> -> memref<128xf32, #tpu.memory_space<vmem_shared>>
      tpu.wait_dma2 semaphore(%run_scoped3A : memref<!tpu.dma_semaphore, #tpu.memory_space<semaphore_mem>>) src(%dma_wait3A_54 : memref<128xf32, #tpu.memory_space<vmem_shared>>) dst(%arg5 : memref<128xf32, #tpu.memory_space<vmem>>)
      tpu.yield
    }) : () -> ()
    %add3A_51 = arith.constant 512 : i32
    %add3A_52 = arith.addi %mul3A_9, %add3A_51 : i32
    "tpu.region"() ({
      %run_scoped3A = tpu.sem_alloc : memref<!tpu.dma_semaphore, #tpu.memory_space<semaphore_mem>>
      %dma_start3A = tpu.memref_slice %arg3[%arg0, %add3A_52] : memref<2x10240xf32, #tpu.memory_space<hbm>> -> memref<1x128xf32, #tpu.memory_space<hbm>>
      %dma_start3A_53 = tpu.memref_squeeze %dma_start3A : memref<1x128xf32, #tpu.memory_space<hbm>> -> memref<128xf32, #tpu.memory_space<hbm>>
      %dma_start3A_54 = tpu.memref_slice %arg3[%arg0, %add3A_52] : memref<2x10240xf32, #tpu.memory_space<hbm>> -> memref<1x128xf32, #tpu.memory_space<hbm>>
      %dma_start3A_55 = tpu.memref_squeeze %dma_start3A_54 : memref<1x128xf32, #tpu.memory_space<hbm>> -> memref<128xf32, #tpu.memory_space<hbm>>
      tpu.enqueue_dma source(%arg5 : memref<128xf32, #tpu.memory_space<vmem>>) target(%dma_start3A_55 : memref<128xf32, #tpu.memory_space<hbm>>) target_semaphore(%run_scoped3A : memref<!tpu.dma_semaphore, #tpu.memory_space<semaphore_mem>>)
      %dma_wait3A = tpu.memref_slice %arg3[%arg0, %add3A_52] : memref<2x10240xf32, #tpu.memory_space<hbm>> -> memref<1x128xf32, #tpu.memory_space<hbm>>
      %dma_wait3A_56 = tpu.memref_squeeze %dma_wait3A : memref<1x128xf32, #tpu.memory_space<hbm>> -> memref<128xf32, #tpu.memory_space<hbm>>
      %dma_wait3A_57 = tpu.memref_slice %arg3[%arg0, %add3A_52] : memref<2x10240xf32, #tpu.memory_space<hbm>> -> memref<1x128xf32, #tpu.memory_space<hbm>>
      %dma_wait3A_58 = tpu.memref_squeeze %dma_wait3A_57 : memref<1x128xf32, #tpu.memory_space<hbm>> -> memref<128xf32, #tpu.memory_space<hbm>>
      tpu.wait_dma2 semaphore(%run_scoped3A : memref<!tpu.dma_semaphore, #tpu.memory_space<semaphore_mem>>) src(%arg5 : memref<128xf32, #tpu.memory_space<vmem>>) dst(%dma_wait3A_58 : memref<128xf32, #tpu.memory_space<hbm>>)
      tpu.yield
    }) : () -> ()
    return
  }
}

#map = affine_map<(d0, d1) -> (0, 0)>
#map1 = affine_map<(d0, d1) -> (0, 0, 0)>
module attributes {stable_mosaic.version = 14 : i64} {
  func.func @_sc_agg(%arg0: i32, %arg1: i32, %arg2: memref<10240x64xf32, #tpu.memory_space<hbm>>, %arg3: memref<2560x128xi32, #tpu.memory_space<hbm>>, %arg4: memref<2560x128xi32, #tpu.memory_space<hbm>>, %arg5: memref<2x10240x64xf32, #tpu.memory_space<hbm>>, %arg6: memref<80x128xi32, #tpu.memory_space<vmem>>, %arg7: memref<80x128xi32, #tpu.memory_space<vmem>>, %arg8: memref<128x64xf32, #tpu.memory_space<vmem>>, %arg9: memref<128x64xf32, #tpu.memory_space<vmem>>, %arg10: memref<10240x64xf32, #tpu.memory_space<vmem_shared>>, %arg11: memref<10240x64xf32, #tpu.memory_space<vmem_shared>>, %arg12: memref<!tpu.dma_semaphore, #tpu.memory_space<semaphore_mem>>, %arg13: memref<!tpu.dma_semaphore, #tpu.memory_space<semaphore_mem>>) attributes {dimension_semantics = [#tpu.dimension_semantics<core_parallel>, #tpu.dimension_semantics<subcore_parallel>], iteration_bounds = array<i64: 2, 16>, scalar_prefetch = 0 : i64, scratch_operands = 8 : i64, tpu.core_type = #tpu.core_type<sc_vector_subcore>, window_params = [{transform_indices = #map}, {transform_indices = #map}, {transform_indices = #map}, {transform_indices = #map1}]} {
    %mul3A = arith.constant 16 : i32
    %mul3A_0 = arith.muli %arg0, %mul3A : i32
    %add3A = arith.addi %mul3A_0, %arg1 : i32
    %mul3A_1 = arith.constant 80 : i32
    %mul3A_2 = arith.muli %add3A, %mul3A_1 : i32
    "tpu.region"() ({
      %run_scoped3A = tpu.sem_alloc : memref<!tpu.dma_semaphore, #tpu.memory_space<semaphore_mem>>
      %dma_start3A = arith.constant 0 : i32
      %dma_start3A_69 = tpu.memref_slice %arg3[%mul3A_2, %dma_start3A] : memref<2560x128xi32, #tpu.memory_space<hbm>> -> memref<80x128xi32, #tpu.memory_space<hbm>>
      %dma_start3A_70 = arith.constant 0 : i32
      %dma_start3A_71 = tpu.memref_slice %arg3[%mul3A_2, %dma_start3A_70] : memref<2560x128xi32, #tpu.memory_space<hbm>> -> memref<80x128xi32, #tpu.memory_space<hbm>>
      tpu.enqueue_dma source(%dma_start3A_71 : memref<80x128xi32, #tpu.memory_space<hbm>>) target(%arg6 : memref<80x128xi32, #tpu.memory_space<vmem>>) target_semaphore(%run_scoped3A : memref<!tpu.dma_semaphore, #tpu.memory_space<semaphore_mem>>)
      %dma_wait3A = arith.constant 0 : i32
      %dma_wait3A_72 = tpu.memref_slice %arg3[%mul3A_2, %dma_wait3A] : memref<2560x128xi32, #tpu.memory_space<hbm>> -> memref<80x128xi32, #tpu.memory_space<hbm>>
      %dma_wait3A_73 = arith.constant 0 : i32
      %dma_wait3A_74 = tpu.memref_slice %arg3[%mul3A_2, %dma_wait3A_73] : memref<2560x128xi32, #tpu.memory_space<hbm>> -> memref<80x128xi32, #tpu.memory_space<hbm>>
      tpu.wait_dma2 semaphore(%run_scoped3A : memref<!tpu.dma_semaphore, #tpu.memory_space<semaphore_mem>>) src(%dma_wait3A_74 : memref<80x128xi32, #tpu.memory_space<hbm>>) dst(%arg6 : memref<80x128xi32, #tpu.memory_space<vmem>>)
      tpu.yield
    }) : () -> ()
    %mul3A_3 = arith.constant 80 : i32
    %mul3A_4 = arith.muli %add3A, %mul3A_3 : i32
    "tpu.region"() ({
      %run_scoped3A = tpu.sem_alloc : memref<!tpu.dma_semaphore, #tpu.memory_space<semaphore_mem>>
      %dma_start3A = arith.constant 0 : i32
      %dma_start3A_69 = tpu.memref_slice %arg4[%mul3A_4, %dma_start3A] : memref<2560x128xi32, #tpu.memory_space<hbm>> -> memref<80x128xi32, #tpu.memory_space<hbm>>
      %dma_start3A_70 = arith.constant 0 : i32
      %dma_start3A_71 = tpu.memref_slice %arg4[%mul3A_4, %dma_start3A_70] : memref<2560x128xi32, #tpu.memory_space<hbm>> -> memref<80x128xi32, #tpu.memory_space<hbm>>
      tpu.enqueue_dma source(%dma_start3A_71 : memref<80x128xi32, #tpu.memory_space<hbm>>) target(%arg7 : memref<80x128xi32, #tpu.memory_space<vmem>>) target_semaphore(%run_scoped3A : memref<!tpu.dma_semaphore, #tpu.memory_space<semaphore_mem>>)
      %dma_wait3A = arith.constant 0 : i32
      %dma_wait3A_72 = tpu.memref_slice %arg4[%mul3A_4, %dma_wait3A] : memref<2560x128xi32, #tpu.memory_space<hbm>> -> memref<80x128xi32, #tpu.memory_space<hbm>>
      %dma_wait3A_73 = arith.constant 0 : i32
      %dma_wait3A_74 = tpu.memref_slice %arg4[%mul3A_4, %dma_wait3A_73] : memref<2560x128xi32, #tpu.memory_space<hbm>> -> memref<80x128xi32, #tpu.memory_space<hbm>>
      tpu.wait_dma2 semaphore(%run_scoped3A : memref<!tpu.dma_semaphore, #tpu.memory_space<semaphore_mem>>) src(%dma_wait3A_74 : memref<80x128xi32, #tpu.memory_space<hbm>>) dst(%arg7 : memref<80x128xi32, #tpu.memory_space<vmem>>)
      tpu.yield
    }) : () -> ()
    %scan3A = arith.constant 0 : i32
    %scan3A_5 = arith.constant 0 : i32
    %scan3A_6 = arith.constant 128 : i32
    %scan3A_7 = arith.addi %scan3A_5, %scan3A_6 : i32
    %scan3A_8 = arith.constant 1 : i32
    scf.for %scan3A_69 = %scan3A_5 to %scan3A_7 step %scan3A_8  : i32 {
      %broadcast_in_dim3A = arith.constant 0.000000e+00 : f32
      %broadcast_in_dim3A_70 = vector.broadcast %broadcast_in_dim3A : f32 to vector<16xf32>
      %swap3A = arith.index_cast %scan3A_69 : i32 to index
      %swap3A_71 = arith.constant 0 : index
      %swap3A_72 = tpu.vector_load %arg8[%swap3A, %swap3A_71] {strides = array<i32>} : memref<128x64xf32, #tpu.memory_space<vmem>>, vector<1x16xf32>,
      %swap3A_73 = vector.shape_cast %swap3A_72 : vector<1x16xf32> to vector<16xf32>
      %swap3A_74 = vector.shape_cast %broadcast_in_dim3A_70 : vector<16xf32> to vector<1x16xf32>
      tpu.vector_store %arg8[%swap3A, %swap3A_71], %swap3A_74 {strides = array<i32>} : memref<128x64xf32, #tpu.memory_space<vmem>>, vector<1x16xf32>,
      %broadcast_in_dim3A_75 = arith.constant 0.000000e+00 : f32
      %broadcast_in_dim3A_76 = vector.broadcast %broadcast_in_dim3A_75 : f32 to vector<16xf32>
      %swap3A_77 = arith.index_cast %scan3A_69 : i32 to index
      %swap3A_78 = arith.constant 16 : index
      %swap3A_79 = tpu.vector_load %arg8[%swap3A_77, %swap3A_78] {strides = array<i32>} : memref<128x64xf32, #tpu.memory_space<vmem>>, vector<1x16xf32>,
      %swap3A_80 = vector.shape_cast %swap3A_79 : vector<1x16xf32> to vector<16xf32>
      %swap3A_81 = vector.shape_cast %broadcast_in_dim3A_76 : vector<16xf32> to vector<1x16xf32>
      tpu.vector_store %arg8[%swap3A_77, %swap3A_78], %swap3A_81 {strides = array<i32>} : memref<128x64xf32, #tpu.memory_space<vmem>>, vector<1x16xf32>,
      %broadcast_in_dim3A_82 = arith.constant 0.000000e+00 : f32
      %broadcast_in_dim3A_83 = vector.broadcast %broadcast_in_dim3A_82 : f32 to vector<16xf32>
      %swap3A_84 = arith.index_cast %scan3A_69 : i32 to index
      %swap3A_85 = arith.constant 32 : index
      %swap3A_86 = tpu.vector_load %arg8[%swap3A_84, %swap3A_85] {strides = array<i32>} : memref<128x64xf32, #tpu.memory_space<vmem>>, vector<1x16xf32>,
      %swap3A_87 = vector.shape_cast %swap3A_86 : vector<1x16xf32> to vector<16xf32>
      %swap3A_88 = vector.shape_cast %broadcast_in_dim3A_83 : vector<16xf32> to vector<1x16xf32>
      tpu.vector_store %arg8[%swap3A_84, %swap3A_85], %swap3A_88 {strides = array<i32>} : memref<128x64xf32, #tpu.memory_space<vmem>>, vector<1x16xf32>,
      %broadcast_in_dim3A_89 = arith.constant 0.000000e+00 : f32
      %broadcast_in_dim3A_90 = vector.broadcast %broadcast_in_dim3A_89 : f32 to vector<16xf32>
      %swap3A_91 = arith.index_cast %scan3A_69 : i32 to index
      %swap3A_92 = arith.constant 48 : index
      %swap3A_93 = tpu.vector_load %arg8[%swap3A_91, %swap3A_92] {strides = array<i32>} : memref<128x64xf32, #tpu.memory_space<vmem>>, vector<1x16xf32>,
      %swap3A_94 = vector.shape_cast %swap3A_93 : vector<1x16xf32> to vector<16xf32>
      %swap3A_95 = vector.shape_cast %broadcast_in_dim3A_90 : vector<16xf32> to vector<1x16xf32>
      tpu.vector_store %arg8[%swap3A_91, %swap3A_92], %swap3A_95 {strides = array<i32>} : memref<128x64xf32, #tpu.memory_space<vmem>>, vector<1x16xf32>,
    }
    %scan3A_9 = arith.constant 128 : i32
    %mul3A_10 = arith.constant 640 : i32
    %mul3A_11 = arith.muli %arg1, %mul3A_10 : i32
    %add3A_12 = arith.constant 0 : i32
    %add3A_13 = arith.addi %mul3A_11, %add3A_12 : i32
    "tpu.region"() ({
      %run_scoped3A = tpu.sem_alloc : memref<!tpu.dma_semaphore, #tpu.memory_space<semaphore_mem>>
      %dma_start3A = arith.constant 0 : i32
      %dma_start3A_69 = tpu.memref_slice %arg11[%add3A_13, %dma_start3A] : memref<10240x64xf32, #tpu.memory_space<vmem_shared>> -> memref<128x64xf32, #tpu.memory_space<vmem_shared>>
      %dma_start3A_70 = arith.constant 0 : i32
      %dma_start3A_71 = tpu.memref_slice %arg11[%add3A_13, %dma_start3A_70] : memref<10240x64xf32, #tpu.memory_space<vmem_shared>> -> memref<128x64xf32, #tpu.memory_space<vmem_shared>>
      tpu.enqueue_dma source(%arg8 : memref<128x64xf32, #tpu.memory_space<vmem>>) target(%dma_start3A_71 : memref<128x64xf32, #tpu.memory_space<vmem_shared>>) target_semaphore(%run_scoped3A : memref<!tpu.dma_semaphore, #tpu.memory_space<semaphore_mem>>)
      %dma_wait3A = arith.constant 0 : i32
      %dma_wait3A_72 = tpu.memref_slice %arg11[%add3A_13, %dma_wait3A] : memref<10240x64xf32, #tpu.memory_space<vmem_shared>> -> memref<128x64xf32, #tpu.memory_space<vmem_shared>>
      %dma_wait3A_73 = arith.constant 0 : i32
      %dma_wait3A_74 = tpu.memref_slice %arg11[%add3A_13, %dma_wait3A_73] : memref<10240x64xf32, #tpu.memory_space<vmem_shared>> -> memref<128x64xf32, #tpu.memory_space<vmem_shared>>
      tpu.wait_dma2 semaphore(%run_scoped3A : memref<!tpu.dma_semaphore, #tpu.memory_space<semaphore_mem>>) src(%arg8 : memref<128x64xf32, #tpu.memory_space<vmem>>) dst(%dma_wait3A_74 : memref<128x64xf32, #tpu.memory_space<vmem_shared>>)
      tpu.yield
    }) : () -> ()
    %add3A_14 = arith.constant 0 : i32
    %add3A_15 = arith.addi %mul3A_11, %add3A_14 : i32
    "tpu.region"() ({
      %run_scoped3A = tpu.sem_alloc : memref<!tpu.dma_semaphore, #tpu.memory_space<semaphore_mem>>
      %dma_start3A = arith.constant 0 : i32
      %dma_start3A_69 = tpu.memref_slice %arg2[%add3A_15, %dma_start3A] : memref<10240x64xf32, #tpu.memory_space<hbm>> -> memref<128x64xf32, #tpu.memory_space<hbm>>
      %dma_start3A_70 = arith.constant 0 : i32
      %dma_start3A_71 = tpu.memref_slice %arg2[%add3A_15, %dma_start3A_70] : memref<10240x64xf32, #tpu.memory_space<hbm>> -> memref<128x64xf32, #tpu.memory_space<hbm>>
      tpu.enqueue_dma source(%dma_start3A_71 : memref<128x64xf32, #tpu.memory_space<hbm>>) target(%arg9 : memref<128x64xf32, #tpu.memory_space<vmem>>) target_semaphore(%run_scoped3A : memref<!tpu.dma_semaphore, #tpu.memory_space<semaphore_mem>>)
      %dma_wait3A = arith.constant 0 : i32
      %dma_wait3A_72 = tpu.memref_slice %arg2[%add3A_15, %dma_wait3A] : memref<10240x64xf32, #tpu.memory_space<hbm>> -> memref<128x64xf32, #tpu.memory_space<hbm>>
      %dma_wait3A_73 = arith.constant 0 : i32
      %dma_wait3A_74 = tpu.memref_slice %arg2[%add3A_15, %dma_wait3A_73] : memref<10240x64xf32, #tpu.memory_space<hbm>> -> memref<128x64xf32, #tpu.memory_space<hbm>>
      tpu.wait_dma2 semaphore(%run_scoped3A : memref<!tpu.dma_semaphore, #tpu.memory_space<semaphore_mem>>) src(%dma_wait3A_74 : memref<128x64xf32, #tpu.memory_space<hbm>>) dst(%arg9 : memref<128x64xf32, #tpu.memory_space<vmem>>)
      tpu.yield
    }) : () -> ()
    %add3A_16 = arith.constant 0 : i32
    %add3A_17 = arith.addi %mul3A_11, %add3A_16 : i32
    "tpu.region"() ({
      %run_scoped3A = tpu.sem_alloc : memref<!tpu.dma_semaphore, #tpu.memory_space<semaphore_mem>>
      %dma_start3A = arith.constant 0 : i32
      %dma_start3A_69 = tpu.memref_slice %arg10[%add3A_17, %dma_start3A] : memref<10240x64xf32, #tpu.memory_space<vmem_shared>> -> memref<128x64xf32, #tpu.memory_space<vmem_shared>>
      %dma_start3A_70 = arith.constant 0 : i32
      %dma_start3A_71 = tpu.memref_slice %arg10[%add3A_17, %dma_start3A_70] : memref<10240x64xf32, #tpu.memory_space<vmem_shared>> -> memref<128x64xf32, #tpu.memory_space<vmem_shared>>
      tpu.enqueue_dma source(%arg9 : memref<128x64xf32, #tpu.memory_space<vmem>>) target(%dma_start3A_71 : memref<128x64xf32, #tpu.memory_space<vmem_shared>>) target_semaphore(%run_scoped3A : memref<!tpu.dma_semaphore, #tpu.memory_space<semaphore_mem>>)
      %dma_wait3A = arith.constant 0 : i32
      %dma_wait3A_72 = tpu.memref_slice %arg10[%add3A_17, %dma_wait3A] : memref<10240x64xf32, #tpu.memory_space<vmem_shared>> -> memref<128x64xf32, #tpu.memory_space<vmem_shared>>
      %dma_wait3A_73 = arith.constant 0 : i32
      %dma_wait3A_74 = tpu.memref_slice %arg10[%add3A_17, %dma_wait3A_73] : memref<10240x64xf32, #tpu.memory_space<vmem_shared>> -> memref<128x64xf32, #tpu.memory_space<vmem_shared>>
      tpu.wait_dma2 semaphore(%run_scoped3A : memref<!tpu.dma_semaphore, #tpu.memory_space<semaphore_mem>>) src(%arg9 : memref<128x64xf32, #tpu.memory_space<vmem>>) dst(%dma_wait3A_74 : memref<128x64xf32, #tpu.memory_space<vmem_shared>>)
      tpu.yield
    }) : () -> ()
    %add3A_18 = arith.constant 128 : i32
    %add3A_19 = arith.addi %mul3A_11, %add3A_18 : i32
    "tpu.region"() ({
      %run_scoped3A = tpu.sem_alloc : memref<!tpu.dma_semaphore, #tpu.memory_space<semaphore_mem>>
      %dma_start3A = arith.constant 0 : i32
      %dma_start3A_69 = tpu.memref_slice %arg11[%add3A_19, %dma_start3A] : memref<10240x64xf32, #tpu.memory_space<vmem_shared>> -> memref<128x64xf32, #tpu.memory_space<vmem_shared>>
      %dma_start3A_70 = arith.constant 0 : i32
      %dma_start3A_71 = tpu.memref_slice %arg11[%add3A_19, %dma_start3A_70] : memref<10240x64xf32, #tpu.memory_space<vmem_shared>> -> memref<128x64xf32, #tpu.memory_space<vmem_shared>>
      tpu.enqueue_dma source(%arg8 : memref<128x64xf32, #tpu.memory_space<vmem>>) target(%dma_start3A_71 : memref<128x64xf32, #tpu.memory_space<vmem_shared>>) target_semaphore(%run_scoped3A : memref<!tpu.dma_semaphore, #tpu.memory_space<semaphore_mem>>)
      %dma_wait3A = arith.constant 0 : i32
      %dma_wait3A_72 = tpu.memref_slice %arg11[%add3A_19, %dma_wait3A] : memref<10240x64xf32, #tpu.memory_space<vmem_shared>> -> memref<128x64xf32, #tpu.memory_space<vmem_shared>>
      %dma_wait3A_73 = arith.constant 0 : i32
      %dma_wait3A_74 = tpu.memref_slice %arg11[%add3A_19, %dma_wait3A_73] : memref<10240x64xf32, #tpu.memory_space<vmem_shared>> -> memref<128x64xf32, #tpu.memory_space<vmem_shared>>
      tpu.wait_dma2 semaphore(%run_scoped3A : memref<!tpu.dma_semaphore, #tpu.memory_space<semaphore_mem>>) src(%arg8 : memref<128x64xf32, #tpu.memory_space<vmem>>) dst(%dma_wait3A_74 : memref<128x64xf32, #tpu.memory_space<vmem_shared>>)
      tpu.yield
    }) : () -> ()
    %add3A_20 = arith.constant 128 : i32
    %add3A_21 = arith.addi %mul3A_11, %add3A_20 : i32
    "tpu.region"() ({
      %run_scoped3A = tpu.sem_alloc : memref<!tpu.dma_semaphore, #tpu.memory_space<semaphore_mem>>
      %dma_start3A = arith.constant 0 : i32
      %dma_start3A_69 = tpu.memref_slice %arg2[%add3A_21, %dma_start3A] : memref<10240x64xf32, #tpu.memory_space<hbm>> -> memref<128x64xf32, #tpu.memory_space<hbm>>
      %dma_start3A_70 = arith.constant 0 : i32
      %dma_start3A_71 = tpu.memref_slice %arg2[%add3A_21, %dma_start3A_70] : memref<10240x64xf32, #tpu.memory_space<hbm>> -> memref<128x64xf32, #tpu.memory_space<hbm>>
      tpu.enqueue_dma source(%dma_start3A_71 : memref<128x64xf32, #tpu.memory_space<hbm>>) target(%arg9 : memref<128x64xf32, #tpu.memory_space<vmem>>) target_semaphore(%run_scoped3A : memref<!tpu.dma_semaphore, #tpu.memory_space<semaphore_mem>>)
      %dma_wait3A = arith.constant 0 : i32
      %dma_wait3A_72 = tpu.memref_slice %arg2[%add3A_21, %dma_wait3A] : memref<10240x64xf32, #tpu.memory_space<hbm>> -> memref<128x64xf32, #tpu.memory_space<hbm>>
      %dma_wait3A_73 = arith.constant 0 : i32
      %dma_wait3A_74 = tpu.memref_slice %arg2[%add3A_21, %dma_wait3A_73] : memref<10240x64xf32, #tpu.memory_space<hbm>> -> memref<128x64xf32, #tpu.memory_space<hbm>>
      tpu.wait_dma2 semaphore(%run_scoped3A : memref<!tpu.dma_semaphore, #tpu.memory_space<semaphore_mem>>) src(%dma_wait3A_74 : memref<128x64xf32, #tpu.memory_space<hbm>>) dst(%arg9 : memref<128x64xf32, #tpu.memory_space<vmem>>)
      tpu.yield
    }) : () -> ()
    %add3A_22 = arith.constant 128 : i32
    %add3A_23 = arith.addi %mul3A_11, %add3A_22 : i32
    "tpu.region"() ({
      %run_scoped3A = tpu.sem_alloc : memref<!tpu.dma_semaphore, #tpu.memory_space<semaphore_mem>>
      %dma_start3A = arith.constant 0 : i32
      %dma_start3A_69 = tpu.memref_slice %arg10[%add3A_23, %dma_start3A] : memref<10240x64xf32, #tpu.memory_space<vmem_shared>> -> memref<128x64xf32, #tpu.memory_space<vmem_shared>>
      %dma_start3A_70 = arith.constant 0 : i32
      %dma_start3A_71 = tpu.memref_slice %arg10[%add3A_23, %dma_start3A_70] : memref<10240x64xf32, #tpu.memory_space<vmem_shared>> -> memref<128x64xf32, #tpu.memory_space<vmem_shared>>
      tpu.enqueue_dma source(%arg9 : memref<128x64xf32, #tpu.memory_space<vmem>>) target(%dma_start3A_71 : memref<128x64xf32, #tpu.memory_space<vmem_shared>>) target_semaphore(%run_scoped3A : memref<!tpu.dma_semaphore, #tpu.memory_space<semaphore_mem>>)
      %dma_wait3A = arith.constant 0 : i32
      %dma_wait3A_72 = tpu.memref_slice %arg10[%add3A_23, %dma_wait3A] : memref<10240x64xf32, #tpu.memory_space<vmem_shared>> -> memref<128x64xf32, #tpu.memory_space<vmem_shared>>
      %dma_wait3A_73 = arith.constant 0 : i32
      %dma_wait3A_74 = tpu.memref_slice %arg10[%add3A_23, %dma_wait3A_73] : memref<10240x64xf32, #tpu.memory_space<vmem_shared>> -> memref<128x64xf32, #tpu.memory_space<vmem_shared>>
      tpu.wait_dma2 semaphore(%run_scoped3A : memref<!tpu.dma_semaphore, #tpu.memory_space<semaphore_mem>>) src(%arg9 : memref<128x64xf32, #tpu.memory_space<vmem>>) dst(%dma_wait3A_74 : memref<128x64xf32, #tpu.memory_space<vmem_shared>>)
      tpu.yield
    }) : () -> ()
    %add3A_24 = arith.constant 256 : i32
    %add3A_25 = arith.addi %mul3A_11, %add3A_24 : i32
    "tpu.region"() ({
      %run_scoped3A = tpu.sem_alloc : memref<!tpu.dma_semaphore, #tpu.memory_space<semaphore_mem>>
      %dma_start3A = arith.constant 0 : i32
      %dma_start3A_69 = tpu.memref_slice %arg11[%add3A_25, %dma_start3A] : memref<10240x64xf32, #tpu.memory_space<vmem_shared>> -> memref<128x64xf32, #tpu.memory_space<vmem_shared>>
      %dma_start3A_70 = arith.constant 0 : i32
      %dma_start3A_71 = tpu.memref_slice %arg11[%add3A_25, %dma_start3A_70] : memref<10240x64xf32, #tpu.memory_space<vmem_shared>> -> memref<128x64xf32, #tpu.memory_space<vmem_shared>>
      tpu.enqueue_dma source(%arg8 : memref<128x64xf32, #tpu.memory_space<vmem>>) target(%dma_start3A_71 : memref<128x64xf32, #tpu.memory_space<vmem_shared>>) target_semaphore(%run_scoped3A : memref<!tpu.dma_semaphore, #tpu.memory_space<semaphore_mem>>)
      %dma_wait3A = arith.constant 0 : i32
      %dma_wait3A_72 = tpu.memref_slice %arg11[%add3A_25, %dma_wait3A] : memref<10240x64xf32, #tpu.memory_space<vmem_shared>> -> memref<128x64xf32, #tpu.memory_space<vmem_shared>>
      %dma_wait3A_73 = arith.constant 0 : i32
      %dma_wait3A_74 = tpu.memref_slice %arg11[%add3A_25, %dma_wait3A_73] : memref<10240x64xf32, #tpu.memory_space<vmem_shared>> -> memref<128x64xf32, #tpu.memory_space<vmem_shared>>
      tpu.wait_dma2 semaphore(%run_scoped3A : memref<!tpu.dma_semaphore, #tpu.memory_space<semaphore_mem>>) src(%arg8 : memref<128x64xf32, #tpu.memory_space<vmem>>) dst(%dma_wait3A_74 : memref<128x64xf32, #tpu.memory_space<vmem_shared>>)
      tpu.yield
    }) : () -> ()
    %add3A_26 = arith.constant 256 : i32
    %add3A_27 = arith.addi %mul3A_11, %add3A_26 : i32
    "tpu.region"() ({
      %run_scoped3A = tpu.sem_alloc : memref<!tpu.dma_semaphore, #tpu.memory_space<semaphore_mem>>
      %dma_start3A = arith.constant 0 : i32
      %dma_start3A_69 = tpu.memref_slice %arg2[%add3A_27, %dma_start3A] : memref<10240x64xf32, #tpu.memory_space<hbm>> -> memref<128x64xf32, #tpu.memory_space<hbm>>
      %dma_start3A_70 = arith.constant 0 : i32
      %dma_start3A_71 = tpu.memref_slice %arg2[%add3A_27, %dma_start3A_70] : memref<10240x64xf32, #tpu.memory_space<hbm>> -> memref<128x64xf32, #tpu.memory_space<hbm>>
      tpu.enqueue_dma source(%dma_start3A_71 : memref<128x64xf32, #tpu.memory_space<hbm>>) target(%arg9 : memref<128x64xf32, #tpu.memory_space<vmem>>) target_semaphore(%run_scoped3A : memref<!tpu.dma_semaphore, #tpu.memory_space<semaphore_mem>>)
      %dma_wait3A = arith.constant 0 : i32
      %dma_wait3A_72 = tpu.memref_slice %arg2[%add3A_27, %dma_wait3A] : memref<10240x64xf32, #tpu.memory_space<hbm>> -> memref<128x64xf32, #tpu.memory_space<hbm>>
      %dma_wait3A_73 = arith.constant 0 : i32
      %dma_wait3A_74 = tpu.memref_slice %arg2[%add3A_27, %dma_wait3A_73] : memref<10240x64xf32, #tpu.memory_space<hbm>> -> memref<128x64xf32, #tpu.memory_space<hbm>>
      tpu.wait_dma2 semaphore(%run_scoped3A : memref<!tpu.dma_semaphore, #tpu.memory_space<semaphore_mem>>) src(%dma_wait3A_74 : memref<128x64xf32, #tpu.memory_space<hbm>>) dst(%arg9 : memref<128x64xf32, #tpu.memory_space<vmem>>)
      tpu.yield
    }) : () -> ()
    %add3A_28 = arith.constant 256 : i32
    %add3A_29 = arith.addi %mul3A_11, %add3A_28 : i32
    "tpu.region"() ({
      %run_scoped3A = tpu.sem_alloc : memref<!tpu.dma_semaphore, #tpu.memory_space<semaphore_mem>>
      %dma_start3A = arith.constant 0 : i32
      %dma_start3A_69 = tpu.memref_slice %arg10[%add3A_29, %dma_start3A] : memref<10240x64xf32, #tpu.memory_space<vmem_shared>> -> memref<128x64xf32, #tpu.memory_space<vmem_shared>>
      %dma_start3A_70 = arith.constant 0 : i32
      %dma_start3A_71 = tpu.memref_slice %arg10[%add3A_29, %dma_start3A_70] : memref<10240x64xf32, #tpu.memory_space<vmem_shared>> -> memref<128x64xf32, #tpu.memory_space<vmem_shared>>
      tpu.enqueue_dma source(%arg9 : memref<128x64xf32, #tpu.memory_space<vmem>>) target(%dma_start3A_71 : memref<128x64xf32, #tpu.memory_space<vmem_shared>>) target_semaphore(%run_scoped3A : memref<!tpu.dma_semaphore, #tpu.memory_space<semaphore_mem>>)
      %dma_wait3A = arith.constant 0 : i32
      %dma_wait3A_72 = tpu.memref_slice %arg10[%add3A_29, %dma_wait3A] : memref<10240x64xf32, #tpu.memory_space<vmem_shared>> -> memref<128x64xf32, #tpu.memory_space<vmem_shared>>
      %dma_wait3A_73 = arith.constant 0 : i32
      %dma_wait3A_74 = tpu.memref_slice %arg10[%add3A_29, %dma_wait3A_73] : memref<10240x64xf32, #tpu.memory_space<vmem_shared>> -> memref<128x64xf32, #tpu.memory_space<vmem_shared>>
      tpu.wait_dma2 semaphore(%run_scoped3A : memref<!tpu.dma_semaphore, #tpu.memory_space<semaphore_mem>>) src(%arg9 : memref<128x64xf32, #tpu.memory_space<vmem>>) dst(%dma_wait3A_74 : memref<128x64xf32, #tpu.memory_space<vmem_shared>>)
      tpu.yield
    }) : () -> ()
    %add3A_30 = arith.constant 384 : i32
    %add3A_31 = arith.addi %mul3A_11, %add3A_30 : i32
    "tpu.region"() ({
      %run_scoped3A = tpu.sem_alloc : memref<!tpu.dma_semaphore, #tpu.memory_space<semaphore_mem>>
      %dma_start3A = arith.constant 0 : i32
      %dma_start3A_69 = tpu.memref_slice %arg11[%add3A_31, %dma_start3A] : memref<10240x64xf32, #tpu.memory_space<vmem_shared>> -> memref<128x64xf32, #tpu.memory_space<vmem_shared>>
      %dma_start3A_70 = arith.constant 0 : i32
      %dma_start3A_71 = tpu.memref_slice %arg11[%add3A_31, %dma_start3A_70] : memref<10240x64xf32, #tpu.memory_space<vmem_shared>> -> memref<128x64xf32, #tpu.memory_space<vmem_shared>>
      tpu.enqueue_dma source(%arg8 : memref<128x64xf32, #tpu.memory_space<vmem>>) target(%dma_start3A_71 : memref<128x64xf32, #tpu.memory_space<vmem_shared>>) target_semaphore(%run_scoped3A : memref<!tpu.dma_semaphore, #tpu.memory_space<semaphore_mem>>)
      %dma_wait3A = arith.constant 0 : i32
      %dma_wait3A_72 = tpu.memref_slice %arg11[%add3A_31, %dma_wait3A] : memref<10240x64xf32, #tpu.memory_space<vmem_shared>> -> memref<128x64xf32, #tpu.memory_space<vmem_shared>>
      %dma_wait3A_73 = arith.constant 0 : i32
      %dma_wait3A_74 = tpu.memref_slice %arg11[%add3A_31, %dma_wait3A_73] : memref<10240x64xf32, #tpu.memory_space<vmem_shared>> -> memref<128x64xf32, #tpu.memory_space<vmem_shared>>
      tpu.wait_dma2 semaphore(%run_scoped3A : memref<!tpu.dma_semaphore, #tpu.memory_space<semaphore_mem>>) src(%arg8 : memref<128x64xf32, #tpu.memory_space<vmem>>) dst(%dma_wait3A_74 : memref<128x64xf32, #tpu.memory_space<vmem_shared>>)
      tpu.yield
    }) : () -> ()
    %add3A_32 = arith.constant 384 : i32
    %add3A_33 = arith.addi %mul3A_11, %add3A_32 : i32
    "tpu.region"() ({
      %run_scoped3A = tpu.sem_alloc : memref<!tpu.dma_semaphore, #tpu.memory_space<semaphore_mem>>
      %dma_start3A = arith.constant 0 : i32
      %dma_start3A_69 = tpu.memref_slice %arg2[%add3A_33, %dma_start3A] : memref<10240x64xf32, #tpu.memory_space<hbm>> -> memref<128x64xf32, #tpu.memory_space<hbm>>
      %dma_start3A_70 = arith.constant 0 : i32
      %dma_start3A_71 = tpu.memref_slice %arg2[%add3A_33, %dma_start3A_70] : memref<10240x64xf32, #tpu.memory_space<hbm>> -> memref<128x64xf32, #tpu.memory_space<hbm>>
      tpu.enqueue_dma source(%dma_start3A_71 : memref<128x64xf32, #tpu.memory_space<hbm>>) target(%arg9 : memref<128x64xf32, #tpu.memory_space<vmem>>) target_semaphore(%run_scoped3A : memref<!tpu.dma_semaphore, #tpu.memory_space<semaphore_mem>>)
      %dma_wait3A = arith.constant 0 : i32
      %dma_wait3A_72 = tpu.memref_slice %arg2[%add3A_33, %dma_wait3A] : memref<10240x64xf32, #tpu.memory_space<hbm>> -> memref<128x64xf32, #tpu.memory_space<hbm>>
      %dma_wait3A_73 = arith.constant 0 : i32
      %dma_wait3A_74 = tpu.memref_slice %arg2[%add3A_33, %dma_wait3A_73] : memref<10240x64xf32, #tpu.memory_space<hbm>> -> memref<128x64xf32, #tpu.memory_space<hbm>>
      tpu.wait_dma2 semaphore(%run_scoped3A : memref<!tpu.dma_semaphore, #tpu.memory_space<semaphore_mem>>) src(%dma_wait3A_74 : memref<128x64xf32, #tpu.memory_space<hbm>>) dst(%arg9 : memref<128x64xf32, #tpu.memory_space<vmem>>)
      tpu.yield
    }) : () -> ()
    %add3A_34 = arith.constant 384 : i32
    %add3A_35 = arith.addi %mul3A_11, %add3A_34 : i32
    "tpu.region"() ({
      %run_scoped3A = tpu.sem_alloc : memref<!tpu.dma_semaphore, #tpu.memory_space<semaphore_mem>>
      %dma_start3A = arith.constant 0 : i32
      %dma_start3A_69 = tpu.memref_slice %arg10[%add3A_35, %dma_start3A] : memref<10240x64xf32, #tpu.memory_space<vmem_shared>> -> memref<128x64xf32, #tpu.memory_space<vmem_shared>>
      %dma_start3A_70 = arith.constant 0 : i32
      %dma_start3A_71 = tpu.memref_slice %arg10[%add3A_35, %dma_start3A_70] : memref<10240x64xf32, #tpu.memory_space<vmem_shared>> -> memref<128x64xf32, #tpu.memory_space<vmem_shared>>
      tpu.enqueue_dma source(%arg9 : memref<128x64xf32, #tpu.memory_space<vmem>>) target(%dma_start3A_71 : memref<128x64xf32, #tpu.memory_space<vmem_shared>>) target_semaphore(%run_scoped3A : memref<!tpu.dma_semaphore, #tpu.memory_space<semaphore_mem>>)
      %dma_wait3A = arith.constant 0 : i32
      %dma_wait3A_72 = tpu.memref_slice %arg10[%add3A_35, %dma_wait3A] : memref<10240x64xf32, #tpu.memory_space<vmem_shared>> -> memref<128x64xf32, #tpu.memory_space<vmem_shared>>
      %dma_wait3A_73 = arith.constant 0 : i32
      %dma_wait3A_74 = tpu.memref_slice %arg10[%add3A_35, %dma_wait3A_73] : memref<10240x64xf32, #tpu.memory_space<vmem_shared>> -> memref<128x64xf32, #tpu.memory_space<vmem_shared>>
      tpu.wait_dma2 semaphore(%run_scoped3A : memref<!tpu.dma_semaphore, #tpu.memory_space<semaphore_mem>>) src(%arg9 : memref<128x64xf32, #tpu.memory_space<vmem>>) dst(%dma_wait3A_74 : memref<128x64xf32, #tpu.memory_space<vmem_shared>>)
      tpu.yield
    }) : () -> ()
    %add3A_36 = arith.constant 512 : i32
    %add3A_37 = arith.addi %mul3A_11, %add3A_36 : i32
    "tpu.region"() ({
      %run_scoped3A = tpu.sem_alloc : memref<!tpu.dma_semaphore, #tpu.memory_space<semaphore_mem>>
      %dma_start3A = arith.constant 0 : i32
      %dma_start3A_69 = tpu.memref_slice %arg11[%add3A_37, %dma_start3A] : memref<10240x64xf32, #tpu.memory_space<vmem_shared>> -> memref<128x64xf32, #tpu.memory_space<vmem_shared>>
      %dma_start3A_70 = arith.constant 0 : i32
      %dma_start3A_71 = tpu.memref_slice %arg11[%add3A_37, %dma_start3A_70] : memref<10240x64xf32, #tpu.memory_space<vmem_shared>> -> memref<128x64xf32, #tpu.memory_space<vmem_shared>>
      tpu.enqueue_dma source(%arg8 : memref<128x64xf32, #tpu.memory_space<vmem>>) target(%dma_start3A_71 : memref<128x64xf32, #tpu.memory_space<vmem_shared>>) target_semaphore(%run_scoped3A : memref<!tpu.dma_semaphore, #tpu.memory_space<semaphore_mem>>)
      %dma_wait3A = arith.constant 0 : i32
      %dma_wait3A_72 = tpu.memref_slice %arg11[%add3A_37, %dma_wait3A] : memref<10240x64xf32, #tpu.memory_space<vmem_shared>> -> memref<128x64xf32, #tpu.memory_space<vmem_shared>>
      %dma_wait3A_73 = arith.constant 0 : i32
      %dma_wait3A_74 = tpu.memref_slice %arg11[%add3A_37, %dma_wait3A_73] : memref<10240x64xf32, #tpu.memory_space<vmem_shared>> -> memref<128x64xf32, #tpu.memory_space<vmem_shared>>
      tpu.wait_dma2 semaphore(%run_scoped3A : memref<!tpu.dma_semaphore, #tpu.memory_space<semaphore_mem>>) src(%arg8 : memref<128x64xf32, #tpu.memory_space<vmem>>) dst(%dma_wait3A_74 : memref<128x64xf32, #tpu.memory_space<vmem_shared>>)
      tpu.yield
    }) : () -> ()
    %add3A_38 = arith.constant 512 : i32
    %add3A_39 = arith.addi %mul3A_11, %add3A_38 : i32
    "tpu.region"() ({
      %run_scoped3A = tpu.sem_alloc : memref<!tpu.dma_semaphore, #tpu.memory_space<semaphore_mem>>
      %dma_start3A = arith.constant 0 : i32
      %dma_start3A_69 = tpu.memref_slice %arg2[%add3A_39, %dma_start3A] : memref<10240x64xf32, #tpu.memory_space<hbm>> -> memref<128x64xf32, #tpu.memory_space<hbm>>
      %dma_start3A_70 = arith.constant 0 : i32
      %dma_start3A_71 = tpu.memref_slice %arg2[%add3A_39, %dma_start3A_70] : memref<10240x64xf32, #tpu.memory_space<hbm>> -> memref<128x64xf32, #tpu.memory_space<hbm>>
      tpu.enqueue_dma source(%dma_start3A_71 : memref<128x64xf32, #tpu.memory_space<hbm>>) target(%arg9 : memref<128x64xf32, #tpu.memory_space<vmem>>) target_semaphore(%run_scoped3A : memref<!tpu.dma_semaphore, #tpu.memory_space<semaphore_mem>>)
      %dma_wait3A = arith.constant 0 : i32
      %dma_wait3A_72 = tpu.memref_slice %arg2[%add3A_39, %dma_wait3A] : memref<10240x64xf32, #tpu.memory_space<hbm>> -> memref<128x64xf32, #tpu.memory_space<hbm>>
      %dma_wait3A_73 = arith.constant 0 : i32
      %dma_wait3A_74 = tpu.memref_slice %arg2[%add3A_39, %dma_wait3A_73] : memref<10240x64xf32, #tpu.memory_space<hbm>> -> memref<128x64xf32, #tpu.memory_space<hbm>>
      tpu.wait_dma2 semaphore(%run_scoped3A : memref<!tpu.dma_semaphore, #tpu.memory_space<semaphore_mem>>) src(%dma_wait3A_74 : memref<128x64xf32, #tpu.memory_space<hbm>>) dst(%arg9 : memref<128x64xf32, #tpu.memory_space<vmem>>)
      tpu.yield
    }) : () -> ()
    %add3A_40 = arith.constant 512 : i32
    %add3A_41 = arith.addi %mul3A_11, %add3A_40 : i32
    "tpu.region"() ({
      %run_scoped3A = tpu.sem_alloc : memref<!tpu.dma_semaphore, #tpu.memory_space<semaphore_mem>>
      %dma_start3A = arith.constant 0 : i32
      %dma_start3A_69 = tpu.memref_slice %arg10[%add3A_41, %dma_start3A] : memref<10240x64xf32, #tpu.memory_space<vmem_shared>> -> memref<128x64xf32, #tpu.memory_space<vmem_shared>>
      %dma_start3A_70 = arith.constant 0 : i32
      %dma_start3A_71 = tpu.memref_slice %arg10[%add3A_41, %dma_start3A_70] : memref<10240x64xf32, #tpu.memory_space<vmem_shared>> -> memref<128x64xf32, #tpu.memory_space<vmem_shared>>
      tpu.enqueue_dma source(%arg9 : memref<128x64xf32, #tpu.memory_space<vmem>>) target(%dma_start3A_71 : memref<128x64xf32, #tpu.memory_space<vmem_shared>>) target_semaphore(%run_scoped3A : memref<!tpu.dma_semaphore, #tpu.memory_space<semaphore_mem>>)
      %dma_wait3A = arith.constant 0 : i32
      %dma_wait3A_72 = tpu.memref_slice %arg10[%add3A_41, %dma_wait3A] : memref<10240x64xf32, #tpu.memory_space<vmem_shared>> -> memref<128x64xf32, #tpu.memory_space<vmem_shared>>
      %dma_wait3A_73 = arith.constant 0 : i32
      %dma_wait3A_74 = tpu.memref_slice %arg10[%add3A_41, %dma_wait3A_73] : memref<10240x64xf32, #tpu.memory_space<vmem_shared>> -> memref<128x64xf32, #tpu.memory_space<vmem_shared>>
      tpu.wait_dma2 semaphore(%run_scoped3A : memref<!tpu.dma_semaphore, #tpu.memory_space<semaphore_mem>>) src(%arg9 : memref<128x64xf32, #tpu.memory_space<vmem>>) dst(%dma_wait3A_74 : memref<128x64xf32, #tpu.memory_space<vmem_shared>>)
      tpu.yield
    }) : () -> ()
    %barrier3A = arith.constant 0 : index
    tpu.barrier barrier_id(%barrier3A)
    %scan3A_42 = arith.constant 0 : i32
    %scan3A_43 = arith.constant 0 : i32
    %scan3A_44 = arith.constant 41 : i32
    %scan3A_45 = arith.addi %scan3A_43, %scan3A_44 : i32
    %scan3A_46 = arith.constant 1 : i32
    scf.for %scan3A_69 = %scan3A_43 to %scan3A_45 step %scan3A_46  : i32 {
      %mul3A_70 = arith.constant 2 : i32
      %mul3A_71 = arith.muli %scan3A_69, %mul3A_70 : i32
      %add3A_72 = arith.constant 0 : i32
      %add3A_73 = arith.addi %mul3A_71, %add3A_72 : i32
      %sub3A = arith.constant 2 : i32
      %sub3A_74 = arith.subi %add3A_73, %sub3A : i32
      %ge3A = arith.constant 0 : i32
      %ge3A_75 = arith.cmpi sge, %sub3A_74, %ge3A : i32
      %convert_element_type3A = arith.extui %ge3A_75 : i1 to i32
      %cond3A = arith.constant 0 : i32
      %cond3A_76 = arith.cmpi ne, %convert_element_type3A, %cond3A : i32
      scf.if %cond3A_76 {
        %dma_wait3A = arith.constant 0 : i32
        %dma_wait3A_97 = tpu.memref_slice %arg6[%sub3A_74, %dma_wait3A] : memref<80x128xi32, #tpu.memory_space<vmem>> -> memref<1x128xi32, #tpu.memory_space<vmem>>
        %dma_wait3A_98 = tpu.memref_squeeze %dma_wait3A_97 : memref<1x128xi32, #tpu.memory_space<vmem>> -> memref<128xi32, #tpu.memory_space<vmem>>
        %dma_wait3A_99 = arith.constant 0 : i32
        %dma_wait3A_100 = arith.constant 0 : i32
        %dma_wait3A_101 = tpu.memref_slice %arg10[%dma_wait3A_99, %dma_wait3A_100] : memref<10240x64xf32, #tpu.memory_space<vmem_shared>> -> memref<10240x64xf32, #tpu.memory_space<vmem_shared>>
        tpu.wait_indirect_dma semaphore(%arg12 : memref<!tpu.dma_semaphore, #tpu.memory_space<semaphore_mem>>) src(%dma_wait3A_101 : memref<10240x64xf32, #tpu.memory_space<vmem_shared>>) dst(%arg8 : memref<128x64xf32, #tpu.memory_space<vmem>>)
        "tpu.region"() ({
          %run_scoped3A = tpu.sem_alloc : memref<!tpu.dma_semaphore, #tpu.memory_space<semaphore_mem>>
          %dma_start3A = arith.constant 0 : i32
          %dma_start3A_102 = tpu.memref_slice %arg7[%sub3A_74, %dma_start3A] : memref<80x128xi32, #tpu.memory_space<vmem>> -> memref<1x128xi32, #tpu.memory_space<vmem>>
          %dma_start3A_103 = tpu.memref_squeeze %dma_start3A_102 : memref<1x128xi32, #tpu.memory_space<vmem>> -> memref<128xi32, #tpu.memory_space<vmem>>
          %dma_start3A_104 = arith.constant 0 : i32
          %dma_start3A_105 = arith.constant 0 : i32
          %dma_start3A_106 = tpu.memref_slice %arg11[%dma_start3A_104, %dma_start3A_105] : memref<10240x64xf32, #tpu.memory_space<vmem_shared>> -> memref<10240x64xf32, #tpu.memory_space<vmem_shared>>
          tpu.enqueue_indirect_dma source(%arg8 : memref<128x64xf32, #tpu.memory_space<vmem>>) target(%dma_start3A_106 : memref<10240x64xf32, #tpu.memory_space<vmem_shared>>) offsets(%dma_start3A_103 : memref<128xi32, #tpu.memory_space<vmem>>) semaphore(%run_scoped3A : memref<!tpu.dma_semaphore, #tpu.memory_space<semaphore_mem>>) {add = true}
          %dma_wait3A_107 = arith.constant 0 : i32
          %dma_wait3A_108 = tpu.memref_slice %arg7[%sub3A_74, %dma_wait3A_107] : memref<80x128xi32, #tpu.memory_space<vmem>> -> memref<1x128xi32, #tpu.memory_space<vmem>>
          %dma_wait3A_109 = tpu.memref_squeeze %dma_wait3A_108 : memref<1x128xi32, #tpu.memory_space<vmem>> -> memref<128xi32, #tpu.memory_space<vmem>>
          %dma_wait3A_110 = arith.constant 0 : i32
          %dma_wait3A_111 = arith.constant 0 : i32
          %dma_wait3A_112 = tpu.memref_slice %arg11[%dma_wait3A_110, %dma_wait3A_111] : memref<10240x64xf32, #tpu.memory_space<vmem_shared>> -> memref<10240x64xf32, #tpu.memory_space<vmem_shared>>
          tpu.wait_indirect_dma semaphore(%run_scoped3A : memref<!tpu.dma_semaphore, #tpu.memory_space<semaphore_mem>>) src(%arg8 : memref<128x64xf32, #tpu.memory_space<vmem>>) dst(%dma_wait3A_112 : memref<10240x64xf32, #tpu.memory_space<vmem_shared>>)
          tpu.yield
        }) : () -> ()
      } else {
      }
      %lt3A = arith.constant 80 : i32
      %lt3A_77 = arith.cmpi slt, %add3A_73, %lt3A : i32
      %convert_element_type3A_78 = arith.extui %lt3A_77 : i1 to i32
      %cond3A_79 = arith.constant 0 : i32
      %cond3A_80 = arith.cmpi ne, %convert_element_type3A_78, %cond3A_79 : i32
      scf.if %cond3A_80 {
        %dma_start3A = arith.constant 0 : i32
        %dma_start3A_97 = tpu.memref_slice %arg6[%add3A_73, %dma_start3A] : memref<80x128xi32, #tpu.memory_space<vmem>> -> memref<1x128xi32, #tpu.memory_space<vmem>>
        %dma_start3A_98 = tpu.memref_squeeze %dma_start3A_97 : memref<1x128xi32, #tpu.memory_space<vmem>> -> memref<128xi32, #tpu.memory_space<vmem>>
        %dma_start3A_99 = arith.constant 0 : i32
        %dma_start3A_100 = arith.constant 0 : i32
        %dma_start3A_101 = tpu.memref_slice %arg10[%dma_start3A_99, %dma_start3A_100] : memref<10240x64xf32, #tpu.memory_space<vmem_shared>> -> memref<10240x64xf32, #tpu.memory_space<vmem_shared>>
        tpu.enqueue_indirect_dma source(%dma_start3A_101 : memref<10240x64xf32, #tpu.memory_space<vmem_shared>>) target(%arg8 : memref<128x64xf32, #tpu.memory_space<vmem>>) offsets(%dma_start3A_98 : memref<128xi32, #tpu.memory_space<vmem>>) semaphore(%arg12 : memref<!tpu.dma_semaphore, #tpu.memory_space<semaphore_mem>>)
      } else {
      }
      %mul3A_81 = arith.constant 2 : i32
      %mul3A_82 = arith.muli %scan3A_69, %mul3A_81 : i32
      %add3A_83 = arith.constant 1 : i32
      %add3A_84 = arith.addi %mul3A_82, %add3A_83 : i32
      %sub3A_85 = arith.constant 2 : i32
      %sub3A_86 = arith.subi %add3A_84, %sub3A_85 : i32
      %ge3A_87 = arith.constant 0 : i32
      %ge3A_88 = arith.cmpi sge, %sub3A_86, %ge3A_87 : i32
      %convert_element_type3A_89 = arith.extui %ge3A_88 : i1 to i32
      %cond3A_90 = arith.constant 0 : i32
      %cond3A_91 = arith.cmpi ne, %convert_element_type3A_89, %cond3A_90 : i32
      scf.if %cond3A_91 {
        %dma_wait3A = arith.constant 0 : i32
        %dma_wait3A_97 = tpu.memref_slice %arg6[%sub3A_86, %dma_wait3A] : memref<80x128xi32, #tpu.memory_space<vmem>> -> memref<1x128xi32, #tpu.memory_space<vmem>>
        %dma_wait3A_98 = tpu.memref_squeeze %dma_wait3A_97 : memref<1x128xi32, #tpu.memory_space<vmem>> -> memref<128xi32, #tpu.memory_space<vmem>>
        %dma_wait3A_99 = arith.constant 0 : i32
        %dma_wait3A_100 = arith.constant 0 : i32
        %dma_wait3A_101 = tpu.memref_slice %arg10[%dma_wait3A_99, %dma_wait3A_100] : memref<10240x64xf32, #tpu.memory_space<vmem_shared>> -> memref<10240x64xf32, #tpu.memory_space<vmem_shared>>
        tpu.wait_indirect_dma semaphore(%arg13 : memref<!tpu.dma_semaphore, #tpu.memory_space<semaphore_mem>>) src(%dma_wait3A_101 : memref<10240x64xf32, #tpu.memory_space<vmem_shared>>) dst(%arg9 : memref<128x64xf32, #tpu.memory_space<vmem>>)
        "tpu.region"() ({
          %run_scoped3A = tpu.sem_alloc : memref<!tpu.dma_semaphore, #tpu.memory_space<semaphore_mem>>
          %dma_start3A = arith.constant 0 : i32
          %dma_start3A_102 = tpu.memref_slice %arg7[%sub3A_86, %dma_start3A] : memref<80x128xi32, #tpu.memory_space<vmem>> -> memref<1x128xi32, #tpu.memory_space<vmem>>
          %dma_start3A_103 = tpu.memref_squeeze %dma_start3A_102 : memref<1x128xi32, #tpu.memory_space<vmem>> -> memref<128xi32, #tpu.memory_space<vmem>>
          %dma_start3A_104 = arith.constant 0 : i32
          %dma_start3A_105 = arith.constant 0 : i32
          %dma_start3A_106 = tpu.memref_slice %arg11[%dma_start3A_104, %dma_start3A_105] : memref<10240x64xf32, #tpu.memory_space<vmem_shared>> -> memref<10240x64xf32, #tpu.memory_space<vmem_shared>>
          tpu.enqueue_indirect_dma source(%arg9 : memref<128x64xf32, #tpu.memory_space<vmem>>) target(%dma_start3A_106 : memref<10240x64xf32, #tpu.memory_space<vmem_shared>>) offsets(%dma_start3A_103 : memref<128xi32, #tpu.memory_space<vmem>>) semaphore(%run_scoped3A : memref<!tpu.dma_semaphore, #tpu.memory_space<semaphore_mem>>) {add = true}
          %dma_wait3A_107 = arith.constant 0 : i32
          %dma_wait3A_108 = tpu.memref_slice %arg7[%sub3A_86, %dma_wait3A_107] : memref<80x128xi32, #tpu.memory_space<vmem>> -> memref<1x128xi32, #tpu.memory_space<vmem>>
          %dma_wait3A_109 = tpu.memref_squeeze %dma_wait3A_108 : memref<1x128xi32, #tpu.memory_space<vmem>> -> memref<128xi32, #tpu.memory_space<vmem>>
          %dma_wait3A_110 = arith.constant 0 : i32
          %dma_wait3A_111 = arith.constant 0 : i32
          %dma_wait3A_112 = tpu.memref_slice %arg11[%dma_wait3A_110, %dma_wait3A_111] : memref<10240x64xf32, #tpu.memory_space<vmem_shared>> -> memref<10240x64xf32, #tpu.memory_space<vmem_shared>>
          tpu.wait_indirect_dma semaphore(%run_scoped3A : memref<!tpu.dma_semaphore, #tpu.memory_space<semaphore_mem>>) src(%arg9 : memref<128x64xf32, #tpu.memory_space<vmem>>) dst(%dma_wait3A_112 : memref<10240x64xf32, #tpu.memory_space<vmem_shared>>)
          tpu.yield
        }) : () -> ()
      } else {
      }
      %lt3A_92 = arith.constant 80 : i32
      %lt3A_93 = arith.cmpi slt, %add3A_84, %lt3A_92 : i32
      %convert_element_type3A_94 = arith.extui %lt3A_93 : i1 to i32
      %cond3A_95 = arith.constant 0 : i32
      %cond3A_96 = arith.cmpi ne, %convert_element_type3A_94, %cond3A_95 : i32
      scf.if %cond3A_96 {
        %dma_start3A = arith.constant 0 : i32
        %dma_start3A_97 = tpu.memref_slice %arg6[%add3A_84, %dma_start3A] : memref<80x128xi32, #tpu.memory_space<vmem>> -> memref<1x128xi32, #tpu.memory_space<vmem>>
        %dma_start3A_98 = tpu.memref_squeeze %dma_start3A_97 : memref<1x128xi32, #tpu.memory_space<vmem>> -> memref<128xi32, #tpu.memory_space<vmem>>
        %dma_start3A_99 = arith.constant 0 : i32
        %dma_start3A_100 = arith.constant 0 : i32
        %dma_start3A_101 = tpu.memref_slice %arg10[%dma_start3A_99, %dma_start3A_100] : memref<10240x64xf32, #tpu.memory_space<vmem_shared>> -> memref<10240x64xf32, #tpu.memory_space<vmem_shared>>
        tpu.enqueue_indirect_dma source(%dma_start3A_101 : memref<10240x64xf32, #tpu.memory_space<vmem_shared>>) target(%arg9 : memref<128x64xf32, #tpu.memory_space<vmem>>) offsets(%dma_start3A_98 : memref<128xi32, #tpu.memory_space<vmem>>) semaphore(%arg13 : memref<!tpu.dma_semaphore, #tpu.memory_space<semaphore_mem>>)
      } else {
      }
    }
    %scan3A_47 = arith.constant 41 : i32
    %barrier3A_48 = arith.constant 0 : index
    tpu.barrier barrier_id(%barrier3A_48)
    %add3A_49 = arith.constant 0 : i32
    %add3A_50 = arith.addi %mul3A_11, %add3A_49 : i32
    "tpu.region"() ({
      %run_scoped3A = tpu.sem_alloc : memref<!tpu.dma_semaphore, #tpu.memory_space<semaphore_mem>>
      %dma_start3A = arith.constant 0 : i32
      %dma_start3A_69 = tpu.memref_slice %arg11[%add3A_50, %dma_start3A] : memref<10240x64xf32, #tpu.memory_space<vmem_shared>> -> memref<128x64xf32, #tpu.memory_space<vmem_shared>>
      %dma_start3A_70 = arith.constant 0 : i32
      %dma_start3A_71 = tpu.memref_slice %arg11[%add3A_50, %dma_start3A_70] : memref<10240x64xf32, #tpu.memory_space<vmem_shared>> -> memref<128x64xf32, #tpu.memory_space<vmem_shared>>
      tpu.enqueue_dma source(%dma_start3A_71 : memref<128x64xf32, #tpu.memory_space<vmem_shared>>) target(%arg8 : memref<128x64xf32, #tpu.memory_space<vmem>>) target_semaphore(%run_scoped3A : memref<!tpu.dma_semaphore, #tpu.memory_space<semaphore_mem>>)
      %dma_wait3A = arith.constant 0 : i32
      %dma_wait3A_72 = tpu.memref_slice %arg11[%add3A_50, %dma_wait3A] : memref<10240x64xf32, #tpu.memory_space<vmem_shared>> -> memref<128x64xf32, #tpu.memory_space<vmem_shared>>
      %dma_wait3A_73 = arith.constant 0 : i32
      %dma_wait3A_74 = tpu.memref_slice %arg11[%add3A_50, %dma_wait3A_73] : memref<10240x64xf32, #tpu.memory_space<vmem_shared>> -> memref<128x64xf32, #tpu.memory_space<vmem_shared>>
      tpu.wait_dma2 semaphore(%run_scoped3A : memref<!tpu.dma_semaphore, #tpu.memory_space<semaphore_mem>>) src(%dma_wait3A_74 : memref<128x64xf32, #tpu.memory_space<vmem_shared>>) dst(%arg8 : memref<128x64xf32, #tpu.memory_space<vmem>>)
      tpu.yield
    }) : () -> ()
    %add3A_51 = arith.constant 0 : i32
    %add3A_52 = arith.addi %mul3A_11, %add3A_51 : i32
    "tpu.region"() ({
      %run_scoped3A = tpu.sem_alloc : memref<!tpu.dma_semaphore, #tpu.memory_space<semaphore_mem>>
      %dma_start3A = arith.constant 0 : i32
      %dma_start3A_69 = tpu.memref_slice %arg5[%arg0, %add3A_52, %dma_start3A] : memref<2x10240x64xf32, #tpu.memory_space<hbm>> -> memref<1x128x64xf32, #tpu.memory_space<hbm>>
      %dma_start3A_70 = tpu.memref_squeeze %dma_start3A_69 : memref<1x128x64xf32, #tpu.memory_space<hbm>> -> memref<128x64xf32, #tpu.memory_space<hbm>>
      %dma_start3A_71 = arith.constant 0 : i32
      %dma_start3A_72 = tpu.memref_slice %arg5[%arg0, %add3A_52, %dma_start3A_71] : memref<2x10240x64xf32, #tpu.memory_space<hbm>> -> memref<1x128x64xf32, #tpu.memory_space<hbm>>
      %dma_start3A_73 = tpu.memref_squeeze %dma_start3A_72 : memref<1x128x64xf32, #tpu.memory_space<hbm>> -> memref<128x64xf32, #tpu.memory_space<hbm>>
      tpu.enqueue_dma source(%arg8 : memref<128x64xf32, #tpu.memory_space<vmem>>) target(%dma_start3A_73 : memref<128x64xf32, #tpu.memory_space<hbm>>) target_semaphore(%run_scoped3A : memref<!tpu.dma_semaphore, #tpu.memory_space<semaphore_mem>>)
      %dma_wait3A = arith.constant 0 : i32
      %dma_wait3A_74 = tpu.memref_slice %arg5[%arg0, %add3A_52, %dma_wait3A] : memref<2x10240x64xf32, #tpu.memory_space<hbm>> -> memref<1x128x64xf32, #tpu.memory_space<hbm>>
      %dma_wait3A_75 = tpu.memref_squeeze %dma_wait3A_74 : memref<1x128x64xf32, #tpu.memory_space<hbm>> -> memref<128x64xf32, #tpu.memory_space<hbm>>
      %dma_wait3A_76 = arith.constant 0 : i32
      %dma_wait3A_77 = tpu.memref_slice %arg5[%arg0, %add3A_52, %dma_wait3A_76] : memref<2x10240x64xf32, #tpu.memory_space<hbm>> -> memref<1x128x64xf32, #tpu.memory_space<hbm>>
      %dma_wait3A_78 = tpu.memref_squeeze %dma_wait3A_77 : memref<1x128x64xf32, #tpu.memory_space<hbm>> -> memref<128x64xf32, #tpu.memory_space<hbm>>
      tpu.wait_dma2 semaphore(%run_scoped3A : memref<!tpu.dma_semaphore, #tpu.memory_space<semaphore_mem>>) src(%arg8 : memref<128x64xf32, #tpu.memory_space<vmem>>) dst(%dma_wait3A_78 : memref<128x64xf32, #tpu.memory_space<hbm>>)
      tpu.yield
    }) : () -> ()
    %add3A_53 = arith.constant 128 : i32
    %add3A_54 = arith.addi %mul3A_11, %add3A_53 : i32
    "tpu.region"() ({
      %run_scoped3A = tpu.sem_alloc : memref<!tpu.dma_semaphore, #tpu.memory_space<semaphore_mem>>
      %dma_start3A = arith.constant 0 : i32
      %dma_start3A_69 = tpu.memref_slice %arg11[%add3A_54, %dma_start3A] : memref<10240x64xf32, #tpu.memory_space<vmem_shared>> -> memref<128x64xf32, #tpu.memory_space<vmem_shared>>
      %dma_start3A_70 = arith.constant 0 : i32
      %dma_start3A_71 = tpu.memref_slice %arg11[%add3A_54, %dma_start3A_70] : memref<10240x64xf32, #tpu.memory_space<vmem_shared>> -> memref<128x64xf32, #tpu.memory_space<vmem_shared>>
      tpu.enqueue_dma source(%dma_start3A_71 : memref<128x64xf32, #tpu.memory_space<vmem_shared>>) target(%arg8 : memref<128x64xf32, #tpu.memory_space<vmem>>) target_semaphore(%run_scoped3A : memref<!tpu.dma_semaphore, #tpu.memory_space<semaphore_mem>>)
      %dma_wait3A = arith.constant 0 : i32
      %dma_wait3A_72 = tpu.memref_slice %arg11[%add3A_54, %dma_wait3A] : memref<10240x64xf32, #tpu.memory_space<vmem_shared>> -> memref<128x64xf32, #tpu.memory_space<vmem_shared>>
      %dma_wait3A_73 = arith.constant 0 : i32
      %dma_wait3A_74 = tpu.memref_slice %arg11[%add3A_54, %dma_wait3A_73] : memref<10240x64xf32, #tpu.memory_space<vmem_shared>> -> memref<128x64xf32, #tpu.memory_space<vmem_shared>>
      tpu.wait_dma2 semaphore(%run_scoped3A : memref<!tpu.dma_semaphore, #tpu.memory_space<semaphore_mem>>) src(%dma_wait3A_74 : memref<128x64xf32, #tpu.memory_space<vmem_shared>>) dst(%arg8 : memref<128x64xf32, #tpu.memory_space<vmem>>)
      tpu.yield
    }) : () -> ()
    %add3A_55 = arith.constant 128 : i32
    %add3A_56 = arith.addi %mul3A_11, %add3A_55 : i32
    "tpu.region"() ({
      %run_scoped3A = tpu.sem_alloc : memref<!tpu.dma_semaphore, #tpu.memory_space<semaphore_mem>>
      %dma_start3A = arith.constant 0 : i32
      %dma_start3A_69 = tpu.memref_slice %arg5[%arg0, %add3A_56, %dma_start3A] : memref<2x10240x64xf32, #tpu.memory_space<hbm>> -> memref<1x128x64xf32, #tpu.memory_space<hbm>>
      %dma_start3A_70 = tpu.memref_squeeze %dma_start3A_69 : memref<1x128x64xf32, #tpu.memory_space<hbm>> -> memref<128x64xf32, #tpu.memory_space<hbm>>
      %dma_start3A_71 = arith.constant 0 : i32
      %dma_start3A_72 = tpu.memref_slice %arg5[%arg0, %add3A_56, %dma_start3A_71] : memref<2x10240x64xf32, #tpu.memory_space<hbm>> -> memref<1x128x64xf32, #tpu.memory_space<hbm>>
      %dma_start3A_73 = tpu.memref_squeeze %dma_start3A_72 : memref<1x128x64xf32, #tpu.memory_space<hbm>> -> memref<128x64xf32, #tpu.memory_space<hbm>>
      tpu.enqueue_dma source(%arg8 : memref<128x64xf32, #tpu.memory_space<vmem>>) target(%dma_start3A_73 : memref<128x64xf32, #tpu.memory_space<hbm>>) target_semaphore(%run_scoped3A : memref<!tpu.dma_semaphore, #tpu.memory_space<semaphore_mem>>)
      %dma_wait3A = arith.constant 0 : i32
      %dma_wait3A_74 = tpu.memref_slice %arg5[%arg0, %add3A_56, %dma_wait3A] : memref<2x10240x64xf32, #tpu.memory_space<hbm>> -> memref<1x128x64xf32, #tpu.memory_space<hbm>>
      %dma_wait3A_75 = tpu.memref_squeeze %dma_wait3A_74 : memref<1x128x64xf32, #tpu.memory_space<hbm>> -> memref<128x64xf32, #tpu.memory_space<hbm>>
      %dma_wait3A_76 = arith.constant 0 : i32
      %dma_wait3A_77 = tpu.memref_slice %arg5[%arg0, %add3A_56, %dma_wait3A_76] : memref<2x10240x64xf32, #tpu.memory_space<hbm>> -> memref<1x128x64xf32, #tpu.memory_space<hbm>>
      %dma_wait3A_78 = tpu.memref_squeeze %dma_wait3A_77 : memref<1x128x64xf32, #tpu.memory_space<hbm>> -> memref<128x64xf32, #tpu.memory_space<hbm>>
      tpu.wait_dma2 semaphore(%run_scoped3A : memref<!tpu.dma_semaphore, #tpu.memory_space<semaphore_mem>>) src(%arg8 : memref<128x64xf32, #tpu.memory_space<vmem>>) dst(%dma_wait3A_78 : memref<128x64xf32, #tpu.memory_space<hbm>>)
      tpu.yield
    }) : () -> ()
    %add3A_57 = arith.constant 256 : i32
    %add3A_58 = arith.addi %mul3A_11, %add3A_57 : i32
    "tpu.region"() ({
      %run_scoped3A = tpu.sem_alloc : memref<!tpu.dma_semaphore, #tpu.memory_space<semaphore_mem>>
      %dma_start3A = arith.constant 0 : i32
      %dma_start3A_69 = tpu.memref_slice %arg11[%add3A_58, %dma_start3A] : memref<10240x64xf32, #tpu.memory_space<vmem_shared>> -> memref<128x64xf32, #tpu.memory_space<vmem_shared>>
      %dma_start3A_70 = arith.constant 0 : i32
      %dma_start3A_71 = tpu.memref_slice %arg11[%add3A_58, %dma_start3A_70] : memref<10240x64xf32, #tpu.memory_space<vmem_shared>> -> memref<128x64xf32, #tpu.memory_space<vmem_shared>>
      tpu.enqueue_dma source(%dma_start3A_71 : memref<128x64xf32, #tpu.memory_space<vmem_shared>>) target(%arg8 : memref<128x64xf32, #tpu.memory_space<vmem>>) target_semaphore(%run_scoped3A : memref<!tpu.dma_semaphore, #tpu.memory_space<semaphore_mem>>)
      %dma_wait3A = arith.constant 0 : i32
      %dma_wait3A_72 = tpu.memref_slice %arg11[%add3A_58, %dma_wait3A] : memref<10240x64xf32, #tpu.memory_space<vmem_shared>> -> memref<128x64xf32, #tpu.memory_space<vmem_shared>>
      %dma_wait3A_73 = arith.constant 0 : i32
      %dma_wait3A_74 = tpu.memref_slice %arg11[%add3A_58, %dma_wait3A_73] : memref<10240x64xf32, #tpu.memory_space<vmem_shared>> -> memref<128x64xf32, #tpu.memory_space<vmem_shared>>
      tpu.wait_dma2 semaphore(%run_scoped3A : memref<!tpu.dma_semaphore, #tpu.memory_space<semaphore_mem>>) src(%dma_wait3A_74 : memref<128x64xf32, #tpu.memory_space<vmem_shared>>) dst(%arg8 : memref<128x64xf32, #tpu.memory_space<vmem>>)
      tpu.yield
    }) : () -> ()
    %add3A_59 = arith.constant 256 : i32
    %add3A_60 = arith.addi %mul3A_11, %add3A_59 : i32
    "tpu.region"() ({
      %run_scoped3A = tpu.sem_alloc : memref<!tpu.dma_semaphore, #tpu.memory_space<semaphore_mem>>
      %dma_start3A = arith.constant 0 : i32
      %dma_start3A_69 = tpu.memref_slice %arg5[%arg0, %add3A_60, %dma_start3A] : memref<2x10240x64xf32, #tpu.memory_space<hbm>> -> memref<1x128x64xf32, #tpu.memory_space<hbm>>
      %dma_start3A_70 = tpu.memref_squeeze %dma_start3A_69 : memref<1x128x64xf32, #tpu.memory_space<hbm>> -> memref<128x64xf32, #tpu.memory_space<hbm>>
      %dma_start3A_71 = arith.constant 0 : i32
      %dma_start3A_72 = tpu.memref_slice %arg5[%arg0, %add3A_60, %dma_start3A_71] : memref<2x10240x64xf32, #tpu.memory_space<hbm>> -> memref<1x128x64xf32, #tpu.memory_space<hbm>>
      %dma_start3A_73 = tpu.memref_squeeze %dma_start3A_72 : memref<1x128x64xf32, #tpu.memory_space<hbm>> -> memref<128x64xf32, #tpu.memory_space<hbm>>
      tpu.enqueue_dma source(%arg8 : memref<128x64xf32, #tpu.memory_space<vmem>>) target(%dma_start3A_73 : memref<128x64xf32, #tpu.memory_space<hbm>>) target_semaphore(%run_scoped3A : memref<!tpu.dma_semaphore, #tpu.memory_space<semaphore_mem>>)
      %dma_wait3A = arith.constant 0 : i32
      %dma_wait3A_74 = tpu.memref_slice %arg5[%arg0, %add3A_60, %dma_wait3A] : memref<2x10240x64xf32, #tpu.memory_space<hbm>> -> memref<1x128x64xf32, #tpu.memory_space<hbm>>
      %dma_wait3A_75 = tpu.memref_squeeze %dma_wait3A_74 : memref<1x128x64xf32, #tpu.memory_space<hbm>> -> memref<128x64xf32, #tpu.memory_space<hbm>>
      %dma_wait3A_76 = arith.constant 0 : i32
      %dma_wait3A_77 = tpu.memref_slice %arg5[%arg0, %add3A_60, %dma_wait3A_76] : memref<2x10240x64xf32, #tpu.memory_space<hbm>> -> memref<1x128x64xf32, #tpu.memory_space<hbm>>
      %dma_wait3A_78 = tpu.memref_squeeze %dma_wait3A_77 : memref<1x128x64xf32, #tpu.memory_space<hbm>> -> memref<128x64xf32, #tpu.memory_space<hbm>>
      tpu.wait_dma2 semaphore(%run_scoped3A : memref<!tpu.dma_semaphore, #tpu.memory_space<semaphore_mem>>) src(%arg8 : memref<128x64xf32, #tpu.memory_space<vmem>>) dst(%dma_wait3A_78 : memref<128x64xf32, #tpu.memory_space<hbm>>)
      tpu.yield
    }) : () -> ()
    %add3A_61 = arith.constant 384 : i32
    %add3A_62 = arith.addi %mul3A_11, %add3A_61 : i32
    "tpu.region"() ({
      %run_scoped3A = tpu.sem_alloc : memref<!tpu.dma_semaphore, #tpu.memory_space<semaphore_mem>>
      %dma_start3A = arith.constant 0 : i32
      %dma_start3A_69 = tpu.memref_slice %arg11[%add3A_62, %dma_start3A] : memref<10240x64xf32, #tpu.memory_space<vmem_shared>> -> memref<128x64xf32, #tpu.memory_space<vmem_shared>>
      %dma_start3A_70 = arith.constant 0 : i32
      %dma_start3A_71 = tpu.memref_slice %arg11[%add3A_62, %dma_start3A_70] : memref<10240x64xf32, #tpu.memory_space<vmem_shared>> -> memref<128x64xf32, #tpu.memory_space<vmem_shared>>
      tpu.enqueue_dma source(%dma_start3A_71 : memref<128x64xf32, #tpu.memory_space<vmem_shared>>) target(%arg8 : memref<128x64xf32, #tpu.memory_space<vmem>>) target_semaphore(%run_scoped3A : memref<!tpu.dma_semaphore, #tpu.memory_space<semaphore_mem>>)
      %dma_wait3A = arith.constant 0 : i32
      %dma_wait3A_72 = tpu.memref_slice %arg11[%add3A_62, %dma_wait3A] : memref<10240x64xf32, #tpu.memory_space<vmem_shared>> -> memref<128x64xf32, #tpu.memory_space<vmem_shared>>
      %dma_wait3A_73 = arith.constant 0 : i32
      %dma_wait3A_74 = tpu.memref_slice %arg11[%add3A_62, %dma_wait3A_73] : memref<10240x64xf32, #tpu.memory_space<vmem_shared>> -> memref<128x64xf32, #tpu.memory_space<vmem_shared>>
      tpu.wait_dma2 semaphore(%run_scoped3A : memref<!tpu.dma_semaphore, #tpu.memory_space<semaphore_mem>>) src(%dma_wait3A_74 : memref<128x64xf32, #tpu.memory_space<vmem_shared>>) dst(%arg8 : memref<128x64xf32, #tpu.memory_space<vmem>>)
      tpu.yield
    }) : () -> ()
    %add3A_63 = arith.constant 384 : i32
    %add3A_64 = arith.addi %mul3A_11, %add3A_63 : i32
    "tpu.region"() ({
      %run_scoped3A = tpu.sem_alloc : memref<!tpu.dma_semaphore, #tpu.memory_space<semaphore_mem>>
      %dma_start3A = arith.constant 0 : i32
      %dma_start3A_69 = tpu.memref_slice %arg5[%arg0, %add3A_64, %dma_start3A] : memref<2x10240x64xf32, #tpu.memory_space<hbm>> -> memref<1x128x64xf32, #tpu.memory_space<hbm>>
      %dma_start3A_70 = tpu.memref_squeeze %dma_start3A_69 : memref<1x128x64xf32, #tpu.memory_space<hbm>> -> memref<128x64xf32, #tpu.memory_space<hbm>>
      %dma_start3A_71 = arith.constant 0 : i32
      %dma_start3A_72 = tpu.memref_slice %arg5[%arg0, %add3A_64, %dma_start3A_71] : memref<2x10240x64xf32, #tpu.memory_space<hbm>> -> memref<1x128x64xf32, #tpu.memory_space<hbm>>
      %dma_start3A_73 = tpu.memref_squeeze %dma_start3A_72 : memref<1x128x64xf32, #tpu.memory_space<hbm>> -> memref<128x64xf32, #tpu.memory_space<hbm>>
      tpu.enqueue_dma source(%arg8 : memref<128x64xf32, #tpu.memory_space<vmem>>) target(%dma_start3A_73 : memref<128x64xf32, #tpu.memory_space<hbm>>) target_semaphore(%run_scoped3A : memref<!tpu.dma_semaphore, #tpu.memory_space<semaphore_mem>>)
      %dma_wait3A = arith.constant 0 : i32
      %dma_wait3A_74 = tpu.memref_slice %arg5[%arg0, %add3A_64, %dma_wait3A] : memref<2x10240x64xf32, #tpu.memory_space<hbm>> -> memref<1x128x64xf32, #tpu.memory_space<hbm>>
      %dma_wait3A_75 = tpu.memref_squeeze %dma_wait3A_74 : memref<1x128x64xf32, #tpu.memory_space<hbm>> -> memref<128x64xf32, #tpu.memory_space<hbm>>
      %dma_wait3A_76 = arith.constant 0 : i32
      %dma_wait3A_77 = tpu.memref_slice %arg5[%arg0, %add3A_64, %dma_wait3A_76] : memref<2x10240x64xf32, #tpu.memory_space<hbm>> -> memref<1x128x64xf32, #tpu.memory_space<hbm>>
      %dma_wait3A_78 = tpu.memref_squeeze %dma_wait3A_77 : memref<1x128x64xf32, #tpu.memory_space<hbm>> -> memref<128x64xf32, #tpu.memory_space<hbm>>
      tpu.wait_dma2 semaphore(%run_scoped3A : memref<!tpu.dma_semaphore, #tpu.memory_space<semaphore_mem>>) src(%arg8 : memref<128x64xf32, #tpu.memory_space<vmem>>) dst(%dma_wait3A_78 : memref<128x64xf32, #tpu.memory_space<hbm>>)
      tpu.yield
    }) : () -> ()
    %add3A_65 = arith.constant 512 : i32
    %add3A_66 = arith.addi %mul3A_11, %add3A_65 : i32
    "tpu.region"() ({
      %run_scoped3A = tpu.sem_alloc : memref<!tpu.dma_semaphore, #tpu.memory_space<semaphore_mem>>
      %dma_start3A = arith.constant 0 : i32
      %dma_start3A_69 = tpu.memref_slice %arg11[%add3A_66, %dma_start3A] : memref<10240x64xf32, #tpu.memory_space<vmem_shared>> -> memref<128x64xf32, #tpu.memory_space<vmem_shared>>
      %dma_start3A_70 = arith.constant 0 : i32
      %dma_start3A_71 = tpu.memref_slice %arg11[%add3A_66, %dma_start3A_70] : memref<10240x64xf32, #tpu.memory_space<vmem_shared>> -> memref<128x64xf32, #tpu.memory_space<vmem_shared>>
      tpu.enqueue_dma source(%dma_start3A_71 : memref<128x64xf32, #tpu.memory_space<vmem_shared>>) target(%arg8 : memref<128x64xf32, #tpu.memory_space<vmem>>) target_semaphore(%run_scoped3A : memref<!tpu.dma_semaphore, #tpu.memory_space<semaphore_mem>>)
      %dma_wait3A = arith.constant 0 : i32
      %dma_wait3A_72 = tpu.memref_slice %arg11[%add3A_66, %dma_wait3A] : memref<10240x64xf32, #tpu.memory_space<vmem_shared>> -> memref<128x64xf32, #tpu.memory_space<vmem_shared>>
      %dma_wait3A_73 = arith.constant 0 : i32
      %dma_wait3A_74 = tpu.memref_slice %arg11[%add3A_66, %dma_wait3A_73] : memref<10240x64xf32, #tpu.memory_space<vmem_shared>> -> memref<128x64xf32, #tpu.memory_space<vmem_shared>>
      tpu.wait_dma2 semaphore(%run_scoped3A : memref<!tpu.dma_semaphore, #tpu.memory_space<semaphore_mem>>) src(%dma_wait3A_74 : memref<128x64xf32, #tpu.memory_space<vmem_shared>>) dst(%arg8 : memref<128x64xf32, #tpu.memory_space<vmem>>)
      tpu.yield
    }) : () -> ()
    %add3A_67 = arith.constant 512 : i32
    %add3A_68 = arith.addi %mul3A_11, %add3A_67 : i32
    "tpu.region"() ({
      %run_scoped3A = tpu.sem_alloc : memref<!tpu.dma_semaphore, #tpu.memory_space<semaphore_mem>>
      %dma_start3A = arith.constant 0 : i32
      %dma_start3A_69 = tpu.memref_slice %arg5[%arg0, %add3A_68, %dma_start3A] : memref<2x10240x64xf32, #tpu.memory_space<hbm>> -> memref<1x128x64xf32, #tpu.memory_space<hbm>>
      %dma_start3A_70 = tpu.memref_squeeze %dma_start3A_69 : memref<1x128x64xf32, #tpu.memory_space<hbm>> -> memref<128x64xf32, #tpu.memory_space<hbm>>
      %dma_start3A_71 = arith.constant 0 : i32
      %dma_start3A_72 = tpu.memref_slice %arg5[%arg0, %add3A_68, %dma_start3A_71] : memref<2x10240x64xf32, #tpu.memory_space<hbm>> -> memref<1x128x64xf32, #tpu.memory_space<hbm>>
      %dma_start3A_73 = tpu.memref_squeeze %dma_start3A_72 : memref<1x128x64xf32, #tpu.memory_space<hbm>> -> memref<128x64xf32, #tpu.memory_space<hbm>>
      tpu.enqueue_dma source(%arg8 : memref<128x64xf32, #tpu.memory_space<vmem>>) target(%dma_start3A_73 : memref<128x64xf32, #tpu.memory_space<hbm>>) target_semaphore(%run_scoped3A : memref<!tpu.dma_semaphore, #tpu.memory_space<semaphore_mem>>)
      %dma_wait3A = arith.constant 0 : i32
      %dma_wait3A_74 = tpu.memref_slice %arg5[%arg0, %add3A_68, %dma_wait3A] : memref<2x10240x64xf32, #tpu.memory_space<hbm>> -> memref<1x128x64xf32, #tpu.memory_space<hbm>>
      %dma_wait3A_75 = tpu.memref_squeeze %dma_wait3A_74 : memref<1x128x64xf32, #tpu.memory_space<hbm>> -> memref<128x64xf32, #tpu.memory_space<hbm>>
      %dma_wait3A_76 = arith.constant 0 : i32
      %dma_wait3A_77 = tpu.memref_slice %arg5[%arg0, %add3A_68, %dma_wait3A_76] : memref<2x10240x64xf32, #tpu.memory_space<hbm>> -> memref<1x128x64xf32, #tpu.memory_space<hbm>>
      %dma_wait3A_78 = tpu.memref_squeeze %dma_wait3A_77 : memref<1x128x64xf32, #tpu.memory_space<hbm>> -> memref<128x64xf32, #tpu.memory_space<hbm>>
      tpu.wait_dma2 semaphore(%run_scoped3A : memref<!tpu.dma_semaphore, #tpu.memory_space<semaphore_mem>>) src(%arg8 : memref<128x64xf32, #tpu.memory_space<vmem>>) dst(%dma_wait3A_78 : memref<128x64xf32, #tpu.memory_space<hbm>>)
      tpu.yield
    }) : () -> ()
    return
  }
}

#map = affine_map<(d0, d1) -> (0, 0)>
#map1 = affine_map<(d0, d1) -> (0, 0, 0)>
module attributes {stable_mosaic.version = 14 : i64} {
  func.func @_sc_agg(%arg0: i32, %arg1: i32, %arg2: memref<10240x64xf32, #tpu.memory_space<hbm>>, %arg3: memref<2560x128xi32, #tpu.memory_space<hbm>>, %arg4: memref<2560x128xi32, #tpu.memory_space<hbm>>, %arg5: memref<2x10240x64xf32, #tpu.memory_space<hbm>>, %arg6: memref<80x128xi32, #tpu.memory_space<vmem>>, %arg7: memref<80x128xi32, #tpu.memory_space<vmem>>, %arg8: memref<128x64xf32, #tpu.memory_space<vmem>>, %arg9: memref<128x64xf32, #tpu.memory_space<vmem>>, %arg10: memref<10240x64xf32, #tpu.memory_space<vmem_shared>>, %arg11: memref<10240x64xf32, #tpu.memory_space<vmem_shared>>, %arg12: memref<!tpu.dma_semaphore, #tpu.memory_space<semaphore_mem>>, %arg13: memref<!tpu.dma_semaphore, #tpu.memory_space<semaphore_mem>>) attributes {dimension_semantics = [#tpu.dimension_semantics<core_parallel>, #tpu.dimension_semantics<subcore_parallel>], iteration_bounds = array<i64: 2, 16>, scalar_prefetch = 0 : i64, scratch_operands = 8 : i64, tpu.core_type = #tpu.core_type<sc_vector_subcore>, window_params = [{transform_indices = #map}, {transform_indices = #map}, {transform_indices = #map}, {transform_indices = #map1}]} {
    %mul3A = arith.constant 16 : i32
    %mul3A_0 = arith.muli %arg0, %mul3A : i32
    %add3A = arith.addi %mul3A_0, %arg1 : i32
    %mul3A_1 = arith.constant 80 : i32
    %mul3A_2 = arith.muli %add3A, %mul3A_1 : i32
    "tpu.region"() ({
      %run_scoped3A = tpu.sem_alloc : memref<!tpu.dma_semaphore, #tpu.memory_space<semaphore_mem>>
      %dma_start3A = arith.constant 0 : i32
      %dma_start3A_69 = tpu.memref_slice %arg3[%mul3A_2, %dma_start3A] : memref<2560x128xi32, #tpu.memory_space<hbm>> -> memref<80x128xi32, #tpu.memory_space<hbm>>
      %dma_start3A_70 = arith.constant 0 : i32
      %dma_start3A_71 = tpu.memref_slice %arg3[%mul3A_2, %dma_start3A_70] : memref<2560x128xi32, #tpu.memory_space<hbm>> -> memref<80x128xi32, #tpu.memory_space<hbm>>
      tpu.enqueue_dma source(%dma_start3A_71 : memref<80x128xi32, #tpu.memory_space<hbm>>) target(%arg6 : memref<80x128xi32, #tpu.memory_space<vmem>>) target_semaphore(%run_scoped3A : memref<!tpu.dma_semaphore, #tpu.memory_space<semaphore_mem>>)
      %dma_wait3A = arith.constant 0 : i32
      %dma_wait3A_72 = tpu.memref_slice %arg3[%mul3A_2, %dma_wait3A] : memref<2560x128xi32, #tpu.memory_space<hbm>> -> memref<80x128xi32, #tpu.memory_space<hbm>>
      %dma_wait3A_73 = arith.constant 0 : i32
      %dma_wait3A_74 = tpu.memref_slice %arg3[%mul3A_2, %dma_wait3A_73] : memref<2560x128xi32, #tpu.memory_space<hbm>> -> memref<80x128xi32, #tpu.memory_space<hbm>>
      tpu.wait_dma2 semaphore(%run_scoped3A : memref<!tpu.dma_semaphore, #tpu.memory_space<semaphore_mem>>) src(%dma_wait3A_74 : memref<80x128xi32, #tpu.memory_space<hbm>>) dst(%arg6 : memref<80x128xi32, #tpu.memory_space<vmem>>)
      tpu.yield
    }) : () -> ()
    %mul3A_3 = arith.constant 80 : i32
    %mul3A_4 = arith.muli %add3A, %mul3A_3 : i32
    "tpu.region"() ({
      %run_scoped3A = tpu.sem_alloc : memref<!tpu.dma_semaphore, #tpu.memory_space<semaphore_mem>>
      %dma_start3A = arith.constant 0 : i32
      %dma_start3A_69 = tpu.memref_slice %arg4[%mul3A_4, %dma_start3A] : memref<2560x128xi32, #tpu.memory_space<hbm>> -> memref<80x128xi32, #tpu.memory_space<hbm>>
      %dma_start3A_70 = arith.constant 0 : i32
      %dma_start3A_71 = tpu.memref_slice %arg4[%mul3A_4, %dma_start3A_70] : memref<2560x128xi32, #tpu.memory_space<hbm>> -> memref<80x128xi32, #tpu.memory_space<hbm>>
      tpu.enqueue_dma source(%dma_start3A_71 : memref<80x128xi32, #tpu.memory_space<hbm>>) target(%arg7 : memref<80x128xi32, #tpu.memory_space<vmem>>) target_semaphore(%run_scoped3A : memref<!tpu.dma_semaphore, #tpu.memory_space<semaphore_mem>>)
      %dma_wait3A = arith.constant 0 : i32
      %dma_wait3A_72 = tpu.memref_slice %arg4[%mul3A_4, %dma_wait3A] : memref<2560x128xi32, #tpu.memory_space<hbm>> -> memref<80x128xi32, #tpu.memory_space<hbm>>
      %dma_wait3A_73 = arith.constant 0 : i32
      %dma_wait3A_74 = tpu.memref_slice %arg4[%mul3A_4, %dma_wait3A_73] : memref<2560x128xi32, #tpu.memory_space<hbm>> -> memref<80x128xi32, #tpu.memory_space<hbm>>
      tpu.wait_dma2 semaphore(%run_scoped3A : memref<!tpu.dma_semaphore, #tpu.memory_space<semaphore_mem>>) src(%dma_wait3A_74 : memref<80x128xi32, #tpu.memory_space<hbm>>) dst(%arg7 : memref<80x128xi32, #tpu.memory_space<vmem>>)
      tpu.yield
    }) : () -> ()
    %scan3A = arith.constant 0 : i32
    %scan3A_5 = arith.constant 0 : i32
    %scan3A_6 = arith.constant 128 : i32
    %scan3A_7 = arith.addi %scan3A_5, %scan3A_6 : i32
    %scan3A_8 = arith.constant 1 : i32
    scf.for %scan3A_69 = %scan3A_5 to %scan3A_7 step %scan3A_8  : i32 {
      %broadcast_in_dim3A = arith.constant 0.000000e+00 : f32
      %broadcast_in_dim3A_70 = vector.broadcast %broadcast_in_dim3A : f32 to vector<16xf32>
      %swap3A = arith.index_cast %scan3A_69 : i32 to index
      %swap3A_71 = arith.constant 0 : index
      %swap3A_72 = tpu.vector_load %arg8[%swap3A, %swap3A_71] {strides = array<i32>} : memref<128x64xf32, #tpu.memory_space<vmem>>, vector<1x16xf32>,
      %swap3A_73 = vector.shape_cast %swap3A_72 : vector<1x16xf32> to vector<16xf32>
      %swap3A_74 = vector.shape_cast %broadcast_in_dim3A_70 : vector<16xf32> to vector<1x16xf32>
      tpu.vector_store %arg8[%swap3A, %swap3A_71], %swap3A_74 {strides = array<i32>} : memref<128x64xf32, #tpu.memory_space<vmem>>, vector<1x16xf32>,
      %broadcast_in_dim3A_75 = arith.constant 0.000000e+00 : f32
      %broadcast_in_dim3A_76 = vector.broadcast %broadcast_in_dim3A_75 : f32 to vector<16xf32>
      %swap3A_77 = arith.index_cast %scan3A_69 : i32 to index
      %swap3A_78 = arith.constant 16 : index
      %swap3A_79 = tpu.vector_load %arg8[%swap3A_77, %swap3A_78] {strides = array<i32>} : memref<128x64xf32, #tpu.memory_space<vmem>>, vector<1x16xf32>,
      %swap3A_80 = vector.shape_cast %swap3A_79 : vector<1x16xf32> to vector<16xf32>
      %swap3A_81 = vector.shape_cast %broadcast_in_dim3A_76 : vector<16xf32> to vector<1x16xf32>
      tpu.vector_store %arg8[%swap3A_77, %swap3A_78], %swap3A_81 {strides = array<i32>} : memref<128x64xf32, #tpu.memory_space<vmem>>, vector<1x16xf32>,
      %broadcast_in_dim3A_82 = arith.constant 0.000000e+00 : f32
      %broadcast_in_dim3A_83 = vector.broadcast %broadcast_in_dim3A_82 : f32 to vector<16xf32>
      %swap3A_84 = arith.index_cast %scan3A_69 : i32 to index
      %swap3A_85 = arith.constant 32 : index
      %swap3A_86 = tpu.vector_load %arg8[%swap3A_84, %swap3A_85] {strides = array<i32>} : memref<128x64xf32, #tpu.memory_space<vmem>>, vector<1x16xf32>,
      %swap3A_87 = vector.shape_cast %swap3A_86 : vector<1x16xf32> to vector<16xf32>
      %swap3A_88 = vector.shape_cast %broadcast_in_dim3A_83 : vector<16xf32> to vector<1x16xf32>
      tpu.vector_store %arg8[%swap3A_84, %swap3A_85], %swap3A_88 {strides = array<i32>} : memref<128x64xf32, #tpu.memory_space<vmem>>, vector<1x16xf32>,
      %broadcast_in_dim3A_89 = arith.constant 0.000000e+00 : f32
      %broadcast_in_dim3A_90 = vector.broadcast %broadcast_in_dim3A_89 : f32 to vector<16xf32>
      %swap3A_91 = arith.index_cast %scan3A_69 : i32 to index
      %swap3A_92 = arith.constant 48 : index
      %swap3A_93 = tpu.vector_load %arg8[%swap3A_91, %swap3A_92] {strides = array<i32>} : memref<128x64xf32, #tpu.memory_space<vmem>>, vector<1x16xf32>,
      %swap3A_94 = vector.shape_cast %swap3A_93 : vector<1x16xf32> to vector<16xf32>
      %swap3A_95 = vector.shape_cast %broadcast_in_dim3A_90 : vector<16xf32> to vector<1x16xf32>
      tpu.vector_store %arg8[%swap3A_91, %swap3A_92], %swap3A_95 {strides = array<i32>} : memref<128x64xf32, #tpu.memory_space<vmem>>, vector<1x16xf32>,
    }
    %scan3A_9 = arith.constant 128 : i32
    %mul3A_10 = arith.constant 640 : i32
    %mul3A_11 = arith.muli %arg1, %mul3A_10 : i32
    %add3A_12 = arith.constant 0 : i32
    %add3A_13 = arith.addi %mul3A_11, %add3A_12 : i32
    "tpu.region"() ({
      %run_scoped3A = tpu.sem_alloc : memref<!tpu.dma_semaphore, #tpu.memory_space<semaphore_mem>>
      %dma_start3A = arith.constant 0 : i32
      %dma_start3A_69 = tpu.memref_slice %arg11[%add3A_13, %dma_start3A] : memref<10240x64xf32, #tpu.memory_space<vmem_shared>> -> memref<128x64xf32, #tpu.memory_space<vmem_shared>>
      %dma_start3A_70 = arith.constant 0 : i32
      %dma_start3A_71 = tpu.memref_slice %arg11[%add3A_13, %dma_start3A_70] : memref<10240x64xf32, #tpu.memory_space<vmem_shared>> -> memref<128x64xf32, #tpu.memory_space<vmem_shared>>
      tpu.enqueue_dma source(%arg8 : memref<128x64xf32, #tpu.memory_space<vmem>>) target(%dma_start3A_71 : memref<128x64xf32, #tpu.memory_space<vmem_shared>>) target_semaphore(%run_scoped3A : memref<!tpu.dma_semaphore, #tpu.memory_space<semaphore_mem>>)
      %dma_wait3A = arith.constant 0 : i32
      %dma_wait3A_72 = tpu.memref_slice %arg11[%add3A_13, %dma_wait3A] : memref<10240x64xf32, #tpu.memory_space<vmem_shared>> -> memref<128x64xf32, #tpu.memory_space<vmem_shared>>
      %dma_wait3A_73 = arith.constant 0 : i32
      %dma_wait3A_74 = tpu.memref_slice %arg11[%add3A_13, %dma_wait3A_73] : memref<10240x64xf32, #tpu.memory_space<vmem_shared>> -> memref<128x64xf32, #tpu.memory_space<vmem_shared>>
      tpu.wait_dma2 semaphore(%run_scoped3A : memref<!tpu.dma_semaphore, #tpu.memory_space<semaphore_mem>>) src(%arg8 : memref<128x64xf32, #tpu.memory_space<vmem>>) dst(%dma_wait3A_74 : memref<128x64xf32, #tpu.memory_space<vmem_shared>>)
      tpu.yield
    }) : () -> ()
    %add3A_14 = arith.constant 0 : i32
    %add3A_15 = arith.addi %mul3A_11, %add3A_14 : i32
    "tpu.region"() ({
      %run_scoped3A = tpu.sem_alloc : memref<!tpu.dma_semaphore, #tpu.memory_space<semaphore_mem>>
      %dma_start3A = arith.constant 0 : i32
      %dma_start3A_69 = tpu.memref_slice %arg2[%add3A_15, %dma_start3A] : memref<10240x64xf32, #tpu.memory_space<hbm>> -> memref<128x64xf32, #tpu.memory_space<hbm>>
      %dma_start3A_70 = arith.constant 0 : i32
      %dma_start3A_71 = tpu.memref_slice %arg2[%add3A_15, %dma_start3A_70] : memref<10240x64xf32, #tpu.memory_space<hbm>> -> memref<128x64xf32, #tpu.memory_space<hbm>>
      tpu.enqueue_dma source(%dma_start3A_71 : memref<128x64xf32, #tpu.memory_space<hbm>>) target(%arg9 : memref<128x64xf32, #tpu.memory_space<vmem>>) target_semaphore(%run_scoped3A : memref<!tpu.dma_semaphore, #tpu.memory_space<semaphore_mem>>)
      %dma_wait3A = arith.constant 0 : i32
      %dma_wait3A_72 = tpu.memref_slice %arg2[%add3A_15, %dma_wait3A] : memref<10240x64xf32, #tpu.memory_space<hbm>> -> memref<128x64xf32, #tpu.memory_space<hbm>>
      %dma_wait3A_73 = arith.constant 0 : i32
      %dma_wait3A_74 = tpu.memref_slice %arg2[%add3A_15, %dma_wait3A_73] : memref<10240x64xf32, #tpu.memory_space<hbm>> -> memref<128x64xf32, #tpu.memory_space<hbm>>
      tpu.wait_dma2 semaphore(%run_scoped3A : memref<!tpu.dma_semaphore, #tpu.memory_space<semaphore_mem>>) src(%dma_wait3A_74 : memref<128x64xf32, #tpu.memory_space<hbm>>) dst(%arg9 : memref<128x64xf32, #tpu.memory_space<vmem>>)
      tpu.yield
    }) : () -> ()
    %add3A_16 = arith.constant 0 : i32
    %add3A_17 = arith.addi %mul3A_11, %add3A_16 : i32
    "tpu.region"() ({
      %run_scoped3A = tpu.sem_alloc : memref<!tpu.dma_semaphore, #tpu.memory_space<semaphore_mem>>
      %dma_start3A = arith.constant 0 : i32
      %dma_start3A_69 = tpu.memref_slice %arg10[%add3A_17, %dma_start3A] : memref<10240x64xf32, #tpu.memory_space<vmem_shared>> -> memref<128x64xf32, #tpu.memory_space<vmem_shared>>
      %dma_start3A_70 = arith.constant 0 : i32
      %dma_start3A_71 = tpu.memref_slice %arg10[%add3A_17, %dma_start3A_70] : memref<10240x64xf32, #tpu.memory_space<vmem_shared>> -> memref<128x64xf32, #tpu.memory_space<vmem_shared>>
      tpu.enqueue_dma source(%arg9 : memref<128x64xf32, #tpu.memory_space<vmem>>) target(%dma_start3A_71 : memref<128x64xf32, #tpu.memory_space<vmem_shared>>) target_semaphore(%run_scoped3A : memref<!tpu.dma_semaphore, #tpu.memory_space<semaphore_mem>>)
      %dma_wait3A = arith.constant 0 : i32
      %dma_wait3A_72 = tpu.memref_slice %arg10[%add3A_17, %dma_wait3A] : memref<10240x64xf32, #tpu.memory_space<vmem_shared>> -> memref<128x64xf32, #tpu.memory_space<vmem_shared>>
      %dma_wait3A_73 = arith.constant 0 : i32
      %dma_wait3A_74 = tpu.memref_slice %arg10[%add3A_17, %dma_wait3A_73] : memref<10240x64xf32, #tpu.memory_space<vmem_shared>> -> memref<128x64xf32, #tpu.memory_space<vmem_shared>>
      tpu.wait_dma2 semaphore(%run_scoped3A : memref<!tpu.dma_semaphore, #tpu.memory_space<semaphore_mem>>) src(%arg9 : memref<128x64xf32, #tpu.memory_space<vmem>>) dst(%dma_wait3A_74 : memref<128x64xf32, #tpu.memory_space<vmem_shared>>)
      tpu.yield
    }) : () -> ()
    %add3A_18 = arith.constant 128 : i32
    %add3A_19 = arith.addi %mul3A_11, %add3A_18 : i32
    "tpu.region"() ({
      %run_scoped3A = tpu.sem_alloc : memref<!tpu.dma_semaphore, #tpu.memory_space<semaphore_mem>>
      %dma_start3A = arith.constant 0 : i32
      %dma_start3A_69 = tpu.memref_slice %arg11[%add3A_19, %dma_start3A] : memref<10240x64xf32, #tpu.memory_space<vmem_shared>> -> memref<128x64xf32, #tpu.memory_space<vmem_shared>>
      %dma_start3A_70 = arith.constant 0 : i32
      %dma_start3A_71 = tpu.memref_slice %arg11[%add3A_19, %dma_start3A_70] : memref<10240x64xf32, #tpu.memory_space<vmem_shared>> -> memref<128x64xf32, #tpu.memory_space<vmem_shared>>
      tpu.enqueue_dma source(%arg8 : memref<128x64xf32, #tpu.memory_space<vmem>>) target(%dma_start3A_71 : memref<128x64xf32, #tpu.memory_space<vmem_shared>>) target_semaphore(%run_scoped3A : memref<!tpu.dma_semaphore, #tpu.memory_space<semaphore_mem>>)
      %dma_wait3A = arith.constant 0 : i32
      %dma_wait3A_72 = tpu.memref_slice %arg11[%add3A_19, %dma_wait3A] : memref<10240x64xf32, #tpu.memory_space<vmem_shared>> -> memref<128x64xf32, #tpu.memory_space<vmem_shared>>
      %dma_wait3A_73 = arith.constant 0 : i32
      %dma_wait3A_74 = tpu.memref_slice %arg11[%add3A_19, %dma_wait3A_73] : memref<10240x64xf32, #tpu.memory_space<vmem_shared>> -> memref<128x64xf32, #tpu.memory_space<vmem_shared>>
      tpu.wait_dma2 semaphore(%run_scoped3A : memref<!tpu.dma_semaphore, #tpu.memory_space<semaphore_mem>>) src(%arg8 : memref<128x64xf32, #tpu.memory_space<vmem>>) dst(%dma_wait3A_74 : memref<128x64xf32, #tpu.memory_space<vmem_shared>>)
      tpu.yield
    }) : () -> ()
    %add3A_20 = arith.constant 128 : i32
    %add3A_21 = arith.addi %mul3A_11, %add3A_20 : i32
    "tpu.region"() ({
      %run_scoped3A = tpu.sem_alloc : memref<!tpu.dma_semaphore, #tpu.memory_space<semaphore_mem>>
      %dma_start3A = arith.constant 0 : i32
      %dma_start3A_69 = tpu.memref_slice %arg2[%add3A_21, %dma_start3A] : memref<10240x64xf32, #tpu.memory_space<hbm>> -> memref<128x64xf32, #tpu.memory_space<hbm>>
      %dma_start3A_70 = arith.constant 0 : i32
      %dma_start3A_71 = tpu.memref_slice %arg2[%add3A_21, %dma_start3A_70] : memref<10240x64xf32, #tpu.memory_space<hbm>> -> memref<128x64xf32, #tpu.memory_space<hbm>>
      tpu.enqueue_dma source(%dma_start3A_71 : memref<128x64xf32, #tpu.memory_space<hbm>>) target(%arg9 : memref<128x64xf32, #tpu.memory_space<vmem>>) target_semaphore(%run_scoped3A : memref<!tpu.dma_semaphore, #tpu.memory_space<semaphore_mem>>)
      %dma_wait3A = arith.constant 0 : i32
      %dma_wait3A_72 = tpu.memref_slice %arg2[%add3A_21, %dma_wait3A] : memref<10240x64xf32, #tpu.memory_space<hbm>> -> memref<128x64xf32, #tpu.memory_space<hbm>>
      %dma_wait3A_73 = arith.constant 0 : i32
      %dma_wait3A_74 = tpu.memref_slice %arg2[%add3A_21, %dma_wait3A_73] : memref<10240x64xf32, #tpu.memory_space<hbm>> -> memref<128x64xf32, #tpu.memory_space<hbm>>
      tpu.wait_dma2 semaphore(%run_scoped3A : memref<!tpu.dma_semaphore, #tpu.memory_space<semaphore_mem>>) src(%dma_wait3A_74 : memref<128x64xf32, #tpu.memory_space<hbm>>) dst(%arg9 : memref<128x64xf32, #tpu.memory_space<vmem>>)
      tpu.yield
    }) : () -> ()
    %add3A_22 = arith.constant 128 : i32
    %add3A_23 = arith.addi %mul3A_11, %add3A_22 : i32
    "tpu.region"() ({
      %run_scoped3A = tpu.sem_alloc : memref<!tpu.dma_semaphore, #tpu.memory_space<semaphore_mem>>
      %dma_start3A = arith.constant 0 : i32
      %dma_start3A_69 = tpu.memref_slice %arg10[%add3A_23, %dma_start3A] : memref<10240x64xf32, #tpu.memory_space<vmem_shared>> -> memref<128x64xf32, #tpu.memory_space<vmem_shared>>
      %dma_start3A_70 = arith.constant 0 : i32
      %dma_start3A_71 = tpu.memref_slice %arg10[%add3A_23, %dma_start3A_70] : memref<10240x64xf32, #tpu.memory_space<vmem_shared>> -> memref<128x64xf32, #tpu.memory_space<vmem_shared>>
      tpu.enqueue_dma source(%arg9 : memref<128x64xf32, #tpu.memory_space<vmem>>) target(%dma_start3A_71 : memref<128x64xf32, #tpu.memory_space<vmem_shared>>) target_semaphore(%run_scoped3A : memref<!tpu.dma_semaphore, #tpu.memory_space<semaphore_mem>>)
      %dma_wait3A = arith.constant 0 : i32
      %dma_wait3A_72 = tpu.memref_slice %arg10[%add3A_23, %dma_wait3A] : memref<10240x64xf32, #tpu.memory_space<vmem_shared>> -> memref<128x64xf32, #tpu.memory_space<vmem_shared>>
      %dma_wait3A_73 = arith.constant 0 : i32
      %dma_wait3A_74 = tpu.memref_slice %arg10[%add3A_23, %dma_wait3A_73] : memref<10240x64xf32, #tpu.memory_space<vmem_shared>> -> memref<128x64xf32, #tpu.memory_space<vmem_shared>>
      tpu.wait_dma2 semaphore(%run_scoped3A : memref<!tpu.dma_semaphore, #tpu.memory_space<semaphore_mem>>) src(%arg9 : memref<128x64xf32, #tpu.memory_space<vmem>>) dst(%dma_wait3A_74 : memref<128x64xf32, #tpu.memory_space<vmem_shared>>)
      tpu.yield
    }) : () -> ()
    %add3A_24 = arith.constant 256 : i32
    %add3A_25 = arith.addi %mul3A_11, %add3A_24 : i32
    "tpu.region"() ({
      %run_scoped3A = tpu.sem_alloc : memref<!tpu.dma_semaphore, #tpu.memory_space<semaphore_mem>>
      %dma_start3A = arith.constant 0 : i32
      %dma_start3A_69 = tpu.memref_slice %arg11[%add3A_25, %dma_start3A] : memref<10240x64xf32, #tpu.memory_space<vmem_shared>> -> memref<128x64xf32, #tpu.memory_space<vmem_shared>>
      %dma_start3A_70 = arith.constant 0 : i32
      %dma_start3A_71 = tpu.memref_slice %arg11[%add3A_25, %dma_start3A_70] : memref<10240x64xf32, #tpu.memory_space<vmem_shared>> -> memref<128x64xf32, #tpu.memory_space<vmem_shared>>
      tpu.enqueue_dma source(%arg8 : memref<128x64xf32, #tpu.memory_space<vmem>>) target(%dma_start3A_71 : memref<128x64xf32, #tpu.memory_space<vmem_shared>>) target_semaphore(%run_scoped3A : memref<!tpu.dma_semaphore, #tpu.memory_space<semaphore_mem>>)
      %dma_wait3A = arith.constant 0 : i32
      %dma_wait3A_72 = tpu.memref_slice %arg11[%add3A_25, %dma_wait3A] : memref<10240x64xf32, #tpu.memory_space<vmem_shared>> -> memref<128x64xf32, #tpu.memory_space<vmem_shared>>
      %dma_wait3A_73 = arith.constant 0 : i32
      %dma_wait3A_74 = tpu.memref_slice %arg11[%add3A_25, %dma_wait3A_73] : memref<10240x64xf32, #tpu.memory_space<vmem_shared>> -> memref<128x64xf32, #tpu.memory_space<vmem_shared>>
      tpu.wait_dma2 semaphore(%run_scoped3A : memref<!tpu.dma_semaphore, #tpu.memory_space<semaphore_mem>>) src(%arg8 : memref<128x64xf32, #tpu.memory_space<vmem>>) dst(%dma_wait3A_74 : memref<128x64xf32, #tpu.memory_space<vmem_shared>>)
      tpu.yield
    }) : () -> ()
    %add3A_26 = arith.constant 256 : i32
    %add3A_27 = arith.addi %mul3A_11, %add3A_26 : i32
    "tpu.region"() ({
      %run_scoped3A = tpu.sem_alloc : memref<!tpu.dma_semaphore, #tpu.memory_space<semaphore_mem>>
      %dma_start3A = arith.constant 0 : i32
      %dma_start3A_69 = tpu.memref_slice %arg2[%add3A_27, %dma_start3A] : memref<10240x64xf32, #tpu.memory_space<hbm>> -> memref<128x64xf32, #tpu.memory_space<hbm>>
      %dma_start3A_70 = arith.constant 0 : i32
      %dma_start3A_71 = tpu.memref_slice %arg2[%add3A_27, %dma_start3A_70] : memref<10240x64xf32, #tpu.memory_space<hbm>> -> memref<128x64xf32, #tpu.memory_space<hbm>>
      tpu.enqueue_dma source(%dma_start3A_71 : memref<128x64xf32, #tpu.memory_space<hbm>>) target(%arg9 : memref<128x64xf32, #tpu.memory_space<vmem>>) target_semaphore(%run_scoped3A : memref<!tpu.dma_semaphore, #tpu.memory_space<semaphore_mem>>)
      %dma_wait3A = arith.constant 0 : i32
      %dma_wait3A_72 = tpu.memref_slice %arg2[%add3A_27, %dma_wait3A] : memref<10240x64xf32, #tpu.memory_space<hbm>> -> memref<128x64xf32, #tpu.memory_space<hbm>>
      %dma_wait3A_73 = arith.constant 0 : i32
      %dma_wait3A_74 = tpu.memref_slice %arg2[%add3A_27, %dma_wait3A_73] : memref<10240x64xf32, #tpu.memory_space<hbm>> -> memref<128x64xf32, #tpu.memory_space<hbm>>
      tpu.wait_dma2 semaphore(%run_scoped3A : memref<!tpu.dma_semaphore, #tpu.memory_space<semaphore_mem>>) src(%dma_wait3A_74 : memref<128x64xf32, #tpu.memory_space<hbm>>) dst(%arg9 : memref<128x64xf32, #tpu.memory_space<vmem>>)
      tpu.yield
    }) : () -> ()
    %add3A_28 = arith.constant 256 : i32
    %add3A_29 = arith.addi %mul3A_11, %add3A_28 : i32
    "tpu.region"() ({
      %run_scoped3A = tpu.sem_alloc : memref<!tpu.dma_semaphore, #tpu.memory_space<semaphore_mem>>
      %dma_start3A = arith.constant 0 : i32
      %dma_start3A_69 = tpu.memref_slice %arg10[%add3A_29, %dma_start3A] : memref<10240x64xf32, #tpu.memory_space<vmem_shared>> -> memref<128x64xf32, #tpu.memory_space<vmem_shared>>
      %dma_start3A_70 = arith.constant 0 : i32
      %dma_start3A_71 = tpu.memref_slice %arg10[%add3A_29, %dma_start3A_70] : memref<10240x64xf32, #tpu.memory_space<vmem_shared>> -> memref<128x64xf32, #tpu.memory_space<vmem_shared>>
      tpu.enqueue_dma source(%arg9 : memref<128x64xf32, #tpu.memory_space<vmem>>) target(%dma_start3A_71 : memref<128x64xf32, #tpu.memory_space<vmem_shared>>) target_semaphore(%run_scoped3A : memref<!tpu.dma_semaphore, #tpu.memory_space<semaphore_mem>>)
      %dma_wait3A = arith.constant 0 : i32
      %dma_wait3A_72 = tpu.memref_slice %arg10[%add3A_29, %dma_wait3A] : memref<10240x64xf32, #tpu.memory_space<vmem_shared>> -> memref<128x64xf32, #tpu.memory_space<vmem_shared>>
      %dma_wait3A_73 = arith.constant 0 : i32
      %dma_wait3A_74 = tpu.memref_slice %arg10[%add3A_29, %dma_wait3A_73] : memref<10240x64xf32, #tpu.memory_space<vmem_shared>> -> memref<128x64xf32, #tpu.memory_space<vmem_shared>>
      tpu.wait_dma2 semaphore(%run_scoped3A : memref<!tpu.dma_semaphore, #tpu.memory_space<semaphore_mem>>) src(%arg9 : memref<128x64xf32, #tpu.memory_space<vmem>>) dst(%dma_wait3A_74 : memref<128x64xf32, #tpu.memory_space<vmem_shared>>)
      tpu.yield
    }) : () -> ()
    %add3A_30 = arith.constant 384 : i32
    %add3A_31 = arith.addi %mul3A_11, %add3A_30 : i32
    "tpu.region"() ({
      %run_scoped3A = tpu.sem_alloc : memref<!tpu.dma_semaphore, #tpu.memory_space<semaphore_mem>>
      %dma_start3A = arith.constant 0 : i32
      %dma_start3A_69 = tpu.memref_slice %arg11[%add3A_31, %dma_start3A] : memref<10240x64xf32, #tpu.memory_space<vmem_shared>> -> memref<128x64xf32, #tpu.memory_space<vmem_shared>>
      %dma_start3A_70 = arith.constant 0 : i32
      %dma_start3A_71 = tpu.memref_slice %arg11[%add3A_31, %dma_start3A_70] : memref<10240x64xf32, #tpu.memory_space<vmem_shared>> -> memref<128x64xf32, #tpu.memory_space<vmem_shared>>
      tpu.enqueue_dma source(%arg8 : memref<128x64xf32, #tpu.memory_space<vmem>>) target(%dma_start3A_71 : memref<128x64xf32, #tpu.memory_space<vmem_shared>>) target_semaphore(%run_scoped3A : memref<!tpu.dma_semaphore, #tpu.memory_space<semaphore_mem>>)
      %dma_wait3A = arith.constant 0 : i32
      %dma_wait3A_72 = tpu.memref_slice %arg11[%add3A_31, %dma_wait3A] : memref<10240x64xf32, #tpu.memory_space<vmem_shared>> -> memref<128x64xf32, #tpu.memory_space<vmem_shared>>
      %dma_wait3A_73 = arith.constant 0 : i32
      %dma_wait3A_74 = tpu.memref_slice %arg11[%add3A_31, %dma_wait3A_73] : memref<10240x64xf32, #tpu.memory_space<vmem_shared>> -> memref<128x64xf32, #tpu.memory_space<vmem_shared>>
      tpu.wait_dma2 semaphore(%run_scoped3A : memref<!tpu.dma_semaphore, #tpu.memory_space<semaphore_mem>>) src(%arg8 : memref<128x64xf32, #tpu.memory_space<vmem>>) dst(%dma_wait3A_74 : memref<128x64xf32, #tpu.memory_space<vmem_shared>>)
      tpu.yield
    }) : () -> ()
    %add3A_32 = arith.constant 384 : i32
    %add3A_33 = arith.addi %mul3A_11, %add3A_32 : i32
    "tpu.region"() ({
      %run_scoped3A = tpu.sem_alloc : memref<!tpu.dma_semaphore, #tpu.memory_space<semaphore_mem>>
      %dma_start3A = arith.constant 0 : i32
      %dma_start3A_69 = tpu.memref_slice %arg2[%add3A_33, %dma_start3A] : memref<10240x64xf32, #tpu.memory_space<hbm>> -> memref<128x64xf32, #tpu.memory_space<hbm>>
      %dma_start3A_70 = arith.constant 0 : i32
      %dma_start3A_71 = tpu.memref_slice %arg2[%add3A_33, %dma_start3A_70] : memref<10240x64xf32, #tpu.memory_space<hbm>> -> memref<128x64xf32, #tpu.memory_space<hbm>>
      tpu.enqueue_dma source(%dma_start3A_71 : memref<128x64xf32, #tpu.memory_space<hbm>>) target(%arg9 : memref<128x64xf32, #tpu.memory_space<vmem>>) target_semaphore(%run_scoped3A : memref<!tpu.dma_semaphore, #tpu.memory_space<semaphore_mem>>)
      %dma_wait3A = arith.constant 0 : i32
      %dma_wait3A_72 = tpu.memref_slice %arg2[%add3A_33, %dma_wait3A] : memref<10240x64xf32, #tpu.memory_space<hbm>> -> memref<128x64xf32, #tpu.memory_space<hbm>>
      %dma_wait3A_73 = arith.constant 0 : i32
      %dma_wait3A_74 = tpu.memref_slice %arg2[%add3A_33, %dma_wait3A_73] : memref<10240x64xf32, #tpu.memory_space<hbm>> -> memref<128x64xf32, #tpu.memory_space<hbm>>
      tpu.wait_dma2 semaphore(%run_scoped3A : memref<!tpu.dma_semaphore, #tpu.memory_space<semaphore_mem>>) src(%dma_wait3A_74 : memref<128x64xf32, #tpu.memory_space<hbm>>) dst(%arg9 : memref<128x64xf32, #tpu.memory_space<vmem>>)
      tpu.yield
    }) : () -> ()
    %add3A_34 = arith.constant 384 : i32
    %add3A_35 = arith.addi %mul3A_11, %add3A_34 : i32
    "tpu.region"() ({
      %run_scoped3A = tpu.sem_alloc : memref<!tpu.dma_semaphore, #tpu.memory_space<semaphore_mem>>
      %dma_start3A = arith.constant 0 : i32
      %dma_start3A_69 = tpu.memref_slice %arg10[%add3A_35, %dma_start3A] : memref<10240x64xf32, #tpu.memory_space<vmem_shared>> -> memref<128x64xf32, #tpu.memory_space<vmem_shared>>
      %dma_start3A_70 = arith.constant 0 : i32
      %dma_start3A_71 = tpu.memref_slice %arg10[%add3A_35, %dma_start3A_70] : memref<10240x64xf32, #tpu.memory_space<vmem_shared>> -> memref<128x64xf32, #tpu.memory_space<vmem_shared>>
      tpu.enqueue_dma source(%arg9 : memref<128x64xf32, #tpu.memory_space<vmem>>) target(%dma_start3A_71 : memref<128x64xf32, #tpu.memory_space<vmem_shared>>) target_semaphore(%run_scoped3A : memref<!tpu.dma_semaphore, #tpu.memory_space<semaphore_mem>>)
      %dma_wait3A = arith.constant 0 : i32
      %dma_wait3A_72 = tpu.memref_slice %arg10[%add3A_35, %dma_wait3A] : memref<10240x64xf32, #tpu.memory_space<vmem_shared>> -> memref<128x64xf32, #tpu.memory_space<vmem_shared>>
      %dma_wait3A_73 = arith.constant 0 : i32
      %dma_wait3A_74 = tpu.memref_slice %arg10[%add3A_35, %dma_wait3A_73] : memref<10240x64xf32, #tpu.memory_space<vmem_shared>> -> memref<128x64xf32, #tpu.memory_space<vmem_shared>>
      tpu.wait_dma2 semaphore(%run_scoped3A : memref<!tpu.dma_semaphore, #tpu.memory_space<semaphore_mem>>) src(%arg9 : memref<128x64xf32, #tpu.memory_space<vmem>>) dst(%dma_wait3A_74 : memref<128x64xf32, #tpu.memory_space<vmem_shared>>)
      tpu.yield
    }) : () -> ()
    %add3A_36 = arith.constant 512 : i32
    %add3A_37 = arith.addi %mul3A_11, %add3A_36 : i32
    "tpu.region"() ({
      %run_scoped3A = tpu.sem_alloc : memref<!tpu.dma_semaphore, #tpu.memory_space<semaphore_mem>>
      %dma_start3A = arith.constant 0 : i32
      %dma_start3A_69 = tpu.memref_slice %arg11[%add3A_37, %dma_start3A] : memref<10240x64xf32, #tpu.memory_space<vmem_shared>> -> memref<128x64xf32, #tpu.memory_space<vmem_shared>>
      %dma_start3A_70 = arith.constant 0 : i32
      %dma_start3A_71 = tpu.memref_slice %arg11[%add3A_37, %dma_start3A_70] : memref<10240x64xf32, #tpu.memory_space<vmem_shared>> -> memref<128x64xf32, #tpu.memory_space<vmem_shared>>
      tpu.enqueue_dma source(%arg8 : memref<128x64xf32, #tpu.memory_space<vmem>>) target(%dma_start3A_71 : memref<128x64xf32, #tpu.memory_space<vmem_shared>>) target_semaphore(%run_scoped3A : memref<!tpu.dma_semaphore, #tpu.memory_space<semaphore_mem>>)
      %dma_wait3A = arith.constant 0 : i32
      %dma_wait3A_72 = tpu.memref_slice %arg11[%add3A_37, %dma_wait3A] : memref<10240x64xf32, #tpu.memory_space<vmem_shared>> -> memref<128x64xf32, #tpu.memory_space<vmem_shared>>
      %dma_wait3A_73 = arith.constant 0 : i32
      %dma_wait3A_74 = tpu.memref_slice %arg11[%add3A_37, %dma_wait3A_73] : memref<10240x64xf32, #tpu.memory_space<vmem_shared>> -> memref<128x64xf32, #tpu.memory_space<vmem_shared>>
      tpu.wait_dma2 semaphore(%run_scoped3A : memref<!tpu.dma_semaphore, #tpu.memory_space<semaphore_mem>>) src(%arg8 : memref<128x64xf32, #tpu.memory_space<vmem>>) dst(%dma_wait3A_74 : memref<128x64xf32, #tpu.memory_space<vmem_shared>>)
      tpu.yield
    }) : () -> ()
    %add3A_38 = arith.constant 512 : i32
    %add3A_39 = arith.addi %mul3A_11, %add3A_38 : i32
    "tpu.region"() ({
      %run_scoped3A = tpu.sem_alloc : memref<!tpu.dma_semaphore, #tpu.memory_space<semaphore_mem>>
      %dma_start3A = arith.constant 0 : i32
      %dma_start3A_69 = tpu.memref_slice %arg2[%add3A_39, %dma_start3A] : memref<10240x64xf32, #tpu.memory_space<hbm>> -> memref<128x64xf32, #tpu.memory_space<hbm>>
      %dma_start3A_70 = arith.constant 0 : i32
      %dma_start3A_71 = tpu.memref_slice %arg2[%add3A_39, %dma_start3A_70] : memref<10240x64xf32, #tpu.memory_space<hbm>> -> memref<128x64xf32, #tpu.memory_space<hbm>>
      tpu.enqueue_dma source(%dma_start3A_71 : memref<128x64xf32, #tpu.memory_space<hbm>>) target(%arg9 : memref<128x64xf32, #tpu.memory_space<vmem>>) target_semaphore(%run_scoped3A : memref<!tpu.dma_semaphore, #tpu.memory_space<semaphore_mem>>)
      %dma_wait3A = arith.constant 0 : i32
      %dma_wait3A_72 = tpu.memref_slice %arg2[%add3A_39, %dma_wait3A] : memref<10240x64xf32, #tpu.memory_space<hbm>> -> memref<128x64xf32, #tpu.memory_space<hbm>>
      %dma_wait3A_73 = arith.constant 0 : i32
      %dma_wait3A_74 = tpu.memref_slice %arg2[%add3A_39, %dma_wait3A_73] : memref<10240x64xf32, #tpu.memory_space<hbm>> -> memref<128x64xf32, #tpu.memory_space<hbm>>
      tpu.wait_dma2 semaphore(%run_scoped3A : memref<!tpu.dma_semaphore, #tpu.memory_space<semaphore_mem>>) src(%dma_wait3A_74 : memref<128x64xf32, #tpu.memory_space<hbm>>) dst(%arg9 : memref<128x64xf32, #tpu.memory_space<vmem>>)
      tpu.yield
    }) : () -> ()
    %add3A_40 = arith.constant 512 : i32
    %add3A_41 = arith.addi %mul3A_11, %add3A_40 : i32
    "tpu.region"() ({
      %run_scoped3A = tpu.sem_alloc : memref<!tpu.dma_semaphore, #tpu.memory_space<semaphore_mem>>
      %dma_start3A = arith.constant 0 : i32
      %dma_start3A_69 = tpu.memref_slice %arg10[%add3A_41, %dma_start3A] : memref<10240x64xf32, #tpu.memory_space<vmem_shared>> -> memref<128x64xf32, #tpu.memory_space<vmem_shared>>
      %dma_start3A_70 = arith.constant 0 : i32
      %dma_start3A_71 = tpu.memref_slice %arg10[%add3A_41, %dma_start3A_70] : memref<10240x64xf32, #tpu.memory_space<vmem_shared>> -> memref<128x64xf32, #tpu.memory_space<vmem_shared>>
      tpu.enqueue_dma source(%arg9 : memref<128x64xf32, #tpu.memory_space<vmem>>) target(%dma_start3A_71 : memref<128x64xf32, #tpu.memory_space<vmem_shared>>) target_semaphore(%run_scoped3A : memref<!tpu.dma_semaphore, #tpu.memory_space<semaphore_mem>>)
      %dma_wait3A = arith.constant 0 : i32
      %dma_wait3A_72 = tpu.memref_slice %arg10[%add3A_41, %dma_wait3A] : memref<10240x64xf32, #tpu.memory_space<vmem_shared>> -> memref<128x64xf32, #tpu.memory_space<vmem_shared>>
      %dma_wait3A_73 = arith.constant 0 : i32
      %dma_wait3A_74 = tpu.memref_slice %arg10[%add3A_41, %dma_wait3A_73] : memref<10240x64xf32, #tpu.memory_space<vmem_shared>> -> memref<128x64xf32, #tpu.memory_space<vmem_shared>>
      tpu.wait_dma2 semaphore(%run_scoped3A : memref<!tpu.dma_semaphore, #tpu.memory_space<semaphore_mem>>) src(%arg9 : memref<128x64xf32, #tpu.memory_space<vmem>>) dst(%dma_wait3A_74 : memref<128x64xf32, #tpu.memory_space<vmem_shared>>)
      tpu.yield
    }) : () -> ()
    %barrier3A = arith.constant 0 : index
    tpu.barrier barrier_id(%barrier3A)
    %scan3A_42 = arith.constant 0 : i32
    %scan3A_43 = arith.constant 0 : i32
    %scan3A_44 = arith.constant 41 : i32
    %scan3A_45 = arith.addi %scan3A_43, %scan3A_44 : i32
    %scan3A_46 = arith.constant 1 : i32
    scf.for %scan3A_69 = %scan3A_43 to %scan3A_45 step %scan3A_46  : i32 {
      %mul3A_70 = arith.constant 2 : i32
      %mul3A_71 = arith.muli %scan3A_69, %mul3A_70 : i32
      %add3A_72 = arith.constant 0 : i32
      %add3A_73 = arith.addi %mul3A_71, %add3A_72 : i32
      %sub3A = arith.constant 2 : i32
      %sub3A_74 = arith.subi %add3A_73, %sub3A : i32
      %ge3A = arith.constant 0 : i32
      %ge3A_75 = arith.cmpi sge, %sub3A_74, %ge3A : i32
      %convert_element_type3A = arith.extui %ge3A_75 : i1 to i32
      %cond3A = arith.constant 0 : i32
      %cond3A_76 = arith.cmpi ne, %convert_element_type3A, %cond3A : i32
      scf.if %cond3A_76 {
        %dma_wait3A = arith.constant 0 : i32
        %dma_wait3A_97 = tpu.memref_slice %arg6[%sub3A_74, %dma_wait3A] : memref<80x128xi32, #tpu.memory_space<vmem>> -> memref<1x128xi32, #tpu.memory_space<vmem>>
        %dma_wait3A_98 = tpu.memref_squeeze %dma_wait3A_97 : memref<1x128xi32, #tpu.memory_space<vmem>> -> memref<128xi32, #tpu.memory_space<vmem>>
        %dma_wait3A_99 = arith.constant 0 : i32
        %dma_wait3A_100 = arith.constant 0 : i32
        %dma_wait3A_101 = tpu.memref_slice %arg10[%dma_wait3A_99, %dma_wait3A_100] : memref<10240x64xf32, #tpu.memory_space<vmem_shared>> -> memref<10240x64xf32, #tpu.memory_space<vmem_shared>>
        tpu.wait_indirect_dma semaphore(%arg12 : memref<!tpu.dma_semaphore, #tpu.memory_space<semaphore_mem>>) src(%dma_wait3A_101 : memref<10240x64xf32, #tpu.memory_space<vmem_shared>>) dst(%arg8 : memref<128x64xf32, #tpu.memory_space<vmem>>)
        "tpu.region"() ({
          %run_scoped3A = tpu.sem_alloc : memref<!tpu.dma_semaphore, #tpu.memory_space<semaphore_mem>>
          %dma_start3A = arith.constant 0 : i32
          %dma_start3A_102 = tpu.memref_slice %arg7[%sub3A_74, %dma_start3A] : memref<80x128xi32, #tpu.memory_space<vmem>> -> memref<1x128xi32, #tpu.memory_space<vmem>>
          %dma_start3A_103 = tpu.memref_squeeze %dma_start3A_102 : memref<1x128xi32, #tpu.memory_space<vmem>> -> memref<128xi32, #tpu.memory_space<vmem>>
          %dma_start3A_104 = arith.constant 0 : i32
          %dma_start3A_105 = arith.constant 0 : i32
          %dma_start3A_106 = tpu.memref_slice %arg11[%dma_start3A_104, %dma_start3A_105] : memref<10240x64xf32, #tpu.memory_space<vmem_shared>> -> memref<10240x64xf32, #tpu.memory_space<vmem_shared>>
          tpu.enqueue_indirect_dma source(%arg8 : memref<128x64xf32, #tpu.memory_space<vmem>>) target(%dma_start3A_106 : memref<10240x64xf32, #tpu.memory_space<vmem_shared>>) offsets(%dma_start3A_103 : memref<128xi32, #tpu.memory_space<vmem>>) semaphore(%run_scoped3A : memref<!tpu.dma_semaphore, #tpu.memory_space<semaphore_mem>>) {add = true}
          %dma_wait3A_107 = arith.constant 0 : i32
          %dma_wait3A_108 = tpu.memref_slice %arg7[%sub3A_74, %dma_wait3A_107] : memref<80x128xi32, #tpu.memory_space<vmem>> -> memref<1x128xi32, #tpu.memory_space<vmem>>
          %dma_wait3A_109 = tpu.memref_squeeze %dma_wait3A_108 : memref<1x128xi32, #tpu.memory_space<vmem>> -> memref<128xi32, #tpu.memory_space<vmem>>
          %dma_wait3A_110 = arith.constant 0 : i32
          %dma_wait3A_111 = arith.constant 0 : i32
          %dma_wait3A_112 = tpu.memref_slice %arg11[%dma_wait3A_110, %dma_wait3A_111] : memref<10240x64xf32, #tpu.memory_space<vmem_shared>> -> memref<10240x64xf32, #tpu.memory_space<vmem_shared>>
          tpu.wait_indirect_dma semaphore(%run_scoped3A : memref<!tpu.dma_semaphore, #tpu.memory_space<semaphore_mem>>) src(%arg8 : memref<128x64xf32, #tpu.memory_space<vmem>>) dst(%dma_wait3A_112 : memref<10240x64xf32, #tpu.memory_space<vmem_shared>>)
          tpu.yield
        }) : () -> ()
      } else {
      }
      %lt3A = arith.constant 80 : i32
      %lt3A_77 = arith.cmpi slt, %add3A_73, %lt3A : i32
      %convert_element_type3A_78 = arith.extui %lt3A_77 : i1 to i32
      %cond3A_79 = arith.constant 0 : i32
      %cond3A_80 = arith.cmpi ne, %convert_element_type3A_78, %cond3A_79 : i32
      scf.if %cond3A_80 {
        %dma_start3A = arith.constant 0 : i32
        %dma_start3A_97 = tpu.memref_slice %arg6[%add3A_73, %dma_start3A] : memref<80x128xi32, #tpu.memory_space<vmem>> -> memref<1x128xi32, #tpu.memory_space<vmem>>
        %dma_start3A_98 = tpu.memref_squeeze %dma_start3A_97 : memref<1x128xi32, #tpu.memory_space<vmem>> -> memref<128xi32, #tpu.memory_space<vmem>>
        %dma_start3A_99 = arith.constant 0 : i32
        %dma_start3A_100 = arith.constant 0 : i32
        %dma_start3A_101 = tpu.memref_slice %arg10[%dma_start3A_99, %dma_start3A_100] : memref<10240x64xf32, #tpu.memory_space<vmem_shared>> -> memref<10240x64xf32, #tpu.memory_space<vmem_shared>>
        tpu.enqueue_indirect_dma source(%dma_start3A_101 : memref<10240x64xf32, #tpu.memory_space<vmem_shared>>) target(%arg8 : memref<128x64xf32, #tpu.memory_space<vmem>>) offsets(%dma_start3A_98 : memref<128xi32, #tpu.memory_space<vmem>>) semaphore(%arg12 : memref<!tpu.dma_semaphore, #tpu.memory_space<semaphore_mem>>)
      } else {
      }
      %mul3A_81 = arith.constant 2 : i32
      %mul3A_82 = arith.muli %scan3A_69, %mul3A_81 : i32
      %add3A_83 = arith.constant 1 : i32
      %add3A_84 = arith.addi %mul3A_82, %add3A_83 : i32
      %sub3A_85 = arith.constant 2 : i32
      %sub3A_86 = arith.subi %add3A_84, %sub3A_85 : i32
      %ge3A_87 = arith.constant 0 : i32
      %ge3A_88 = arith.cmpi sge, %sub3A_86, %ge3A_87 : i32
      %convert_element_type3A_89 = arith.extui %ge3A_88 : i1 to i32
      %cond3A_90 = arith.constant 0 : i32
      %cond3A_91 = arith.cmpi ne, %convert_element_type3A_89, %cond3A_90 : i32
      scf.if %cond3A_91 {
        %dma_wait3A = arith.constant 0 : i32
        %dma_wait3A_97 = tpu.memref_slice %arg6[%sub3A_86, %dma_wait3A] : memref<80x128xi32, #tpu.memory_space<vmem>> -> memref<1x128xi32, #tpu.memory_space<vmem>>
        %dma_wait3A_98 = tpu.memref_squeeze %dma_wait3A_97 : memref<1x128xi32, #tpu.memory_space<vmem>> -> memref<128xi32, #tpu.memory_space<vmem>>
        %dma_wait3A_99 = arith.constant 0 : i32
        %dma_wait3A_100 = arith.constant 0 : i32
        %dma_wait3A_101 = tpu.memref_slice %arg10[%dma_wait3A_99, %dma_wait3A_100] : memref<10240x64xf32, #tpu.memory_space<vmem_shared>> -> memref<10240x64xf32, #tpu.memory_space<vmem_shared>>
        tpu.wait_indirect_dma semaphore(%arg13 : memref<!tpu.dma_semaphore, #tpu.memory_space<semaphore_mem>>) src(%dma_wait3A_101 : memref<10240x64xf32, #tpu.memory_space<vmem_shared>>) dst(%arg9 : memref<128x64xf32, #tpu.memory_space<vmem>>)
        "tpu.region"() ({
          %run_scoped3A = tpu.sem_alloc : memref<!tpu.dma_semaphore, #tpu.memory_space<semaphore_mem>>
          %dma_start3A = arith.constant 0 : i32
          %dma_start3A_102 = tpu.memref_slice %arg7[%sub3A_86, %dma_start3A] : memref<80x128xi32, #tpu.memory_space<vmem>> -> memref<1x128xi32, #tpu.memory_space<vmem>>
          %dma_start3A_103 = tpu.memref_squeeze %dma_start3A_102 : memref<1x128xi32, #tpu.memory_space<vmem>> -> memref<128xi32, #tpu.memory_space<vmem>>
          %dma_start3A_104 = arith.constant 0 : i32
          %dma_start3A_105 = arith.constant 0 : i32
          %dma_start3A_106 = tpu.memref_slice %arg11[%dma_start3A_104, %dma_start3A_105] : memref<10240x64xf32, #tpu.memory_space<vmem_shared>> -> memref<10240x64xf32, #tpu.memory_space<vmem_shared>>
          tpu.enqueue_indirect_dma source(%arg9 : memref<128x64xf32, #tpu.memory_space<vmem>>) target(%dma_start3A_106 : memref<10240x64xf32, #tpu.memory_space<vmem_shared>>) offsets(%dma_start3A_103 : memref<128xi32, #tpu.memory_space<vmem>>) semaphore(%run_scoped3A : memref<!tpu.dma_semaphore, #tpu.memory_space<semaphore_mem>>) {add = true}
          %dma_wait3A_107 = arith.constant 0 : i32
          %dma_wait3A_108 = tpu.memref_slice %arg7[%sub3A_86, %dma_wait3A_107] : memref<80x128xi32, #tpu.memory_space<vmem>> -> memref<1x128xi32, #tpu.memory_space<vmem>>
          %dma_wait3A_109 = tpu.memref_squeeze %dma_wait3A_108 : memref<1x128xi32, #tpu.memory_space<vmem>> -> memref<128xi32, #tpu.memory_space<vmem>>
          %dma_wait3A_110 = arith.constant 0 : i32
          %dma_wait3A_111 = arith.constant 0 : i32
          %dma_wait3A_112 = tpu.memref_slice %arg11[%dma_wait3A_110, %dma_wait3A_111] : memref<10240x64xf32, #tpu.memory_space<vmem_shared>> -> memref<10240x64xf32, #tpu.memory_space<vmem_shared>>
          tpu.wait_indirect_dma semaphore(%run_scoped3A : memref<!tpu.dma_semaphore, #tpu.memory_space<semaphore_mem>>) src(%arg9 : memref<128x64xf32, #tpu.memory_space<vmem>>) dst(%dma_wait3A_112 : memref<10240x64xf32, #tpu.memory_space<vmem_shared>>)
          tpu.yield
        }) : () -> ()
      } else {
      }
      %lt3A_92 = arith.constant 80 : i32
      %lt3A_93 = arith.cmpi slt, %add3A_84, %lt3A_92 : i32
      %convert_element_type3A_94 = arith.extui %lt3A_93 : i1 to i32
      %cond3A_95 = arith.constant 0 : i32
      %cond3A_96 = arith.cmpi ne, %convert_element_type3A_94, %cond3A_95 : i32
      scf.if %cond3A_96 {
        %dma_start3A = arith.constant 0 : i32
        %dma_start3A_97 = tpu.memref_slice %arg6[%add3A_84, %dma_start3A] : memref<80x128xi32, #tpu.memory_space<vmem>> -> memref<1x128xi32, #tpu.memory_space<vmem>>
        %dma_start3A_98 = tpu.memref_squeeze %dma_start3A_97 : memref<1x128xi32, #tpu.memory_space<vmem>> -> memref<128xi32, #tpu.memory_space<vmem>>
        %dma_start3A_99 = arith.constant 0 : i32
        %dma_start3A_100 = arith.constant 0 : i32
        %dma_start3A_101 = tpu.memref_slice %arg10[%dma_start3A_99, %dma_start3A_100] : memref<10240x64xf32, #tpu.memory_space<vmem_shared>> -> memref<10240x64xf32, #tpu.memory_space<vmem_shared>>
        tpu.enqueue_indirect_dma source(%dma_start3A_101 : memref<10240x64xf32, #tpu.memory_space<vmem_shared>>) target(%arg9 : memref<128x64xf32, #tpu.memory_space<vmem>>) offsets(%dma_start3A_98 : memref<128xi32, #tpu.memory_space<vmem>>) semaphore(%arg13 : memref<!tpu.dma_semaphore, #tpu.memory_space<semaphore_mem>>)
      } else {
      }
    }
    %scan3A_47 = arith.constant 41 : i32
    %barrier3A_48 = arith.constant 0 : index
    tpu.barrier barrier_id(%barrier3A_48)
    %add3A_49 = arith.constant 0 : i32
    %add3A_50 = arith.addi %mul3A_11, %add3A_49 : i32
    "tpu.region"() ({
      %run_scoped3A = tpu.sem_alloc : memref<!tpu.dma_semaphore, #tpu.memory_space<semaphore_mem>>
      %dma_start3A = arith.constant 0 : i32
      %dma_start3A_69 = tpu.memref_slice %arg11[%add3A_50, %dma_start3A] : memref<10240x64xf32, #tpu.memory_space<vmem_shared>> -> memref<128x64xf32, #tpu.memory_space<vmem_shared>>
      %dma_start3A_70 = arith.constant 0 : i32
      %dma_start3A_71 = tpu.memref_slice %arg11[%add3A_50, %dma_start3A_70] : memref<10240x64xf32, #tpu.memory_space<vmem_shared>> -> memref<128x64xf32, #tpu.memory_space<vmem_shared>>
      tpu.enqueue_dma source(%dma_start3A_71 : memref<128x64xf32, #tpu.memory_space<vmem_shared>>) target(%arg8 : memref<128x64xf32, #tpu.memory_space<vmem>>) target_semaphore(%run_scoped3A : memref<!tpu.dma_semaphore, #tpu.memory_space<semaphore_mem>>)
      %dma_wait3A = arith.constant 0 : i32
      %dma_wait3A_72 = tpu.memref_slice %arg11[%add3A_50, %dma_wait3A] : memref<10240x64xf32, #tpu.memory_space<vmem_shared>> -> memref<128x64xf32, #tpu.memory_space<vmem_shared>>
      %dma_wait3A_73 = arith.constant 0 : i32
      %dma_wait3A_74 = tpu.memref_slice %arg11[%add3A_50, %dma_wait3A_73] : memref<10240x64xf32, #tpu.memory_space<vmem_shared>> -> memref<128x64xf32, #tpu.memory_space<vmem_shared>>
      tpu.wait_dma2 semaphore(%run_scoped3A : memref<!tpu.dma_semaphore, #tpu.memory_space<semaphore_mem>>) src(%dma_wait3A_74 : memref<128x64xf32, #tpu.memory_space<vmem_shared>>) dst(%arg8 : memref<128x64xf32, #tpu.memory_space<vmem>>)
      tpu.yield
    }) : () -> ()
    %add3A_51 = arith.constant 0 : i32
    %add3A_52 = arith.addi %mul3A_11, %add3A_51 : i32
    "tpu.region"() ({
      %run_scoped3A = tpu.sem_alloc : memref<!tpu.dma_semaphore, #tpu.memory_space<semaphore_mem>>
      %dma_start3A = arith.constant 0 : i32
      %dma_start3A_69 = tpu.memref_slice %arg5[%arg0, %add3A_52, %dma_start3A] : memref<2x10240x64xf32, #tpu.memory_space<hbm>> -> memref<1x128x64xf32, #tpu.memory_space<hbm>>
      %dma_start3A_70 = tpu.memref_squeeze %dma_start3A_69 : memref<1x128x64xf32, #tpu.memory_space<hbm>> -> memref<128x64xf32, #tpu.memory_space<hbm>>
      %dma_start3A_71 = arith.constant 0 : i32
      %dma_start3A_72 = tpu.memref_slice %arg5[%arg0, %add3A_52, %dma_start3A_71] : memref<2x10240x64xf32, #tpu.memory_space<hbm>> -> memref<1x128x64xf32, #tpu.memory_space<hbm>>
      %dma_start3A_73 = tpu.memref_squeeze %dma_start3A_72 : memref<1x128x64xf32, #tpu.memory_space<hbm>> -> memref<128x64xf32, #tpu.memory_space<hbm>>
      tpu.enqueue_dma source(%arg8 : memref<128x64xf32, #tpu.memory_space<vmem>>) target(%dma_start3A_73 : memref<128x64xf32, #tpu.memory_space<hbm>>) target_semaphore(%run_scoped3A : memref<!tpu.dma_semaphore, #tpu.memory_space<semaphore_mem>>)
      %dma_wait3A = arith.constant 0 : i32
      %dma_wait3A_74 = tpu.memref_slice %arg5[%arg0, %add3A_52, %dma_wait3A] : memref<2x10240x64xf32, #tpu.memory_space<hbm>> -> memref<1x128x64xf32, #tpu.memory_space<hbm>>
      %dma_wait3A_75 = tpu.memref_squeeze %dma_wait3A_74 : memref<1x128x64xf32, #tpu.memory_space<hbm>> -> memref<128x64xf32, #tpu.memory_space<hbm>>
      %dma_wait3A_76 = arith.constant 0 : i32
      %dma_wait3A_77 = tpu.memref_slice %arg5[%arg0, %add3A_52, %dma_wait3A_76] : memref<2x10240x64xf32, #tpu.memory_space<hbm>> -> memref<1x128x64xf32, #tpu.memory_space<hbm>>
      %dma_wait3A_78 = tpu.memref_squeeze %dma_wait3A_77 : memref<1x128x64xf32, #tpu.memory_space<hbm>> -> memref<128x64xf32, #tpu.memory_space<hbm>>
      tpu.wait_dma2 semaphore(%run_scoped3A : memref<!tpu.dma_semaphore, #tpu.memory_space<semaphore_mem>>) src(%arg8 : memref<128x64xf32, #tpu.memory_space<vmem>>) dst(%dma_wait3A_78 : memref<128x64xf32, #tpu.memory_space<hbm>>)
      tpu.yield
    }) : () -> ()
    %add3A_53 = arith.constant 128 : i32
    %add3A_54 = arith.addi %mul3A_11, %add3A_53 : i32
    "tpu.region"() ({
      %run_scoped3A = tpu.sem_alloc : memref<!tpu.dma_semaphore, #tpu.memory_space<semaphore_mem>>
      %dma_start3A = arith.constant 0 : i32
      %dma_start3A_69 = tpu.memref_slice %arg11[%add3A_54, %dma_start3A] : memref<10240x64xf32, #tpu.memory_space<vmem_shared>> -> memref<128x64xf32, #tpu.memory_space<vmem_shared>>
      %dma_start3A_70 = arith.constant 0 : i32
      %dma_start3A_71 = tpu.memref_slice %arg11[%add3A_54, %dma_start3A_70] : memref<10240x64xf32, #tpu.memory_space<vmem_shared>> -> memref<128x64xf32, #tpu.memory_space<vmem_shared>>
      tpu.enqueue_dma source(%dma_start3A_71 : memref<128x64xf32, #tpu.memory_space<vmem_shared>>) target(%arg8 : memref<128x64xf32, #tpu.memory_space<vmem>>) target_semaphore(%run_scoped3A : memref<!tpu.dma_semaphore, #tpu.memory_space<semaphore_mem>>)
      %dma_wait3A = arith.constant 0 : i32
      %dma_wait3A_72 = tpu.memref_slice %arg11[%add3A_54, %dma_wait3A] : memref<10240x64xf32, #tpu.memory_space<vmem_shared>> -> memref<128x64xf32, #tpu.memory_space<vmem_shared>>
      %dma_wait3A_73 = arith.constant 0 : i32
      %dma_wait3A_74 = tpu.memref_slice %arg11[%add3A_54, %dma_wait3A_73] : memref<10240x64xf32, #tpu.memory_space<vmem_shared>> -> memref<128x64xf32, #tpu.memory_space<vmem_shared>>
      tpu.wait_dma2 semaphore(%run_scoped3A : memref<!tpu.dma_semaphore, #tpu.memory_space<semaphore_mem>>) src(%dma_wait3A_74 : memref<128x64xf32, #tpu.memory_space<vmem_shared>>) dst(%arg8 : memref<128x64xf32, #tpu.memory_space<vmem>>)
      tpu.yield
    }) : () -> ()
    %add3A_55 = arith.constant 128 : i32
    %add3A_56 = arith.addi %mul3A_11, %add3A_55 : i32
    "tpu.region"() ({
      %run_scoped3A = tpu.sem_alloc : memref<!tpu.dma_semaphore, #tpu.memory_space<semaphore_mem>>
      %dma_start3A = arith.constant 0 : i32
      %dma_start3A_69 = tpu.memref_slice %arg5[%arg0, %add3A_56, %dma_start3A] : memref<2x10240x64xf32, #tpu.memory_space<hbm>> -> memref<1x128x64xf32, #tpu.memory_space<hbm>>
      %dma_start3A_70 = tpu.memref_squeeze %dma_start3A_69 : memref<1x128x64xf32, #tpu.memory_space<hbm>> -> memref<128x64xf32, #tpu.memory_space<hbm>>
      %dma_start3A_71 = arith.constant 0 : i32
      %dma_start3A_72 = tpu.memref_slice %arg5[%arg0, %add3A_56, %dma_start3A_71] : memref<2x10240x64xf32, #tpu.memory_space<hbm>> -> memref<1x128x64xf32, #tpu.memory_space<hbm>>
      %dma_start3A_73 = tpu.memref_squeeze %dma_start3A_72 : memref<1x128x64xf32, #tpu.memory_space<hbm>> -> memref<128x64xf32, #tpu.memory_space<hbm>>
      tpu.enqueue_dma source(%arg8 : memref<128x64xf32, #tpu.memory_space<vmem>>) target(%dma_start3A_73 : memref<128x64xf32, #tpu.memory_space<hbm>>) target_semaphore(%run_scoped3A : memref<!tpu.dma_semaphore, #tpu.memory_space<semaphore_mem>>)
      %dma_wait3A = arith.constant 0 : i32
      %dma_wait3A_74 = tpu.memref_slice %arg5[%arg0, %add3A_56, %dma_wait3A] : memref<2x10240x64xf32, #tpu.memory_space<hbm>> -> memref<1x128x64xf32, #tpu.memory_space<hbm>>
      %dma_wait3A_75 = tpu.memref_squeeze %dma_wait3A_74 : memref<1x128x64xf32, #tpu.memory_space<hbm>> -> memref<128x64xf32, #tpu.memory_space<hbm>>
      %dma_wait3A_76 = arith.constant 0 : i32
      %dma_wait3A_77 = tpu.memref_slice %arg5[%arg0, %add3A_56, %dma_wait3A_76] : memref<2x10240x64xf32, #tpu.memory_space<hbm>> -> memref<1x128x64xf32, #tpu.memory_space<hbm>>
      %dma_wait3A_78 = tpu.memref_squeeze %dma_wait3A_77 : memref<1x128x64xf32, #tpu.memory_space<hbm>> -> memref<128x64xf32, #tpu.memory_space<hbm>>
      tpu.wait_dma2 semaphore(%run_scoped3A : memref<!tpu.dma_semaphore, #tpu.memory_space<semaphore_mem>>) src(%arg8 : memref<128x64xf32, #tpu.memory_space<vmem>>) dst(%dma_wait3A_78 : memref<128x64xf32, #tpu.memory_space<hbm>>)
      tpu.yield
    }) : () -> ()
    %add3A_57 = arith.constant 256 : i32
    %add3A_58 = arith.addi %mul3A_11, %add3A_57 : i32
    "tpu.region"() ({
      %run_scoped3A = tpu.sem_alloc : memref<!tpu.dma_semaphore, #tpu.memory_space<semaphore_mem>>
      %dma_start3A = arith.constant 0 : i32
      %dma_start3A_69 = tpu.memref_slice %arg11[%add3A_58, %dma_start3A] : memref<10240x64xf32, #tpu.memory_space<vmem_shared>> -> memref<128x64xf32, #tpu.memory_space<vmem_shared>>
      %dma_start3A_70 = arith.constant 0 : i32
      %dma_start3A_71 = tpu.memref_slice %arg11[%add3A_58, %dma_start3A_70] : memref<10240x64xf32, #tpu.memory_space<vmem_shared>> -> memref<128x64xf32, #tpu.memory_space<vmem_shared>>
      tpu.enqueue_dma source(%dma_start3A_71 : memref<128x64xf32, #tpu.memory_space<vmem_shared>>) target(%arg8 : memref<128x64xf32, #tpu.memory_space<vmem>>) target_semaphore(%run_scoped3A : memref<!tpu.dma_semaphore, #tpu.memory_space<semaphore_mem>>)
      %dma_wait3A = arith.constant 0 : i32
      %dma_wait3A_72 = tpu.memref_slice %arg11[%add3A_58, %dma_wait3A] : memref<10240x64xf32, #tpu.memory_space<vmem_shared>> -> memref<128x64xf32, #tpu.memory_space<vmem_shared>>
      %dma_wait3A_73 = arith.constant 0 : i32
      %dma_wait3A_74 = tpu.memref_slice %arg11[%add3A_58, %dma_wait3A_73] : memref<10240x64xf32, #tpu.memory_space<vmem_shared>> -> memref<128x64xf32, #tpu.memory_space<vmem_shared>>
      tpu.wait_dma2 semaphore(%run_scoped3A : memref<!tpu.dma_semaphore, #tpu.memory_space<semaphore_mem>>) src(%dma_wait3A_74 : memref<128x64xf32, #tpu.memory_space<vmem_shared>>) dst(%arg8 : memref<128x64xf32, #tpu.memory_space<vmem>>)
      tpu.yield
    }) : () -> ()
    %add3A_59 = arith.constant 256 : i32
    %add3A_60 = arith.addi %mul3A_11, %add3A_59 : i32
    "tpu.region"() ({
      %run_scoped3A = tpu.sem_alloc : memref<!tpu.dma_semaphore, #tpu.memory_space<semaphore_mem>>
      %dma_start3A = arith.constant 0 : i32
      %dma_start3A_69 = tpu.memref_slice %arg5[%arg0, %add3A_60, %dma_start3A] : memref<2x10240x64xf32, #tpu.memory_space<hbm>> -> memref<1x128x64xf32, #tpu.memory_space<hbm>>
      %dma_start3A_70 = tpu.memref_squeeze %dma_start3A_69 : memref<1x128x64xf32, #tpu.memory_space<hbm>> -> memref<128x64xf32, #tpu.memory_space<hbm>>
      %dma_start3A_71 = arith.constant 0 : i32
      %dma_start3A_72 = tpu.memref_slice %arg5[%arg0, %add3A_60, %dma_start3A_71] : memref<2x10240x64xf32, #tpu.memory_space<hbm>> -> memref<1x128x64xf32, #tpu.memory_space<hbm>>
      %dma_start3A_73 = tpu.memref_squeeze %dma_start3A_72 : memref<1x128x64xf32, #tpu.memory_space<hbm>> -> memref<128x64xf32, #tpu.memory_space<hbm>>
      tpu.enqueue_dma source(%arg8 : memref<128x64xf32, #tpu.memory_space<vmem>>) target(%dma_start3A_73 : memref<128x64xf32, #tpu.memory_space<hbm>>) target_semaphore(%run_scoped3A : memref<!tpu.dma_semaphore, #tpu.memory_space<semaphore_mem>>)
      %dma_wait3A = arith.constant 0 : i32
      %dma_wait3A_74 = tpu.memref_slice %arg5[%arg0, %add3A_60, %dma_wait3A] : memref<2x10240x64xf32, #tpu.memory_space<hbm>> -> memref<1x128x64xf32, #tpu.memory_space<hbm>>
      %dma_wait3A_75 = tpu.memref_squeeze %dma_wait3A_74 : memref<1x128x64xf32, #tpu.memory_space<hbm>> -> memref<128x64xf32, #tpu.memory_space<hbm>>
      %dma_wait3A_76 = arith.constant 0 : i32
      %dma_wait3A_77 = tpu.memref_slice %arg5[%arg0, %add3A_60, %dma_wait3A_76] : memref<2x10240x64xf32, #tpu.memory_space<hbm>> -> memref<1x128x64xf32, #tpu.memory_space<hbm>>
      %dma_wait3A_78 = tpu.memref_squeeze %dma_wait3A_77 : memref<1x128x64xf32, #tpu.memory_space<hbm>> -> memref<128x64xf32, #tpu.memory_space<hbm>>
      tpu.wait_dma2 semaphore(%run_scoped3A : memref<!tpu.dma_semaphore, #tpu.memory_space<semaphore_mem>>) src(%arg8 : memref<128x64xf32, #tpu.memory_space<vmem>>) dst(%dma_wait3A_78 : memref<128x64xf32, #tpu.memory_space<hbm>>)
      tpu.yield
    }) : () -> ()
    %add3A_61 = arith.constant 384 : i32
    %add3A_62 = arith.addi %mul3A_11, %add3A_61 : i32
    "tpu.region"() ({
      %run_scoped3A = tpu.sem_alloc : memref<!tpu.dma_semaphore, #tpu.memory_space<semaphore_mem>>
      %dma_start3A = arith.constant 0 : i32
      %dma_start3A_69 = tpu.memref_slice %arg11[%add3A_62, %dma_start3A] : memref<10240x64xf32, #tpu.memory_space<vmem_shared>> -> memref<128x64xf32, #tpu.memory_space<vmem_shared>>
      %dma_start3A_70 = arith.constant 0 : i32
      %dma_start3A_71 = tpu.memref_slice %arg11[%add3A_62, %dma_start3A_70] : memref<10240x64xf32, #tpu.memory_space<vmem_shared>> -> memref<128x64xf32, #tpu.memory_space<vmem_shared>>
      tpu.enqueue_dma source(%dma_start3A_71 : memref<128x64xf32, #tpu.memory_space<vmem_shared>>) target(%arg8 : memref<128x64xf32, #tpu.memory_space<vmem>>) target_semaphore(%run_scoped3A : memref<!tpu.dma_semaphore, #tpu.memory_space<semaphore_mem>>)
      %dma_wait3A = arith.constant 0 : i32
      %dma_wait3A_72 = tpu.memref_slice %arg11[%add3A_62, %dma_wait3A] : memref<10240x64xf32, #tpu.memory_space<vmem_shared>> -> memref<128x64xf32, #tpu.memory_space<vmem_shared>>
      %dma_wait3A_73 = arith.constant 0 : i32
      %dma_wait3A_74 = tpu.memref_slice %arg11[%add3A_62, %dma_wait3A_73] : memref<10240x64xf32, #tpu.memory_space<vmem_shared>> -> memref<128x64xf32, #tpu.memory_space<vmem_shared>>
      tpu.wait_dma2 semaphore(%run_scoped3A : memref<!tpu.dma_semaphore, #tpu.memory_space<semaphore_mem>>) src(%dma_wait3A_74 : memref<128x64xf32, #tpu.memory_space<vmem_shared>>) dst(%arg8 : memref<128x64xf32, #tpu.memory_space<vmem>>)
      tpu.yield
    }) : () -> ()
    %add3A_63 = arith.constant 384 : i32
    %add3A_64 = arith.addi %mul3A_11, %add3A_63 : i32
    "tpu.region"() ({
      %run_scoped3A = tpu.sem_alloc : memref<!tpu.dma_semaphore, #tpu.memory_space<semaphore_mem>>
      %dma_start3A = arith.constant 0 : i32
      %dma_start3A_69 = tpu.memref_slice %arg5[%arg0, %add3A_64, %dma_start3A] : memref<2x10240x64xf32, #tpu.memory_space<hbm>> -> memref<1x128x64xf32, #tpu.memory_space<hbm>>
      %dma_start3A_70 = tpu.memref_squeeze %dma_start3A_69 : memref<1x128x64xf32, #tpu.memory_space<hbm>> -> memref<128x64xf32, #tpu.memory_space<hbm>>
      %dma_start3A_71 = arith.constant 0 : i32
      %dma_start3A_72 = tpu.memref_slice %arg5[%arg0, %add3A_64, %dma_start3A_71] : memref<2x10240x64xf32, #tpu.memory_space<hbm>> -> memref<1x128x64xf32, #tpu.memory_space<hbm>>
      %dma_start3A_73 = tpu.memref_squeeze %dma_start3A_72 : memref<1x128x64xf32, #tpu.memory_space<hbm>> -> memref<128x64xf32, #tpu.memory_space<hbm>>
      tpu.enqueue_dma source(%arg8 : memref<128x64xf32, #tpu.memory_space<vmem>>) target(%dma_start3A_73 : memref<128x64xf32, #tpu.memory_space<hbm>>) target_semaphore(%run_scoped3A : memref<!tpu.dma_semaphore, #tpu.memory_space<semaphore_mem>>)
      %dma_wait3A = arith.constant 0 : i32
      %dma_wait3A_74 = tpu.memref_slice %arg5[%arg0, %add3A_64, %dma_wait3A] : memref<2x10240x64xf32, #tpu.memory_space<hbm>> -> memref<1x128x64xf32, #tpu.memory_space<hbm>>
      %dma_wait3A_75 = tpu.memref_squeeze %dma_wait3A_74 : memref<1x128x64xf32, #tpu.memory_space<hbm>> -> memref<128x64xf32, #tpu.memory_space<hbm>>
      %dma_wait3A_76 = arith.constant 0 : i32
      %dma_wait3A_77 = tpu.memref_slice %arg5[%arg0, %add3A_64, %dma_wait3A_76] : memref<2x10240x64xf32, #tpu.memory_space<hbm>> -> memref<1x128x64xf32, #tpu.memory_space<hbm>>
      %dma_wait3A_78 = tpu.memref_squeeze %dma_wait3A_77 : memref<1x128x64xf32, #tpu.memory_space<hbm>> -> memref<128x64xf32, #tpu.memory_space<hbm>>
      tpu.wait_dma2 semaphore(%run_scoped3A : memref<!tpu.dma_semaphore, #tpu.memory_space<semaphore_mem>>) src(%arg8 : memref<128x64xf32, #tpu.memory_space<vmem>>) dst(%dma_wait3A_78 : memref<128x64xf32, #tpu.memory_space<hbm>>)
      tpu.yield
    }) : () -> ()
    %add3A_65 = arith.constant 512 : i32
    %add3A_66 = arith.addi %mul3A_11, %add3A_65 : i32
    "tpu.region"() ({
      %run_scoped3A = tpu.sem_alloc : memref<!tpu.dma_semaphore, #tpu.memory_space<semaphore_mem>>
      %dma_start3A = arith.constant 0 : i32
      %dma_start3A_69 = tpu.memref_slice %arg11[%add3A_66, %dma_start3A] : memref<10240x64xf32, #tpu.memory_space<vmem_shared>> -> memref<128x64xf32, #tpu.memory_space<vmem_shared>>
      %dma_start3A_70 = arith.constant 0 : i32
      %dma_start3A_71 = tpu.memref_slice %arg11[%add3A_66, %dma_start3A_70] : memref<10240x64xf32, #tpu.memory_space<vmem_shared>> -> memref<128x64xf32, #tpu.memory_space<vmem_shared>>
      tpu.enqueue_dma source(%dma_start3A_71 : memref<128x64xf32, #tpu.memory_space<vmem_shared>>) target(%arg8 : memref<128x64xf32, #tpu.memory_space<vmem>>) target_semaphore(%run_scoped3A : memref<!tpu.dma_semaphore, #tpu.memory_space<semaphore_mem>>)
      %dma_wait3A = arith.constant 0 : i32
      %dma_wait3A_72 = tpu.memref_slice %arg11[%add3A_66, %dma_wait3A] : memref<10240x64xf32, #tpu.memory_space<vmem_shared>> -> memref<128x64xf32, #tpu.memory_space<vmem_shared>>
      %dma_wait3A_73 = arith.constant 0 : i32
      %dma_wait3A_74 = tpu.memref_slice %arg11[%add3A_66, %dma_wait3A_73] : memref<10240x64xf32, #tpu.memory_space<vmem_shared>> -> memref<128x64xf32, #tpu.memory_space<vmem_shared>>
      tpu.wait_dma2 semaphore(%run_scoped3A : memref<!tpu.dma_semaphore, #tpu.memory_space<semaphore_mem>>) src(%dma_wait3A_74 : memref<128x64xf32, #tpu.memory_space<vmem_shared>>) dst(%arg8 : memref<128x64xf32, #tpu.memory_space<vmem>>)
      tpu.yield
    }) : () -> ()
    %add3A_67 = arith.constant 512 : i32
    %add3A_68 = arith.addi %mul3A_11, %add3A_67 : i32
    "tpu.region"() ({
      %run_scoped3A = tpu.sem_alloc : memref<!tpu.dma_semaphore, #tpu.memory_space<semaphore_mem>>
      %dma_start3A = arith.constant 0 : i32
      %dma_start3A_69 = tpu.memref_slice %arg5[%arg0, %add3A_68, %dma_start3A] : memref<2x10240x64xf32, #tpu.memory_space<hbm>> -> memref<1x128x64xf32, #tpu.memory_space<hbm>>
      %dma_start3A_70 = tpu.memref_squeeze %dma_start3A_69 : memref<1x128x64xf32, #tpu.memory_space<hbm>> -> memref<128x64xf32, #tpu.memory_space<hbm>>
      %dma_start3A_71 = arith.constant 0 : i32
      %dma_start3A_72 = tpu.memref_slice %arg5[%arg0, %add3A_68, %dma_start3A_71] : memref<2x10240x64xf32, #tpu.memory_space<hbm>> -> memref<1x128x64xf32, #tpu.memory_space<hbm>>
      %dma_start3A_73 = tpu.memref_squeeze %dma_start3A_72 : memref<1x128x64xf32, #tpu.memory_space<hbm>> -> memref<128x64xf32, #tpu.memory_space<hbm>>
      tpu.enqueue_dma source(%arg8 : memref<128x64xf32, #tpu.memory_space<vmem>>) target(%dma_start3A_73 : memref<128x64xf32, #tpu.memory_space<hbm>>) target_semaphore(%run_scoped3A : memref<!tpu.dma_semaphore, #tpu.memory_space<semaphore_mem>>)
      %dma_wait3A = arith.constant 0 : i32
      %dma_wait3A_74 = tpu.memref_slice %arg5[%arg0, %add3A_68, %dma_wait3A] : memref<2x10240x64xf32, #tpu.memory_space<hbm>> -> memref<1x128x64xf32, #tpu.memory_space<hbm>>
      %dma_wait3A_75 = tpu.memref_squeeze %dma_wait3A_74 : memref<1x128x64xf32, #tpu.memory_space<hbm>> -> memref<128x64xf32, #tpu.memory_space<hbm>>
      %dma_wait3A_76 = arith.constant 0 : i32
      %dma_wait3A_77 = tpu.memref_slice %arg5[%arg0, %add3A_68, %dma_wait3A_76] : memref<2x10240x64xf32, #tpu.memory_space<hbm>> -> memref<1x128x64xf32, #tpu.memory_space<hbm>>
      %dma_wait3A_78 = tpu.memref_squeeze %dma_wait3A_77 : memref<1x128x64xf32, #tpu.memory_space<hbm>> -> memref<128x64xf32, #tpu.memory_space<hbm>>
      tpu.wait_dma2 semaphore(%run_scoped3A : memref<!tpu.dma_semaphore, #tpu.memory_space<semaphore_mem>>) src(%arg8 : memref<128x64xf32, #tpu.memory_space<vmem>>) dst(%dma_wait3A_78 : memref<128x64xf32, #tpu.memory_space<hbm>>)
      tpu.yield
    }) : () -> ()
    return
  }
}

module attributes {stable_mosaic.version = 14 : i64} {
  func.func @_tc_mm_body(%arg0: memref<5120x256xf32, #tpu.memory_space<vmem>>, %arg1: memref<256x128xf32, #tpu.memory_space<vmem>>, %arg2: memref<5120x128xf32, #tpu.memory_space<vmem>>) attributes {dimension_semantics = [], scalar_prefetch = 0 : i64, scratch_operands = 0 : i64, tpu.core_type = #tpu.core_type<tc>} {
    %get3A = arith.constant 0 : index
    %get3A_0 = arith.constant 0 : index
    %get3A_1 = vector.load %arg0[%get3A, %get3A_0] : memref<5120x256xf32, #tpu.memory_space<vmem>>, vector<5120x256xf32>
    %get3A_2 = arith.constant 0 : index
    %get3A_3 = arith.constant 0 : index
    %get3A_4 = vector.load %arg1[%get3A_2, %get3A_3] : memref<256x128xf32, #tpu.memory_space<vmem>>, vector<256x128xf32>
    %dot_general3A = arith.constant dense<0.000000e+00> : vector<5120x128xf32>
    %dot_general3A_5 = tpu.matmul %get3A_1, %get3A_4, %dot_general3A {dimension_numbers = #tpu.dot_dimension_numbers<[1], [0], [0], [1], [0, 0, 1, 1], [], []>, transpose_lhs_hint = false} : vector<5120x256xf32>, vector<256x128xf32>, vector<5120x128xf32> -> vector<5120x128xf32>
    %swap3A = arith.constant 0 : index
    %swap3A_6 = arith.constant 0 : index
    %swap3A_7 = vector.load %arg2[%swap3A, %swap3A_6] : memref<5120x128xf32, #tpu.memory_space<vmem>>, vector<5120x128xf32>
    tpu.vector_store %arg2[%swap3A, %swap3A_6], %dot_general3A_5 {strides = array<i32>} : memref<5120x128xf32, #tpu.memory_space<vmem>>, vector<5120x128xf32>,
    return
  }
}

module attributes {stable_mosaic.version = 14 : i64} {
  func.func @_tc_scale_body(%arg0: memref<5120x128xf32, #tpu.memory_space<vmem>>, %arg1: memref<5120x2xf32, #tpu.memory_space<vmem>>, %arg2: memref<2x128xf32, #tpu.memory_space<vmem>>, %arg3: memref<5120x128xf32, #tpu.memory_space<vmem>>, %arg4: memref<5120x128xf32, #tpu.memory_space<vmem>>) attributes {dimension_semantics = [], scalar_prefetch = 0 : i64, scratch_operands = 0 : i64, tpu.core_type = #tpu.core_type<tc>} {
    %get3A = arith.constant 0 : index
    %get3A_0 = arith.constant 0 : index
    %get3A_1 = vector.load %arg1[%get3A, %get3A_0] : memref<5120x2xf32, #tpu.memory_space<vmem>>, vector<5120x2xf32>
    %add3A = arith.constant 1.000000e+00 : f32
    %add3A_2 = vector.broadcast %add3A : f32 to vector<5120x2xf32>
    %add3A_3 = arith.addf %get3A_1, %add3A_2 : vector<5120x2xf32>
    %rsqrt3A = math.rsqrt %add3A_3 : vector<5120x2xf32>
    %get3A_4 = arith.constant 0 : index
    %get3A_5 = arith.constant 0 : index
    %get3A_6 = vector.load %arg2[%get3A_4, %get3A_5] : memref<2x128xf32, #tpu.memory_space<vmem>>, vector<2x128xf32>
    %dot_general3A = arith.constant dense<0.000000e+00> : vector<5120x128xf32>
    %dot_general3A_7 = tpu.matmul %rsqrt3A, %get3A_6, %dot_general3A {dimension_numbers = #tpu.dot_dimension_numbers<[1], [0], [0], [1], [0, 0, 1, 1], [], []>, transpose_lhs_hint = false} : vector<5120x2xf32>, vector<2x128xf32>, vector<5120x128xf32> -> vector<5120x128xf32>
    %swap3A = arith.constant 0 : index
    %swap3A_8 = arith.constant 0 : index
    %swap3A_9 = vector.load %arg4[%swap3A, %swap3A_8] : memref<5120x128xf32, #tpu.memory_space<vmem>>, vector<5120x128xf32>
    tpu.vector_store %arg4[%swap3A, %swap3A_8], %dot_general3A_7 {strides = array<i32>} : memref<5120x128xf32, #tpu.memory_space<vmem>>, vector<5120x128xf32>,
    %get3A_10 = arith.constant 0 : index
    %get3A_11 = arith.constant 0 : index
    %get3A_12 = vector.load %arg0[%get3A_10, %get3A_11] : memref<5120x128xf32, #tpu.memory_space<vmem>>, vector<5120x128xf32>
    %mul3A = arith.mulf %get3A_12, %dot_general3A_7 : vector<5120x128xf32>
    %swap3A_13 = arith.constant 0 : index
    %swap3A_14 = arith.constant 0 : index
    %swap3A_15 = vector.load %arg3[%swap3A_13, %swap3A_14] : memref<5120x128xf32, #tpu.memory_space<vmem>>, vector<5120x128xf32>
    tpu.vector_store %arg3[%swap3A_13, %swap3A_14], %mul3A {strides = array<i32>} : memref<5120x128xf32, #tpu.memory_space<vmem>>, vector<5120x128xf32>,
    return
  }
}

module attributes {stable_mosaic.version = 14 : i64} {
  func.func @_tc_b_body(%arg0: memref<2x5120x128xf32, #tpu.memory_space<vmem>>, %arg1: memref<5120x128xf32, #tpu.memory_space<vmem>>, %arg2: memref<5120x128xf32, #tpu.memory_space<vmem>>, %arg3: memref<1x128xf32, #tpu.memory_space<vmem>>, %arg4: memref<128x128xf32, #tpu.memory_space<vmem>>, %arg5: memref<5120x128xf32, #tpu.memory_space<vmem>>) attributes {dimension_semantics = [], scalar_prefetch = 0 : i64, scratch_operands = 0 : i64, tpu.core_type = #tpu.core_type<tc>} {
    %get3A = arith.constant 0 : index
    %get3A_0 = arith.constant 0 : index
    %get3A_1 = arith.constant 0 : index
    %get3A_2 = vector.load %arg0[%get3A, %get3A_0, %get3A_1] : memref<2x5120x128xf32, #tpu.memory_space<vmem>>, vector<1x5120x128xf32>
    %get3A_3 = vector.shape_cast %get3A_2 : vector<1x5120x128xf32> to vector<5120x128xf32>
    %get3A_4 = arith.constant 1 : index
    %get3A_5 = arith.constant 0 : index
    %get3A_6 = arith.constant 0 : index
    %get3A_7 = vector.load %arg0[%get3A_4, %get3A_5, %get3A_6] : memref<2x5120x128xf32, #tpu.memory_space<vmem>>, vector<1x5120x128xf32>
    %get3A_8 = vector.shape_cast %get3A_7 : vector<1x5120x128xf32> to vector<5120x128xf32>
    %add3A = arith.addf %get3A_3, %get3A_8 : vector<5120x128xf32>
    %get3A_9 = arith.constant 0 : index
    %get3A_10 = arith.constant 0 : index
    %get3A_11 = vector.load %arg2[%get3A_9, %get3A_10] : memref<5120x128xf32, #tpu.memory_space<vmem>>, vector<5120x128xf32>
    %get3A_12 = arith.constant 0 : index
    %get3A_13 = arith.constant 0 : index
    %get3A_14 = vector.load %arg1[%get3A_12, %get3A_13] : memref<5120x128xf32, #tpu.memory_space<vmem>>, vector<5120x128xf32>
    %add3A_15 = arith.addf %add3A, %get3A_14 : vector<5120x128xf32>
    %mul3A = arith.mulf %get3A_11, %add3A_15 : vector<5120x128xf32>
    %get3A_16 = arith.constant 0 : index
    %get3A_17 = arith.constant 0 : index
    %get3A_18 = vector.load %arg3[%get3A_16, %get3A_17] : memref<1x128xf32, #tpu.memory_space<vmem>>, vector<1x128xf32>
    %add3A_19 = vector.broadcast %get3A_18 : vector<1x128xf32> to vector<5120x128xf32>
    %add3A_20 = arith.addf %mul3A, %add3A_19 : vector<5120x128xf32>
    %max3A = arith.constant 0.000000e+00 : f32
    %max3A_21 = vector.broadcast %max3A : f32 to vector<5120x128xf32>
    %max3A_22 = arith.maximumf %add3A_20, %max3A_21 : vector<5120x128xf32>
    %get3A_23 = arith.constant 0 : index
    %get3A_24 = arith.constant 0 : index
    %get3A_25 = vector.load %arg4[%get3A_23, %get3A_24] : memref<128x128xf32, #tpu.memory_space<vmem>>, vector<128x128xf32>
    %dot_general3A = arith.constant dense<0.000000e+00> : vector<5120x128xf32>
    %dot_general3A_26 = tpu.matmul %max3A_22, %get3A_25, %dot_general3A {dimension_numbers = #tpu.dot_dimension_numbers<[1], [0], [0], [1], [0, 0, 1, 1], [], []>, transpose_lhs_hint = false} : vector<5120x128xf32>, vector<128x128xf32>, vector<5120x128xf32> -> vector<5120x128xf32>
    %get3A_27 = arith.constant 0 : index
    %get3A_28 = arith.constant 0 : index
    %get3A_29 = vector.load %arg2[%get3A_27, %get3A_28] : memref<5120x128xf32, #tpu.memory_space<vmem>>, vector<5120x128xf32>
    %mul3A_30 = arith.mulf %dot_general3A_26, %get3A_29 : vector<5120x128xf32>
    %swap3A = arith.constant 0 : index
    %swap3A_31 = arith.constant 0 : index
    %swap3A_32 = vector.load %arg5[%swap3A, %swap3A_31] : memref<5120x128xf32, #tpu.memory_space<vmem>>, vector<5120x128xf32>
    tpu.vector_store %arg5[%swap3A, %swap3A_31], %mul3A_30 {strides = array<i32>} : memref<5120x128xf32, #tpu.memory_space<vmem>>, vector<5120x128xf32>,
    return
  }
}

module attributes {stable_mosaic.version = 14 : i64} {
  func.func @_tc_pool_body(%arg0: i32, %arg1: memref<2x1024x128xf32, #tpu.memory_space<vmem>>, %arg2: memref<1024x128xf32, #tpu.memory_space<vmem>>, %arg3: memref<1024x128xf32, #tpu.memory_space<vmem>>, %arg4: memref<1x128xf32, #tpu.memory_space<vmem>>, %arg5: memref<1x1024xi32, #tpu.memory_space<vmem>>, %arg6: memref<1x1024xi32, #tpu.memory_space<vmem>>, %arg7: memref<64x64xf32, #tpu.memory_space<vmem>>, %arg8: memref<1x64xf32, #tpu.memory_space<vmem>>, %arg9: memref<512x64xf32, #tpu.memory_space<vmem>>, %arg10: memref<512x64xf32, #tpu.memory_space<vmem>>, %arg11: memref<512x1xf32, #tpu.memory_space<vmem>>) attributes {dimension_semantics = [#tpu.dimension_semantics<arbitrary>], iteration_bounds = array<i64: 5>, scalar_prefetch = 0 : i64, scratch_operands = 2 : i64, tpu.core_type = #tpu.core_type<tc>, window_params = [{transform_indices = @transform_0, window_bounds = array<i64: 2, 1024, 128>}, {transform_indices = @transform_1, window_bounds = array<i64: 1024, 128>}, {transform_indices = @transform_2, window_bounds = array<i64: 1024, 128>}, {pipeline_mode = #tpu.pipeline_mode<synchronous>, transform_indices = @transform_3, window_bounds = array<i64: 1, 128>}, {transform_indices = @transform_4, window_bounds = array<i64: 1, 1024>}, {transform_indices = @transform_5, window_bounds = array<i64: 1, 1024>}, {pipeline_mode = #tpu.pipeline_mode<synchronous>, transform_indices = @transform_6, window_bounds = array<i64: 64, 64>}, {pipeline_mode = #tpu.pipeline_mode<synchronous>, transform_indices = @transform_7, window_bounds = array<i64: 1, 64>}, {pipeline_mode = #tpu.pipeline_mode<synchronous>, transform_indices = @transform_8, window_bounds = array<i64: 512, 64>}]} {
    %eq3A = arith.constant 0 : i32
    %eq3A_0 = arith.cmpi eq, %arg0, %eq3A : i32
    %convert_element_type3A = arith.extui %eq3A_0 : i1 to i32
    %cond3A = arith.constant 0 : i32
    %cond3A_1 = arith.cmpi ne, %convert_element_type3A, %cond3A : i32
    scf.if %cond3A_1 {
      %broadcast_in_dim3A_79 = arith.constant 0.000000e+00 : f32
      %broadcast_in_dim3A_80 = vector.broadcast %broadcast_in_dim3A_79 : f32 to vector<512x64xf32>
      %swap3A_81 = arith.constant 0 : index
      %swap3A_82 = arith.constant 0 : index
      %swap3A_83 = vector.load %arg10[%swap3A_81, %swap3A_82] : memref<512x64xf32, #tpu.memory_space<vmem>>, vector<512x64xf32>
      tpu.vector_store %arg10[%swap3A_81, %swap3A_82], %broadcast_in_dim3A_80 {strides = array<i32>} : memref<512x64xf32, #tpu.memory_space<vmem>>, vector<512x64xf32>,
      %broadcast_in_dim3A_84 = arith.constant 0.000000e+00 : f32
      %broadcast_in_dim3A_85 = vector.broadcast %broadcast_in_dim3A_84 : f32 to vector<512x1xf32>
      %swap3A_86 = arith.constant 0 : index
      %swap3A_87 = arith.constant 0 : index
      %swap3A_88 = vector.load %arg11[%swap3A_86, %swap3A_87] : memref<512x1xf32, #tpu.memory_space<vmem>>, vector<512x1xf32>
      tpu.vector_store %arg11[%swap3A_86, %swap3A_87], %broadcast_in_dim3A_85 {strides = array<i32>} : memref<512x1xf32, #tpu.memory_space<vmem>>, vector<512x1xf32>,
    } else {
    }
    %get3A = arith.constant 0 : index
    %get3A_2 = arith.constant 0 : index
    %get3A_3 = arith.constant 0 : index
    %get3A_4 = vector.load %arg1[%get3A, %get3A_2, %get3A_3] : memref<2x1024x128xf32, #tpu.memory_space<vmem>>, vector<1x1024x128xf32>
    %get3A_5 = vector.shape_cast %get3A_4 : vector<1x1024x128xf32> to vector<1024x128xf32>
    %get3A_6 = arith.constant 1 : index
    %get3A_7 = arith.constant 0 : index
    %get3A_8 = arith.constant 0 : index
    %get3A_9 = vector.load %arg1[%get3A_6, %get3A_7, %get3A_8] : memref<2x1024x128xf32, #tpu.memory_space<vmem>>, vector<1x1024x128xf32>
    %get3A_10 = vector.shape_cast %get3A_9 : vector<1x1024x128xf32> to vector<1024x128xf32>
    %add3A = arith.addf %get3A_5, %get3A_10 : vector<1024x128xf32>
    %get3A_11 = arith.constant 0 : index
    %get3A_12 = arith.constant 0 : index
    %get3A_13 = vector.load %arg3[%get3A_11, %get3A_12] : memref<1024x128xf32, #tpu.memory_space<vmem>>, vector<1024x128xf32>
    %get3A_14 = arith.constant 0 : index
    %get3A_15 = arith.constant 0 : index
    %get3A_16 = vector.load %arg2[%get3A_14, %get3A_15] : memref<1024x128xf32, #tpu.memory_space<vmem>>, vector<1024x128xf32>
    %add3A_17 = arith.addf %add3A, %get3A_16 : vector<1024x128xf32>
    %mul3A = arith.mulf %get3A_13, %add3A_17 : vector<1024x128xf32>
    %get3A_18 = arith.constant 0 : index
    %get3A_19 = arith.constant 0 : index
    %get3A_20 = vector.load %arg4[%get3A_18, %get3A_19] : memref<1x128xf32, #tpu.memory_space<vmem>>, vector<1x128xf32>
    %add3A_21 = vector.broadcast %get3A_20 : vector<1x128xf32> to vector<1024x128xf32>
    %add3A_22 = arith.addf %mul3A, %add3A_21 : vector<1024x128xf32>
    %max3A = arith.constant 0.000000e+00 : f32
    %max3A_23 = vector.broadcast %max3A : f32 to vector<1024x128xf32>
    %max3A_24 = arith.maximumf %add3A_22, %max3A_23 : vector<1024x128xf32>
    %iota3A = tpu.iota {dimensions = array<i32: 0>} : vector<512x1024xi32>
    %get3A_25 = arith.constant 0 : index
    %get3A_26 = arith.constant 0 : index
    %get3A_27 = vector.load %arg5[%get3A_25, %get3A_26] : memref<1x1024xi32, #tpu.memory_space<vmem>>, vector<1x1024xi32>
    %eq3A_28 = vector.broadcast %get3A_27 : vector<1x1024xi32> to vector<512x1024xi32>
    %eq3A_29 = arith.cmpi eq, %eq3A_28, %iota3A : vector<512x1024xi32>
    %convert_element_type3A_30 = arith.extui %eq3A_29 : vector<512x1024xi1> to vector<512x1024xi32>
    %convert_element_type3A_31 = arith.sitofp %convert_element_type3A_30 : vector<512x1024xi32> to vector<512x1024xf32>
    %get3A_32 = arith.constant 0 : index
    %get3A_33 = arith.constant 0 : index
    %get3A_34 = vector.load %arg6[%get3A_32, %get3A_33] : memref<1x1024xi32, #tpu.memory_space<vmem>>, vector<1x1024xi32>
    %eq3A_35 = vector.broadcast %get3A_34 : vector<1x1024xi32> to vector<512x1024xi32>
    %eq3A_36 = arith.cmpi eq, %eq3A_35, %iota3A : vector<512x1024xi32>
    %convert_element_type3A_37 = arith.extui %eq3A_36 : vector<512x1024xi1> to vector<512x1024xi32>
    %convert_element_type3A_38 = arith.sitofp %convert_element_type3A_37 : vector<512x1024xi32> to vector<512x1024xf32>
    %get3A_39 = arith.constant 0 : index
    %get3A_40 = arith.constant 0 : index
    %get3A_41 = vector.load %arg10[%get3A_39, %get3A_40] : memref<512x64xf32, #tpu.memory_space<vmem>>, vector<512x64xf32>
    %slice3A = vector.extract_strided_slice %max3A_24 {offsets = [0, 0], sizes = [1024, 64], strides = [1, 1]} : vector<1024x128xf32> to vector<1024x64xf32>
    %dot_general3A = arith.constant dense<0.000000e+00> : vector<512x64xf32>
    %dot_general3A_42 = tpu.matmul %convert_element_type3A_31, %slice3A, %dot_general3A {dimension_numbers = #tpu.dot_dimension_numbers<[1], [0], [0], [1], [0, 0, 1, 1], [], []>, transpose_lhs_hint = false} : vector<512x1024xf32>, vector<1024x64xf32>, vector<512x64xf32> -> vector<512x64xf32>
    %add3A_43 = arith.addf %get3A_41, %dot_general3A_42 : vector<512x64xf32>
    %swap3A = arith.constant 0 : index
    %swap3A_44 = arith.constant 0 : index
    %swap3A_45 = vector.load %arg10[%swap3A, %swap3A_44] : memref<512x64xf32, #tpu.memory_space<vmem>>, vector<512x64xf32>
    tpu.vector_store %arg10[%swap3A, %swap3A_44], %add3A_43 {strides = array<i32>} : memref<512x64xf32, #tpu.memory_space<vmem>>, vector<512x64xf32>,
    %get3A_46 = arith.constant 0 : index
    %get3A_47 = arith.constant 0 : index
    %get3A_48 = vector.load %arg10[%get3A_46, %get3A_47] : memref<512x64xf32, #tpu.memory_space<vmem>>, vector<512x64xf32>
    %slice3A_49 = vector.extract_strided_slice %max3A_24 {offsets = [0, 64], sizes = [1024, 64], strides = [1, 1]} : vector<1024x128xf32> to vector<1024x64xf32>
    %dot_general3A_50 = arith.constant dense<0.000000e+00> : vector<512x64xf32>
    %dot_general3A_51 = tpu.matmul %convert_element_type3A_38, %slice3A_49, %dot_general3A_50 {dimension_numbers = #tpu.dot_dimension_numbers<[1], [0], [0], [1], [0, 0, 1, 1], [], []>, transpose_lhs_hint = false} : vector<512x1024xf32>, vector<1024x64xf32>, vector<512x64xf32> -> vector<512x64xf32>
    %add3A_52 = arith.addf %get3A_48, %dot_general3A_51 : vector<512x64xf32>
    %swap3A_53 = arith.constant 0 : index
    %swap3A_54 = arith.constant 0 : index
    %swap3A_55 = vector.load %arg10[%swap3A_53, %swap3A_54] : memref<512x64xf32, #tpu.memory_space<vmem>>, vector<512x64xf32>
    tpu.vector_store %arg10[%swap3A_53, %swap3A_54], %add3A_52 {strides = array<i32>} : memref<512x64xf32, #tpu.memory_space<vmem>>, vector<512x64xf32>,
    %get3A_56 = arith.constant 0 : index
    %get3A_57 = arith.constant 0 : index
    %get3A_58 = vector.load %arg11[%get3A_56, %get3A_57] : memref<512x1xf32, #tpu.memory_space<vmem>>, vector<512x1xf32>
    %reduce_sum3A = arith.constant dense<0.000000e+00> : vector<512xf32>
    %reduce_sum3A_59 = vector.multi_reduction <add>, %convert_element_type3A_31, %reduce_sum3A [1] : vector<512x1024xf32> to vector<512xf32>
    %broadcast_in_dim3A = vector.shape_cast %reduce_sum3A_59 : vector<512xf32> to vector<512x1xf32>
    %add3A_60 = arith.addf %get3A_58, %broadcast_in_dim3A : vector<512x1xf32>
    %swap3A_61 = arith.constant 0 : index
    %swap3A_62 = arith.constant 0 : index
    %swap3A_63 = vector.load %arg11[%swap3A_61, %swap3A_62] : memref<512x1xf32, #tpu.memory_space<vmem>>, vector<512x1xf32>
    tpu.vector_store %arg11[%swap3A_61, %swap3A_62], %add3A_60 {strides = array<i32>} : memref<512x1xf32, #tpu.memory_space<vmem>>, vector<512x1xf32>,
    %get3A_64 = arith.constant 0 : index
    %get3A_65 = arith.constant 0 : index
    %get3A_66 = vector.load %arg11[%get3A_64, %get3A_65] : memref<512x1xf32, #tpu.memory_space<vmem>>, vector<512x1xf32>
    %reduce_sum3A_67 = arith.constant dense<0.000000e+00> : vector<512xf32>
    %reduce_sum3A_68 = vector.multi_reduction <add>, %convert_element_type3A_38, %reduce_sum3A_67 [1] : vector<512x1024xf32> to vector<512xf32>
    %broadcast_in_dim3A_69 = vector.shape_cast %reduce_sum3A_68 : vector<512xf32> to vector<512x1xf32>
    %add3A_70 = arith.addf %get3A_66, %broadcast_in_dim3A_69 : vector<512x1xf32>
    %swap3A_71 = arith.constant 0 : index
    %swap3A_72 = arith.constant 0 : index
    %swap3A_73 = vector.load %arg11[%swap3A_71, %swap3A_72] : memref<512x1xf32, #tpu.memory_space<vmem>>, vector<512x1xf32>
    tpu.vector_store %arg11[%swap3A_71, %swap3A_72], %add3A_70 {strides = array<i32>} : memref<512x1xf32, #tpu.memory_space<vmem>>, vector<512x1xf32>,
    %eq3A_74 = arith.constant 4 : i32
    %eq3A_75 = arith.cmpi eq, %arg0, %eq3A_74 : i32
    %convert_element_type3A_76 = arith.extui %eq3A_75 : i1 to i32
    %cond3A_77 = arith.constant 0 : i32
    %cond3A_78 = arith.cmpi ne, %convert_element_type3A_76, %cond3A_77 : i32
    scf.if %cond3A_78 {
      %get3A_79 = arith.constant 0 : index
      %get3A_80 = arith.constant 0 : index
      %get3A_81 = vector.load %arg10[%get3A_79, %get3A_80] : memref<512x64xf32, #tpu.memory_space<vmem>>, vector<512x64xf32>
      %get3A_82 = arith.constant 0 : index
      %get3A_83 = arith.constant 0 : index
      %get3A_84 = vector.load %arg11[%get3A_82, %get3A_83] : memref<512x1xf32, #tpu.memory_space<vmem>>, vector<512x1xf32>
      %max3A_85 = arith.constant 1.000000e+00 : f32
      %max3A_86 = vector.broadcast %max3A_85 : f32 to vector<512x1xf32>
      %max3A_87 = arith.maximumf %get3A_84, %max3A_86 : vector<512x1xf32>
      %div3A = vector.broadcast %max3A_87 : vector<512x1xf32> to vector<512x64xf32>
      %div3A_88 = arith.divf %get3A_81, %div3A : vector<512x64xf32>
      %get3A_89 = arith.constant 0 : index
      %get3A_90 = arith.constant 0 : index
      %get3A_91 = vector.load %arg7[%get3A_89, %get3A_90] : memref<64x64xf32, #tpu.memory_space<vmem>>, vector<64x64xf32>
      %dot_general3A_92 = arith.constant dense<0.000000e+00> : vector<512x64xf32>
      %dot_general3A_93 = tpu.matmul %div3A_88, %get3A_91, %dot_general3A_92 {dimension_numbers = #tpu.dot_dimension_numbers<[1], [0], [0], [1], [0, 0, 1, 1], [], []>, transpose_lhs_hint = false} : vector<512x64xf32>, vector<64x64xf32>, vector<512x64xf32> -> vector<512x64xf32>
      %get3A_94 = arith.constant 0 : index
      %get3A_95 = arith.constant 0 : index
      %get3A_96 = vector.load %arg8[%get3A_94, %get3A_95] : memref<1x64xf32, #tpu.memory_space<vmem>>, vector<1x64xf32>
      %add3A_97 = vector.broadcast %get3A_96 : vector<1x64xf32> to vector<512x64xf32>
      %add3A_98 = arith.addf %dot_general3A_93, %add3A_97 : vector<512x64xf32>
      %swap3A_99 = arith.constant 0 : index
      %swap3A_100 = arith.constant 0 : index
      %swap3A_101 = vector.load %arg9[%swap3A_99, %swap3A_100] : memref<512x64xf32, #tpu.memory_space<vmem>>, vector<512x64xf32>
      tpu.vector_store %arg9[%swap3A_99, %swap3A_100], %add3A_98 {strides = array<i32>} : memref<512x64xf32, #tpu.memory_space<vmem>>, vector<512x64xf32>,
    } else {
    }
    return
  }
  func.func @transform_0(%arg0: i32) -> (i32, i32, i32) {
    %c0_i32 = arith.constant 0 : i32
    %c0_i32_0 = arith.constant 0 : i32
    %c0_i32_1 = arith.constant 0 : i32
    return %c0_i32, %arg0, %c0_i32_0 : i32, i32, i32
  }
  func.func @transform_1(%arg0: i32) -> (i32, i32) {
    %c0_i32 = arith.constant 0 : i32
    %c0_i32_0 = arith.constant 0 : i32
    return %arg0, %c0_i32 : i32, i32
  }
  func.func @transform_2(%arg0: i32) -> (i32, i32) {
    %c0_i32 = arith.constant 0 : i32
    %c0_i32_0 = arith.constant 0 : i32
    return %arg0, %c0_i32 : i32, i32
  }
  func.func @transform_3(%arg0: i32) -> (i32, i32) {
    %c0_i32 = arith.constant 0 : i32
    %c0_i32_0 = arith.constant 0 : i32
    %c0_i32_1 = arith.constant 0 : i32
    return %c0_i32, %c0_i32_0 : i32, i32
  }
  func.func @transform_4(%arg0: i32) -> (i32, i32) {
    %c0_i32 = arith.constant 0 : i32
    %c0_i32_0 = arith.constant 0 : i32
    return %c0_i32, %arg0 : i32, i32
  }
  func.func @transform_5(%arg0: i32) -> (i32, i32) {
    %c0_i32 = arith.constant 0 : i32
    %c0_i32_0 = arith.constant 0 : i32
    return %c0_i32, %arg0 : i32, i32
  }
  func.func @transform_6(%arg0: i32) -> (i32, i32) {
    %c0_i32 = arith.constant 0 : i32
    %c0_i32_0 = arith.constant 0 : i32
    %c0_i32_1 = arith.constant 0 : i32
    return %c0_i32, %c0_i32_0 : i32, i32
  }
  func.func @transform_7(%arg0: i32) -> (i32, i32) {
    %c0_i32 = arith.constant 0 : i32
    %c0_i32_0 = arith.constant 0 : i32
    %c0_i32_1 = arith.constant 0 : i32
    return %c0_i32, %c0_i32_0 : i32, i32
  }
  func.func @transform_8(%arg0: i32) -> (i32, i32) {
    %c0_i32 = arith.constant 0 : i32
    %c0_i32_0 = arith.constant 0 : i32
    %c0_i32_1 = arith.constant 0 : i32
    return %c0_i32, %c0_i32_0 : i32, i32
  }
}

</mosaic_0001>

<sc_bundles>
// kernel: kernel.12.cloned.1.call-start
scs
__scs_entry_jumppad:
0x0: {  	(pc) =	sbr.rel $0x88, $3  }
0x1: {  	(tag) =	ssettag $0x0;
	lr =	simm.s32 $0x1  }
0x2: {  	[smem:$0x3F98] =	sst lr;
	_ =	strace $0xD0000000  }
0x3: {  	_ = 	snop  }
0x4: {  	_ = 	snop  }
0x5: {  	_ = 	snop  }
0x6: {  	_ = 	snop  }
0x7: {  	_ = 	snop  }
__scs_overlays_trampoline_lowered:
0x8: {  	[smem:$0x3FA7] =	sst s0  }
0x9: {  	[smem:$0x3FA8] =	sst s1  }
0xa: {  	[smem:$0x3FA9] =	sst s2  }
0xb: {  	[smem:$0x3FAA] =	sst s3  }
0xc: {  	[smem:$0x3FAB] =	sst s4  }
0xd: {  	[smem:$0x3FAC] =	sst s5  }
0xe: {  	[smem:$0x3FAD] =	sst s6  }
0xf: {  	[smem:$0x3FAE] =	sst s7  }
0x10: {  	[smem:$0x3FAF] =	sst s8  }
0x11: {  	[smem:$0x3FB0] =	sst s9;
	s0 =	simm.s32 @!p0 $0x0  }
0x12: {  	s1 =	sld [smem:$0x3F96];
	s0 =	simm.s32 @p0 $0x1  }
0x13: {  	[smem:$0x3FB1] =	sst s0;
	s0 =	simm.s32 @!p1 $0x0  }
0x14: {  	s2 =	sld [smem:$0x3F95];
	s0 =	simm.s32 @p1 $0x1  }
0x15: {  	[smem:$0x3FB2] =	sst s0;
	s0 =	simm.s32 @!p2 $0x0  }
0x16: {  	s3 =	sld [smem:$0x3FDB];
	s0 =	simm.s32 @p2 $0x1  }
0x17: {  	s4 =	simm.s32 $0x1BF5;
	[smem:$0x3FB4] =	sst s0  }
0x18: {  	s0 =	sld [smem:$0x3F97];
	_ =	swait.ge [sflag:s4], $0x0  }
0x19: {  	s7 =	sld [smem:$0x3F98]  }
0x1a: {  	s8 =	sadd.s32 $0xFFFFE003, lr  }
0x1b: {  	s9 =	sadd.s32 $0xFFFFFEF7, lr;
	s5 =	simm.s32 $0xFFFFFFFF;
	p2 =	slt.u32 s8, $0xFFFFF086  }
0x1c: {  	p1 =	slt.u32 s9, $0xF7A;
	s5 =	simm.s32 @!p2 $0x0  }
0x1d: {  	s5 =	simm.s32 @p1 $0x1;
	p0 =	seq.s32 s7, s2  }
0x1e: {  	s7 =	smul.u32 @!p0 $0xF7A, s2;
	p2 =	seq.s32 @!p0 s5, $0x0  }
0x1f: {  	s9 =	smul.u32 $0xF7A, s1;
	s8 =	simm.s32 @!p0 $0x1BF5;
	p2 =	por !p2, p0  }
0x20: {  	[sflag:s8] =	ssyncset.s32 @!p0 $0xFFFFF086;
	s6 =	sadd.s32 @!p0 s3, s7;
	s7 =	simm.s32 @!p0 $0x108  }
0x21: {  	s3 =	sadd.s32 s3, s9;
	s6 =	sadd.s32 @!p0 $0x88, s6;
	s7 =	simm.s32 @p2 $0x1082  }
0x22: {  	[simem:s7], [sflag:s8] =	dma.local @!p0 [hbm:s6], $0xF7A  }
0x23: {  	s9 =	sor.u32 $0xD0000000, s2;
	s6 =	simm.s32 $0x108;
	_ =	swait.ge @!p0 [sflag:s8], $0x0  }
0x24: {  	s3 =	sadd.s32 $0x88, s3;
	s6 =	simm.s32 @!p1 $0x1082;
	[sflag:s4] =	ssyncset.s32 $0xFFFFF086  }
0x25: {  	[simem:s6], [sflag:s4] =	dma.local [hbm:s3], $0xF7A  }
0x26: {  	[smem:$0x3F98] =	sst s1;
	(tag) =	ssettag s2;
	_ =	strace s9  }
0x27: {  	s1 =	sld [smem:$0x3FA8]  }
0x28: {  	s2 =	sld [smem:$0x3FA9]  }
0x29: {  	s4 =	sld [smem:$0x3FAB]  }
0x2a: {  	p0 =	seq.s32 s5, $0x0;
	s5 =	sld [smem:$0x3FAC]  }
0x2b: {  	s6 =	sld [smem:$0x3FAD]  }
0x2c: {  	s7 =	sld [smem:$0x3FAE]  }
0x2d: {  	s3 =	simm.s32 $0x108;
	s8 =	sld [smem:$0x3FAF]  }
0x2e: {  	s3 =	simm.s32 @!p0 $0x1082;
	s9 =	sld [smem:$0x3FB0]  }
0x2f: {  	lr =	sadd.s32 s0, s3;
	s0 =	sld [smem:$0x3FA7]  }
0x30: {  	s3 =	sld [smem:$0x3FAA]  }
0x31: {  	[smem:$0x3FB3] =	sst s10  }
0x32: {  	s10 =	sld [smem:$0x3FB1];
	_ =	sdelay $0x3  }
0x33: {  	p0 =	seq.s32 s10, $0x1;
	s10 =	sld [smem:$0x3FB3];
	_ =	sdelay $0x3  }
0x34: {  	[smem:$0x3FB3] =	sst s10  }
0x35: {  	s10 =	sld [smem:$0x3FB2];
	_ =	sdelay $0x3  }
0x36: {  	p1 =	seq.s32 s10, $0x1;
	s10 =	sld [smem:$0x3FB3];
	_ =	sdelay $0x3  }
0x37: {  	[smem:$0x3FB3] =	sst s10  }
0x38: {  	s10 =	sld [smem:$0x3FB4]  }
0x39: {  	_ = 	snop;
	(pc) =	sbr.ind lr, $3  }
0x3a: {  	_ = 	snop  }
0x3b: {  	_ = 	snop  }
0x3c: {  	p2 =	seq.s32 s10, $0x1;
	s10 =	sld [smem:$0x3FB3]  }
0x3d: {  	_ =	shalt  }
0x3e: {  	_ =	shalt  }
0x3f: {  	_ =	shalt  }
0x40: {  	_ =	shalt  }
0x41: {  	_ =	shalt  }
0x42: {  	_ =	shalt  }
0x43: {  	_ =	shalt  }
0x44: {  	_ =	shalt  }
0x45: {  	_ =	shalt  }
0x46: {  	_ =	shalt  }
0x47: {  	_ =	shalt  }
0x48: {  	_ =	shalt  }
0x49: {  	_ =	shalt  }
0x4a: {  	_ =	shalt  }
0x4b: {  	_ =	shalt  }
0x4c: {  	_ =	shalt  }
0x4d: {  	_ =	shalt  }
0x4e: {  	_ =	shalt  }
0x4f: {  	_ =	shalt  }
0x50: {  	_ =	shalt  }
0x51: {  	_ =	shalt  }
0x52: {  	_ =	shalt  }
0x53: {  	_ =	shalt  }
0x54: {  	_ =	shalt  }
0x55: {  	_ =	shalt  }
0x56: {  	_ =	shalt  }
0x57: {  	_ =	shalt  }
0x58: {  	_ =	shalt  }
0x59: {  	_ =	shalt  }
0x5a: {  	_ =	shalt  }
0x5b: {  	_ =	shalt  }
0x5c: {  	_ =	shalt  }
0x5d: {  	_ =	shalt  }
0x5e: {  	_ =	shalt  }
0x5f: {  	_ =	shalt  }
0x60: {  	_ =	shalt  }
0x61: {  	_ =	shalt  }
0x62: {  	_ =	shalt  }
0x63: {  	_ =	shalt  }
0x64: {  	_ =	shalt  }
0x65: {  	_ =	shalt  }
0x66: {  	_ =	shalt  }
0x67: {  	_ =	shalt  }
0x68: {  	_ =	shalt  }
0x69: {  	_ =	shalt  }
0x6a: {  	_ =	shalt  }
0x6b: {  	_ =	shalt  }
0x6c: {  	_ =	shalt  }
0x6d: {  	_ =	shalt  }
0x6e: {  	_ =	shalt  }
0x6f: {  	_ =	shalt  }
0x70: {  	_ =	shalt  }
0x71: {  	_ =	shalt  }
0x72: {  	_ =	shalt  }
0x73: {  	_ =	shalt  }
0x74: {  	_ =	shalt  }
0x75: {  	_ =	shalt  }
0x76: {  	_ =	shalt  }
0x77: {  	_ =	shalt  }
0x78: {  	_ =	shalt  }
0x79: {  	_ =	shalt  }
0x7a: {  	_ =	shalt  }
0x7b: {  	_ =	shalt  }
0x7c: {  	_ =	shalt  }
0x7d: {  	_ =	shalt  }
0x7e: {  	_ =	shalt  }
0x7f: {  	_ =	shalt  }
0x80: {  	_ =	shalt  }
0x81: {  	_ =	shalt  }
0x82: {  	_ =	shalt  }
0x83: {  	_ =	shalt  }
0x84: {  	_ =	shalt  }
0x85: {  	_ =	shalt  }
0x86: {  	_ =	shalt  }
0x87: {  	_ =	shalt  }
.Lfunc_end0:
.L_simem_size_0:
called_computation.1_lowered:
.L_overlay_start_0:
0x88: {  	s2 =	sld [smem:$0x3FD9]  }
0x89: {  	s3 =	sld [smem:$0x3FFE];
	_ =	sdelay $0x1  }
0x8a: {  	s1 =	srdreg.scid  }
0x8b: {  	s0 =	sand.u32 $0x1, s1  }
0x8c: {  	s16 =	sshll.u32 s0, $0xA;
	s2 =	sadd.s32 s3, s2  }
0x8d: {  	s2 =	sadd.s32 s2, s16  }
0x8e: {  	[smem:$0x3FBF] =	sst s2  }
0x8f: {  	_ = 	snop  }
0x90: {  	(tm) =	ssettm $0x1  }
0x91: {  	s17 =	sld [smem:$0x3FFB];
	_ =	sdelay $0x3  }
0x92: {  	_ =	strace s17  }
0x93: {  	s2 =	sld [smem:$0x3FFC];
	_ =	sdelay $0x3  }
0x94: {  	_ =	strace s2  }
0x95: {  	s2 =	sld [smem:$0x3FFD];
	_ =	sdelay $0x3  }
0x96: {  	_ =	strace s2  }
0x97: {  	_ =	strace $0x8FFFFFFF  }
0x98: {  	s18 =	sld [smem:$0x3FDB];
	_ =	sdelay $0x1  }
0x99: {  	s19 =	simm.s32 $_scs_section_size  }
0x9a: {  	s4 =	simm.s32 $_size__tile_overlayer_lowered;
	s5 =	simm.s32 $_tile_overlayer_lowered  }
0x9b: {  	s22 =	simm.s32 $0x1BFF;
	s21 =	sshll.u32 s5, $0x1;
	s2 =	sadd.s32 s19, s18  }
0x9c: {  	s6 =	simm.s32 $0x0;
	s20 =	sshll.u32 s4, $0x1;
	s4 =	sadd.s32 s21, s2  }
0x9d: {  	[timem:s6], [sflag:s22] =	dma.local [hbm:s4], s20  }
0x9e: {  	_ =	swait.ge [sflag:s22], s20  }
0x9f: {  	s3 =	ssub.s32 $0x0, s20;
	[sflag:s22] =	ssyncset.done $0x0  }
0xa0: {  	[sflag:s22] =	ssyncadd.s32 s3;
	_ =	sdelay $0x1  }
0xa1: {  	s23 =	simm.s32 $0x1B8B  }
0xa2: {  	_ =	swait.ge [sflag:s23], $0x1  }
0xa3: {  	[sflag:s23] =	ssyncset.done $0x0  }
0xa4: {  	s25 =	simm.s32 $0x1B8E;
	s24 =	sld [smem:$0x3FFE];
	[sflag:s23] =	ssyncadd.s32 $0xFFFFFFFF  }
0xa5: {  	s26 =	simm.s32 $execute0_lowered;
	[smem:$0x3FD2] =	sst s25  }
0xa6: {  	s4 =	sshll.u32 s26, $0x1;
	_ =	strace $0x80000049;
	[dreg:$0x1] =	wrdreg $0xFFFFFFFF  }
0xa7: {  	s28 =	simm.s32 $_size_execute0_lowered;
	s2 =	sadd.s32 s2, s4;
	[dreg:$0x0] =	wrdreg $0x0  }
0xa8: {  	s4 =	sshll.u32 s28, $0x1;
	[dreg:$0x2] =	wrdreg s2  }
0xa9: {  	[dreg:$0x3] =	wrdreg s4  }
0xaa: {  	[dreg:$0x4] =	wrdreg $0xC0  }
0xab: {  	_ =	task [dreg:s6], $0x5FFFF  }
0xac: {  	[dreg:$0x1] =	wrdreg $0xFFFFFFFF  }
0xad: {  	[dreg:$0x0] =	wrdreg $0x60  }
0xae: {  	[dreg:$0x2] =	wrdreg s24  }
0xaf: {  	[dreg:$0x3] =	wrdreg $0x130000  }
0xb0: {  	[dreg:$0x4] =	wrdreg $0x90000  }
0xb1: {  	[dreg:$0x5] =	wrdreg $0x9  }
0xb2: {  	_ =	task.clear_ibuf [dreg:s6], $0x6FFFF;
	_ =	strace $0x90000049  }
0xb3: {  	s29 =	simm.s32 $0x9;
	_ =	strace $0x8000004B  }
0xb4: {  	_ =	swait.ge [sflag:s29], $0x1  }
0xb5: {  	[sflag:s29] =	ssyncadd.s32 $0xFFFFFFFF  }
0xb6: {  	_ =	strace $0x9000004B  }
0xb7: {  	_ =	sfence  }
0xb8: {  	s30 =	sld [smem:$0x0];
	_ =	sdelay $0x2  }
0xb9: {  	s31 =	sshll.u32 s1, $0xD;
	s1 =	sshrl.u32 s1, $0x2  }
0xba: {  	s3 =	sand.u32 $0x4000, s31;
	s1 =	sadd.s32 s1, s30  }
0xbb: {  	s0 =	sor.u32 s3, s0;
	s1 =	sshll.u32 s1, $0x11  }
0xbc: {  	s0 =	sor.u32 s1, s0  }
0xbd: {  	s0 =	sadd.s32 $0x8F2B, s0  }
0xbe: {  	[sflag:s0] =	ssyncadd.remote.s32 $0x1  }
0xbf: {  	_ =	sfence.sel $0xFFFF  }
0xc0: {  	[dreg:$0x0] =	wrdreg $0xFFFFFFFF;
	(pc) =	sbr.abs _section_cstart, $3  }
0xc1: {  	[dreg:$0x1] =	wrdreg $0xFFFFFFFF  }
0xc2: {  	_ =	task.clear_ibuf [dreg:s6], $0x2FFFF;
	_ =	strace $0x9FFFFFFF  }
0xc3: {  	(tm) =	ssettm $0x7FFFFFFF  }
tec
execute0_lowered:
.L_overlay_start_1:
0x0: {  	(tag) =	ssettag $0x1  }
0x1: {  	s0 =	rddreg [dreg:$0x0]  }
0x2: {  	s1 =	rddreg [dreg:$0x1]  }
0x3: {  	s2 =	rddreg [dreg:$0x2];
	s3 =	srdreg.scid;
	s4 =	simm.s32 $0x0  }
0x4: {  	s9 =	stileid.u32;
	s29 =	simm.s32 $0x3;
	s30 =	simm.s32 $0x2800  }
0x5: {  	s31 =	simm.s32 $0x5000;
	s3 =	sand.u32 $0x1, s3;
	[smem:$0x7FF] =	sst s4  }
0x6: {  	s5 =	sshll.u32 s3, $0x4;
	s6 =	ssub.s32 $0x2, s3;
	s3 =	smul.u32 $0xA0000, s3  }
0x7: {  	s8 =	sadd.s32 $0x16800, s0;
	s5 =	sor.u32 s9, s5;
	s9 =	smul.u32 $0xA000, s9  }
0x8: {  	_ =	strace $0x8000004A;
	s7 =	sshrl.u32 s6, $0x1;
	s5 =	smul.u32 $0x500, s5  }
0x9: {  	s6 =	ssub.s32 s6, s7;
	s20 =	sshrl.u32 s9, $0x3;
	s7 =	sadd.s32 s9, s1  }
0xa: {  	s21 =	sadd.s32 $0x2000, s9;
	s10 =	sadd.s32 s9, s2;
	s24 =	sadd.s32 $0x6000, s9  }
0xb: {  	s26 =	sadd.s32 $0x8000, s9;
	s28 =	smax.u32 s6, $0x1;
	s6 =	simm.s32 $0x2  }
0xc: {  	s5 =	sadd.s32 s5, s0;
	s0 =	sadd.s32 $0x2A800, s0;
	[dreg:$0x7] =	wrdreg s10  }
0xd: {  	s10 =	sadd.s32 s21, s1;
	s11 =	sshrl.u32 s21, $0x3;
	s14 =	sshrl.u32 s24, $0x3  }
0xe: {  	s12 =	sadd.s32 s21, s2;
	s15 =	sshrl.u32 s26, $0x3;
	s25 =	sadd.s32 s3, s24  }
0xf: {  	s19 =	sadd.s32 $0x2800, s5;
	s5 =	sadd.s32 $0xC800, s5;
	[dreg:$0x9] =	wrdreg s12  }
0x10: {  	s11 =	sadd.s32 s8, s11;
	s14 =	sadd.s32 s8, s14;
	[dreg:$0x4] =	wrdreg s19  }
0x11: {  	s15 =	sadd.s32 s8, s15;
	[dreg:$0x5] =	wrdreg s5;
	s5 =	sadd.s32 s8, s20  }
0x12: {  	[dreg:$0x8] =	wrdreg s11;
	s11 =	sadd.s32 $0x4000, s9;
	s9 =	sadd.s32 s9, s3  }
0x13: {  	[dreg:$0x6] =	wrdreg s5;
	s13 =	sshrl.u32 s11, $0x3;
	s5 =	sadd.s32 s3, s21  }
0x14: {  	s9 =	sshrl.u32 s9, $0x3;
	s23 =	sadd.s32 s3, s11;
	s3 =	sadd.s32 s3, s26  }
0x15: {  	s21 =	sadd.s32 s11, s1;
	s22 =	sadd.s32 s8, s13;
	s5 =	sshrl.u32 s5, $0x3  }
0x16: {  	s16 =	sadd.s32 s0, s9;
	s8 =	sshrl.u32 s25, $0x3;
	s3 =	sshrl.u32 s3, $0x3  }
0x17: {  	s25 =	sadd.s32 s26, s1;
	s26 =	sadd.s32 s26, s2;
	[dreg:$0xa] =	wrdreg s22  }
0x18: {  	s17 =	sadd.s32 s0, s5;
	s5 =	sshrl.u32 s23, $0x3;
	s19 =	sadd.s32 s0, s8  }
0x19: {  	s20 =	sadd.s32 s0, s3;
	s22 =	sadd.s32 s11, s2;
	s23 =	sadd.s32 s24, s1  }
0x1a: {  	s24 =	sadd.s32 s24, s2;
	s3 =	simm.s32 $0x80;
	s8 =	simm.s32 $0x0  }
0x1b: {  	v0 =	vimm.f32 $0.0e+00;
	s18 =	sadd.s32 s0, s5;
	s0 =	simm.s32 $0x7000;
	s5 =	simm.s32 $0x1  }
.LBB2_1:
0x1c: {  	s9 =	rddreg [dreg:$0x4]  }
0x1d: {  	[tilespmem:s4], [sflag:$0x3] =	stream.linear.gather [hbm4b:s9+s4], $0x2800, $0x38;
	[tilespmem:$0x1D000] =	vst v63  }
0x1e: {  	_ =	swait.ge [sflag:s29], $0x2800  }
0x1f: {  	[sflag:s29] =	ssyncset.done $0x0  }
0x20: {  	s13 =	rddreg [dreg:$0x5];
	[sflag:s29] =	ssyncadd.s32 $0xFFFFD800  }
0x21: {  	[tilespmem:s30], [sflag:$0x3] =	stream.linear.gather [hbm4b:s13+s4], $0x2800, $0x38;
	[tilespmem:$0x1D000] =	vst v63  }
0x22: {  	_ =	swait.ge [sflag:s29], $0x2800  }
0x23: {  	[sflag:s29] =	ssyncset.done $0x0  }
0x24: {  	s11 =	simm.s32 $0x100;
	s9 =	simm.s32 $0x0;
	[sflag:s29] =	ssyncadd.s32 $0xFFFFD800  }
.LBB2_2:
0x25: {  	p0 =	sne.s32 s11, $0x7F00;
	[tilespmem:s9+$0x5030] =	vst v0;
	s12 =	smov.u32 s11;
	s11 =	sadd.s32 $0x100, s11  }
.Ltmp0:
0x26: {  	[tilespmem:s9+$0x5020] =	vst v0;
	(pc) =	sbr.rel @p0 .LBB2_2-.Ltmp0, $3  }
0x27: {  	[tilespmem:s9+$0x5000] =	vst v0  }
0x28: {  	[tilespmem:s9+$0x5010] =	vst v0;
	_ =	sdelay $0x1  }
0x29: {  	s9 =	sshra.s32 s12, $0x2  }
0x2a: {  	[tilespmem:s9+$0x5030] =	vst v0  }
0x2b: {  	[tilespmem:s9+$0x5020] =	vst v0  }
0x2c: {  	[tilespmem:s9+$0x5000] =	vst v0  }
0x2d: {  	[tilespmem:s9+$0x5010] =	vst v0  }
0x2e: {  	[spmem:s7] =	stream.linear.scatter [tilespmem:s31], [sflag:$0x3], $0x2000, $0x38;
	[tilespmem:$0x1D000] =	vst v63  }
0x2f: {  	_ =	swait.ge [sflag:s29], $0x2000  }
0x30: {  	[sflag:s29] =	ssyncset.done $0x0  }
0x31: {  	s11 =	rddreg [dreg:$0x6];
	[sflag:s29] =	ssyncadd.s32 $0xFFFFE000  }
0x32: {  	[tilespmem:s0], [sflag:$0x3] =	stream.linear.gather [hbm4b:s11+s4], $0x2000, $0x38;
	[tilespmem:$0x1D000] =	vst v63  }
0x33: {  	_ =	swait.ge [sflag:s29], $0x2000  }
0x34: {  	[sflag:s29] =	ssyncset.done $0x0  }
0x35: {  	s12 =	rddreg [dreg:$0x7];
	[sflag:s29] =	ssyncadd.s32 $0xFFFFE000  }
0x36: {  	[spmem:s12] =	stream.linear.scatter [tilespmem:s0], [sflag:$0x3], $0x2000, $0x38;
	[tilespmem:$0x1D000] =	vst v63  }
0x37: {  	_ =	swait.ge [sflag:s29], $0x2000  }
0x38: {  	[sflag:s29] =	ssyncset.done $0x0  }
0x39: {  	[sflag:s29] =	ssyncadd.s32 $0xFFFFE000  }
0x3a: {  	[spmem:s10] =	stream.linear.scatter [tilespmem:s31], [sflag:$0x3], $0x2000, $0x38;
	[tilespmem:$0x1D000] =	vst v63  }
0x3b: {  	_ =	swait.ge [sflag:s29], $0x2000  }
0x3c: {  	[sflag:s29] =	ssyncset.done $0x0  }
0x3d: {  	s13 =	rddreg [dreg:$0x8];
	[sflag:s29] =	ssyncadd.s32 $0xFFFFE000  }
0x3e: {  	[tilespmem:s0], [sflag:$0x3] =	stream.linear.gather [hbm4b:s13+s4], $0x2000, $0x38;
	[tilespmem:$0x1D000] =	vst v63  }
0x3f: {  	_ =	swait.ge [sflag:s29], $0x2000  }
0x40: {  	[sflag:s29] =	ssyncset.done $0x0  }
0x41: {  	s11 =	rddreg [dreg:$0x9];
	[sflag:s29] =	ssyncadd.s32 $0xFFFFE000  }
0x42: {  	[spmem:s11] =	stream.linear.scatter [tilespmem:s0], [sflag:$0x3], $0x2000, $0x38;
	[tilespmem:$0x1D000] =	vst v63  }
0x43: {  	_ =	swait.ge [sflag:s29], $0x2000  }
0x44: {  	[sflag:s29] =	ssyncset.done $0x0  }
0x45: {  	[sflag:s29] =	ssyncadd.s32 $0xFFFFE000  }
0x46: {  	[spmem:s21] =	stream.linear.scatter [tilespmem:s31], [sflag:$0x3], $0x2000, $0x38;
	[tilespmem:$0x1D000] =	vst v63  }
0x47: {  	_ =	swait.ge [sflag:s29], $0x2000  }
0x48: {  	[sflag:s29] =	ssyncset.done $0x0  }
0x49: {  	s12 =	rddreg [dreg:$0xa];
	[sflag:s29] =	ssyncadd.s32 $0xFFFFE000  }
0x4a: {  	[tilespmem:s0], [sflag:$0x3] =	stream.linear.gather [hbm4b:s12+s4], $0x2000, $0x38;
	[tilespmem:$0x1D000] =	vst v63  }
0x4b: {  	_ =	swait.ge [sflag:s29], $0x2000  }
0x4c: {  	[sflag:s29] =	ssyncset.done $0x0  }
0x4d: {  	[sflag:s29] =	ssyncadd.s32 $0xFFFFE000  }
0x4e: {  	[spmem:s22] =	stream.linear.scatter [tilespmem:s0], [sflag:$0x3], $0x2000, $0x38;
	[tilespmem:$0x1D000] =	vst v63  }
0x4f: {  	_ =	swait.ge [sflag:s29], $0x2000  }
0x50: {  	[sflag:s29] =	ssyncset.done $0x0  }
0x51: {  	[sflag:s29] =	ssyncadd.s32 $0xFFFFE000  }
0x52: {  	[spmem:s23] =	stream.linear.scatter [tilespmem:s31], [sflag:$0x3], $0x2000, $0x38;
	[tilespmem:$0x1D000] =	vst v63  }
0x53: {  	_ =	swait.ge [sflag:s29], $0x2000  }
0x54: {  	[sflag:s29] =	ssyncset.done $0x0  }
0x55: {  	[sflag:s29] =	ssyncadd.s32 $0xFFFFE000  }
0x56: {  	[tilespmem:s0], [sflag:$0x3] =	stream.linear.gather [hbm4b:s14+s4], $0x2000, $0x38;
	[tilespmem:$0x1D000] =	vst v63  }
0x57: {  	_ =	swait.ge [sflag:s29], $0x2000  }
0x58: {  	[sflag:s29] =	ssyncset.done $0x0  }
0x59: {  	[sflag:s29] =	ssyncadd.s32 $0xFFFFE000  }
0x5a: {  	[spmem:s24] =	stream.linear.scatter [tilespmem:s0], [sflag:$0x3], $0x2000, $0x38;
	[tilespmem:$0x1D000] =	vst v63  }
0x5b: {  	_ =	swait.ge [sflag:s29], $0x2000  }
0x5c: {  	[sflag:s29] =	ssyncset.done $0x0  }
0x5d: {  	[sflag:s29] =	ssyncadd.s32 $0xFFFFE000  }
0x5e: {  	[spmem:s25] =	stream.linear.scatter [tilespmem:s31], [sflag:$0x3], $0x2000, $0x38;
	[tilespmem:$0x1D000] =	vst v63  }
0x5f: {  	_ =	swait.ge [sflag:s29], $0x2000  }
0x60: {  	[sflag:s29] =	ssyncset.done $0x0  }
0x61: {  	[sflag:s29] =	ssyncadd.s32 $0xFFFFE000  }
0x62: {  	[tilespmem:s0], [sflag:$0x3] =	stream.linear.gather [hbm4b:s15+s4], $0x2000, $0x38;
	[tilespmem:$0x1D000] =	vst v63  }
0x63: {  	_ =	swait.ge [sflag:s29], $0x2000  }
0x64: {  	[sflag:s29] =	ssyncset.done $0x0  }
0x65: {  	[sflag:s29] =	ssyncadd.s32 $0xFFFFE000  }
0x66: {  	[spmem:s26] =	stream.linear.scatter [tilespmem:s0], [sflag:$0x3], $0x2000, $0x38;
	[tilespmem:$0x1D000] =	vst v63  }
0x67: {  	_ =	swait.ge [sflag:s29], $0x2000  }
0x68: {  	[sflag:s29] =	ssyncset.done $0x0  }
0x69: {  	[sflag:s29] =	ssyncadd.s32 $0xFFFFE000  }
0x6a: {  	[bflag:$0x0] =	sbarrier.arrive $0xFFFF  }
0x6b: {  	[tilespmem:s31], [sflag:$0x1] =	stream.indirect.gather [spmem:s2], $0x40, s4, s3, $0xb8;
	[tilespmem:$0x1D000] =	vst v63  }
0x6c: {  	_ = 	snop  }
0x6d: {  	[tilespmem:s0], [sflag:$0x2] =	stream.indirect.gather [spmem:s2], $0x40, s3, s3, $0xb8;
	[tilespmem:$0x1D000] =	vst v63  }
0x6e: {  	_ =	swait.ge [sflag:s5], $0x2000  }
0x6f: {  	[sflag:s5] =	ssyncset.done $0x0  }
0x70: {  	[sflag:s5] =	ssyncadd.s32 $0xFFFFE000  }
0x71: {  	[spmem:s1] =	stream.indirect.scatter.add.f32 [tilespmem:s31], [sflag:$0x3], $0x40, s30, s3, $0xb8;
	[tilespmem:$0x1D000] =	vst v63  }
0x72: {  	_ =	swait.ge [sflag:s29], $0x2000  }
0x73: {  	[sflag:s29] =	ssyncset.done $0x0  }
0x74: {  	s13 =	simm.s32 $0x100;
	[sflag:s29] =	ssyncadd.s32 $0xFFFFE000  }
0x75: {  	[tilespmem:s31], [sflag:$0x1] =	stream.indirect.gather [spmem:s2], $0x40, s13, s3, $0xb8;
	[tilespmem:$0x1D000] =	vst v63  }
0x76: {  	_ =	swait.ge [sflag:s6], $0x2000  }
0x77: {  	[sflag:s6] =	ssyncset.done $0x0  }
0x78: {  	s11 =	simm.s32 $0x2880;
	[sflag:s6] =	ssyncadd.s32 $0xFFFFE000  }
0x79: {  	[spmem:s1] =	stream.indirect.scatter.add.f32 [tilespmem:s0], [sflag:$0x3], $0x40, s11, s3, $0xb8;
	[tilespmem:$0x1D000] =	vst v63  }
0x7a: {  	_ =	swait.ge [sflag:s29], $0x2000  }
0x7b: {  	[sflag:s29] =	ssyncset.done $0x0  }
0x7c: {  	s12 =	simm.s32 $0x180;
	[sflag:s29] =	ssyncadd.s32 $0xFFFFE000  }
0x7d: {  	[tilespmem:s0], [sflag:$0x2] =	stream.indirect.gather [spmem:s2], $0x40, s12, s3, $0xb8;
	[tilespmem:$0x1D000] =	vst v63  }
0x7e: {  	_ =	swait.ge [sflag:s5], $0x2000  }
0x7f: {  	[sflag:s5] =	ssyncset.done $0x0  }
0x80: {  	s13 =	simm.s32 $0x2900;
	[sflag:s5] =	ssyncadd.s32 $0xFFFFE000  }
0x81: {  	[spmem:s1] =	stream.indirect.scatter.add.f32 [tilespmem:s31], [sflag:$0x3], $0x40, s13, s3, $0xb8;
	[tilespmem:$0x1D000] =	vst v63  }
0x82: {  	_ =	swait.ge [sflag:s29], $0x2000  }
0x83: {  	s9 =	simm.s32 $0xFFFF6C00;
	s11 =	simm.s32 $0xFFFFDA00;
	[sflag:s29] =	ssyncset.done $0x0  }
.LBB2_4:
0x84: {  	s12 =	sadd.s32 $0x2800, s11  }
0x85: {  	[sflag:s29] =	ssyncadd.s32 $0xFFFFE000;
	s13 =	smov.u32 s9;
	s9 =	sadd.s32 $0x400, s9  }
0x86: {  	[tilespmem:s31], [sflag:$0x1] =	stream.indirect.gather [spmem:s2], $0x40, s12, s3, $0xb8;
	[tilespmem:$0x1D000] =	vst v63  }
0x87: {  	p0 =	sne.s32 s9, $0x0;
	_ =	swait.ge [sflag:s6], $0x2000  }
0x88: {  	[sflag:s6] =	ssyncset.done $0x0  }
0x89: {  	s12 =	sadd.s32 $0x4F80, s11;
	[sflag:s6] =	ssyncadd.s32 $0xFFFFE000  }
0x8a: {  	[spmem:s1] =	stream.indirect.scatter.add.f32 [tilespmem:s0], [sflag:$0x3], $0x40, s12, s3, $0xb8;
	[tilespmem:$0x1D000] =	vst v63  }
0x8b: {  	_ =	swait.ge [sflag:s29], $0x2000  }
0x8c: {  	[sflag:s29] =	ssyncset.done $0x0  }
0x8d: {  	s12 =	sadd.s32 $0x2880, s11;
	[sflag:s29] =	ssyncadd.s32 $0xFFFFE000  }
0x8e: {  	[tilespmem:s0], [sflag:$0x2] =	stream.indirect.gather [spmem:s2], $0x40, s12, s3, $0xb8;
	[tilespmem:$0x1D000] =	vst v63  }
0x8f: {  	_ =	swait.ge [sflag:s5], $0x2000  }
.Ltmp1:
0x90: {  	[sflag:s5] =	ssyncset.done $0x0;
	(pc) =	sbr.rel @p0 .LBB2_4-.Ltmp1, $4  }
0x91: {  	s11 =	sadd.s32 $0x5000, s11;
	[sflag:s5] =	ssyncadd.s32 $0xFFFFE000  }
0x92: {  	[spmem:s1] =	stream.indirect.scatter.add.f32 [tilespmem:s31], [sflag:$0x3], $0x40, s11, s3, $0xb8;
	[tilespmem:$0x1D000] =	vst v63  }
0x93: {  	_ =	swait.ge [sflag:s29], $0x2000  }
0x94: {  	s11 =	sshra.s32 s13, $0x2;
	[sflag:s29] =	ssyncset.done $0x0  }
0x95: {  	s12 =	sadd.s32 $0x2800, s11;
	[sflag:s29] =	ssyncadd.s32 $0xFFFFE000  }
0x96: {  	[tilespmem:s31], [sflag:$0x1] =	stream.indirect.gather [spmem:s2], $0x40, s12, s3, $0xb8;
	[tilespmem:$0x1D000] =	vst v63  }
0x97: {  	_ =	swait.ge [sflag:s6], $0x2000  }
0x98: {  	[sflag:s6] =	ssyncset.done $0x0  }
0x99: {  	s13 =	sadd.s32 $0x4F80, s11;
	[sflag:s6] =	ssyncadd.s32 $0xFFFFE000  }
0x9a: {  	[spmem:s1] =	stream.indirect.scatter.add.f32 [tilespmem:s0], [sflag:$0x3], $0x40, s13, s3, $0xb8;
	[tilespmem:$0x1D000] =	vst v63  }
0x9b: {  	_ =	swait.ge [sflag:s29], $0x2000  }
0x9c: {  	[sflag:s29] =	ssyncset.done $0x0  }
0x9d: {  	s13 =	sadd.s32 $0x2880, s11;
	[sflag:s29] =	ssyncadd.s32 $0xFFFFE000  }
0x9e: {  	[tilespmem:s0], [sflag:$0x2] =	stream.indirect.gather [spmem:s2], $0x40, s13, s3, $0xb8;
	[tilespmem:$0x1D000] =	vst v63  }
0x9f: {  	_ =	swait.ge [sflag:s5], $0x2000  }
0xa0: {  	[sflag:s5] =	ssyncset.done $0x0  }
0xa1: {  	s13 =	sadd.s32 $0x5000, s11;
	[sflag:s5] =	ssyncadd.s32 $0xFFFFE000  }
0xa2: {  	[spmem:s1] =	stream.indirect.scatter.add.f32 [tilespmem:s31], [sflag:$0x3], $0x40, s13, s3, $0xb8;
	[tilespmem:$0x1D000] =	vst v63  }
0xa3: {  	_ =	swait.ge [sflag:s29], $0x2000  }
0xa4: {  	[sflag:s29] =	ssyncset.done $0x0  }
0xa5: {  	[sflag:s29] =	ssyncadd.s32 $0xFFFFE000  }
0xa6: {  	_ =	swait.ge [sflag:s6], $0x2000  }
0xa7: {  	s9 =	sshra.s32 s9, $0x2;
	[sflag:s6] =	ssyncset.done $0x0  }
0xa8: {  	s9 =	sadd.s32 $0x4F80, s9;
	[sflag:s6] =	ssyncadd.s32 $0xFFFFE000  }
0xa9: {  	[spmem:s1] =	stream.indirect.scatter.add.f32 [tilespmem:s0], [sflag:$0x3], $0x40, s9, s3, $0xb8;
	[tilespmem:$0x1D000] =	vst v63  }
0xaa: {  	_ =	swait.ge [sflag:s29], $0x2000  }
0xab: {  	[sflag:s29] =	ssyncset.done $0x0  }
0xac: {  	[sflag:s29] =	ssyncadd.s32 $0xFFFFE000  }
0xad: {  	[bflag:$0x0] =	sbarrier.arrive $0xFFFF  }
0xae: {  	[tilespmem:s31], [sflag:$0x3] =	stream.linear.gather [spmem:s7], $0x2000, $0x38;
	[tilespmem:$0x1D000] =	vst v63  }
0xaf: {  	_ =	swait.ge [sflag:s29], $0x2000  }
0xb0: {  	[sflag:s29] =	ssyncset.done $0x0  }
0xb1: {  	[sflag:s29] =	ssyncadd.s32 $0xFFFFE000  }
0xb2: {  	[hbm4b:s16+s4] =	stream.linear.scatter [tilespmem:s31], [sflag:$0x3], $0x2000, $0x38;
	[tilespmem:$0x1D000] =	vst v63  }
0xb3: {  	_ =	swait.ge [sflag:s29], $0x2000  }
0xb4: {  	[sflag:s29] =	ssyncset.done $0x0  }
0xb5: {  	[sflag:s29] =	ssyncadd.s32 $0xFFFFE000  }
0xb6: {  	[tilespmem:s31], [sflag:$0x3] =	stream.linear.gather [spmem:s10], $0x2000, $0x38;
	[tilespmem:$0x1D000] =	vst v63  }
0xb7: {  	_ =	swait.ge [sflag:s29], $0x2000  }
0xb8: {  	[sflag:s29] =	ssyncset.done $0x0  }
0xb9: {  	[sflag:s29] =	ssyncadd.s32 $0xFFFFE000  }
0xba: {  	[hbm4b:s17+s4] =	stream.linear.scatter [tilespmem:s31], [sflag:$0x3], $0x2000, $0x38;
	[tilespmem:$0x1D000] =	vst v63  }
0xbb: {  	_ =	swait.ge [sflag:s29], $0x2000  }
0xbc: {  	[sflag:s29] =	ssyncset.done $0x0  }
0xbd: {  	[sflag:s29] =	ssyncadd.s32 $0xFFFFE000  }
0xbe: {  	[tilespmem:s31], [sflag:$0x3] =	stream.linear.gather [spmem:s21], $0x2000, $0x38;
	[tilespmem:$0x1D000] =	vst v63  }
0xbf: {  	_ =	swait.ge [sflag:s29], $0x2000  }
0xc0: {  	[sflag:s29] =	ssyncset.done $0x0  }
0xc1: {  	[sflag:s29] =	ssyncadd.s32 $0xFFFFE000  }
0xc2: {  	[hbm4b:s18+s4] =	stream.linear.scatter [tilespmem:s31], [sflag:$0x3], $0x2000, $0x38;
	[tilespmem:$0x1D000] =	vst v63  }
0xc3: {  	_ =	swait.ge [sflag:s29], $0x2000  }
0xc4: {  	[sflag:s29] =	ssyncset.done $0x0  }
0xc5: {  	[sflag:s29] =	ssyncadd.s32 $0xFFFFE000  }
0xc6: {  	[tilespmem:s31], [sflag:$0x3] =	stream.linear.gather [spmem:s23], $0x2000, $0x38;
	[tilespmem:$0x1D000] =	vst v63  }
0xc7: {  	_ =	swait.ge [sflag:s29], $0x2000  }
0xc8: {  	[sflag:s29] =	ssyncset.done $0x0  }
0xc9: {  	[sflag:s29] =	ssyncadd.s32 $0xFFFFE000  }
0xca: {  	[hbm4b:s19+s4] =	stream.linear.scatter [tilespmem:s31], [sflag:$0x3], $0x2000, $0x38;
	[tilespmem:$0x1D000] =	vst v63  }
0xcb: {  	_ =	swait.ge [sflag:s29], $0x2000  }
0xcc: {  	[sflag:s29] =	ssyncset.done $0x0  }
0xcd: {  	[sflag:s29] =	ssyncadd.s32 $0xFFFFE000  }
0xce: {  	[tilespmem:s31], [sflag:$0x3] =	stream.linear.gather [spmem:s25], $0x2000, $0x38;
	[tilespmem:$0x1D000] =	vst v63  }
0xcf: {  	s8 =	sadd.s32 $0x1, s8;
	_ =	swait.ge [sflag:s29], $0x2000  }
0xd0: {  	p0 =	sne.s32 s8, s28;
	[sflag:s29] =	ssyncset.done $0x0  }
.Ltmp2:
0xd1: {  	[sflag:s29] =	ssyncadd.s32 $0xFFFFE000;
	(pc) =	sbr.rel @p0 .LBB2_1-.Ltmp2, $4  }
0xd2: {  	[hbm4b:s20+s4] =	stream.linear.scatter [tilespmem:s31], [sflag:$0x3], $0x2000, $0x38;
	[tilespmem:$0x1D000] =	vst v63  }
0xd3: {  	_ =	swait.ge [sflag:s29], $0x2000  }
0xd4: {  	[sflag:s29] =	ssyncset.done $0x0  }
0xd5: {  	[sflag:s29] =	ssyncadd.s32 $0xFFFFE000  }
0xd6: {  	_ =	sfence.sel $0x180000  }
0xd7: {  	[bflag:$0x0] =	sbarrier.arrive $0xFFFF  }
0xd8: {  	_ =	strace $0x9000004A  }
0xd9: {  	s0 =	stileid.u32;
	[bflag:$0x2] =	sbarrier.arrive $0xFFFF  }
0xda: {  	p0 =	sne.s32 s0, $0x0;
	s0 =	rddreg [dreg:$0x3]  }
0xdb: {  	s0 =	sadd.s32 @!p0 $0x100000, s0  }
0xdc: {  	[sflag:s0] =	ssyncadd.tile.s32 @!p0 $0x1;
	_ =	shalt  }
.Lfunc_end2:
_tile_overlayer_lowered:
.L_overlay_start_2:
0xdd: {  	(tag) =	ssettag $0x2  }
0xde: {  	s0 =	rddreg [dreg:$0x0];
	s2 =	stileid.u32  }
0xdf: {  	s1 =	rddreg [dreg:$0x1];
	p0 =	sne.s32 s2, $0x0  }
0xe0: {  	s3 =	rddreg [dreg:$0x2];
	[bflag:$0x3] =	sbarrier.arrive $0xFFFF;
	s2 =	simm.s32 @!p0 $0x1C03  }
0xe1: {  	[timem:s3], [sflag:s2] =	dma.local @!p0 [hbm:s0], s1  }
0xe2: {  	s0 =	simm.s32 @!p0 $0x3  }
0xe3: {  	_ =	swait.ge @!p0 [sflag:s0], s1  }
0xe4: {  	s1 =	ssub.s32 @!p0 $0x0, s1;
	[sflag:s0] =	ssyncset.done @!p0 $0x0  }
0xe5: {  	[sflag:s0] =	ssyncadd.s32 @!p0 s1  }
0xe6: {  	[bflag:$0x3] =	sbarrier.arrive $0xFFFF  }
0xe7: {  	_ =	shalt  }

// kernel: kernel.15.cloned.1.call-start
scs
__scs_entry_jumppad:
0x0: {  	(pc) =	sbr.rel $0x88, $3  }
0x1: {  	(tag) =	ssettag $0x0;
	lr =	simm.s32 $0x1  }
0x2: {  	[smem:$0x3F98] =	sst lr;
	_ =	strace $0xD0000000  }
0x3: {  	_ = 	snop  }
0x4: {  	_ = 	snop  }
0x5: {  	_ = 	snop  }
0x6: {  	_ = 	snop  }
0x7: {  	_ = 	snop  }
__scs_overlays_trampoline_lowered:
0x8: {  	[smem:$0x3FA7] =	sst s0  }
0x9: {  	[smem:$0x3FA8] =	sst s1  }
0xa: {  	[smem:$0x3FA9] =	sst s2  }
0xb: {  	[smem:$0x3FAA] =	sst s3  }
0xc: {  	[smem:$0x3FAB] =	sst s4  }
0xd: {  	[smem:$0x3FAC] =	sst s5  }
0xe: {  	[smem:$0x3FAD] =	sst s6  }
0xf: {  	[smem:$0x3FAE] =	sst s7  }
0x10: {  	[smem:$0x3FAF] =	sst s8  }
0x11: {  	[smem:$0x3FB0] =	sst s9;
	s0 =	simm.s32 @!p0 $0x0  }
0x12: {  	s1 =	sld [smem:$0x3F96];
	s0 =	simm.s32 @p0 $0x1  }
0x13: {  	[smem:$0x3FB1] =	sst s0;
	s0 =	simm.s32 @!p1 $0x0  }
0x14: {  	s2 =	sld [smem:$0x3F95];
	s0 =	simm.s32 @p1 $0x1  }
0x15: {  	[smem:$0x3FB2] =	sst s0;
	s0 =	simm.s32 @!p2 $0x0  }
0x16: {  	s3 =	sld [smem:$0x3FDB];
	s0 =	simm.s32 @p2 $0x1  }
0x17: {  	s4 =	simm.s32 $0x1BF5;
	[smem:$0x3FB4] =	sst s0  }
0x18: {  	s0 =	sld [smem:$0x3F97];
	_ =	swait.ge [sflag:s4], $0x0  }
0x19: {  	s7 =	sld [smem:$0x3F98]  }
0x1a: {  	s8 =	sadd.s32 $0xFFFFE003, lr  }
0x1b: {  	s9 =	sadd.s32 $0xFFFFFEF7, lr;
	s5 =	simm.s32 $0xFFFFFFFF;
	p2 =	slt.u32 s8, $0xFFFFF086  }
0x1c: {  	p1 =	slt.u32 s9, $0xF7A;
	s5 =	simm.s32 @!p2 $0x0  }
0x1d: {  	s5 =	simm.s32 @p1 $0x1;
	p0 =	seq.s32 s7, s2  }
0x1e: {  	s7 =	smul.u32 @!p0 $0xF7A, s2;
	p2 =	seq.s32 @!p0 s5, $0x0  }
0x1f: {  	s9 =	smul.u32 $0xF7A, s1;
	s8 =	simm.s32 @!p0 $0x1BF5;
	p2 =	por !p2, p0  }
0x20: {  	[sflag:s8] =	ssyncset.s32 @!p0 $0xFFFFF086;
	s6 =	sadd.s32 @!p0 s3, s7;
	s7 =	simm.s32 @!p0 $0x108  }
0x21: {  	s3 =	sadd.s32 s3, s9;
	s6 =	sadd.s32 @!p0 $0x88, s6;
	s7 =	simm.s32 @p2 $0x1082  }
0x22: {  	[simem:s7], [sflag:s8] =	dma.local @!p0 [hbm:s6], $0xF7A  }
0x23: {  	s9 =	sor.u32 $0xD0000000, s2;
	s6 =	simm.s32 $0x108;
	_ =	swait.ge @!p0 [sflag:s8], $0x0  }
0x24: {  	s3 =	sadd.s32 $0x88, s3;
	s6 =	simm.s32 @!p1 $0x1082;
	[sflag:s4] =	ssyncset.s32 $0xFFFFF086  }
0x25: {  	[simem:s6], [sflag:s4] =	dma.local [hbm:s3], $0xF7A  }
0x26: {  	[smem:$0x3F98] =	sst s1;
	(tag) =	ssettag s2;
	_ =	strace s9  }
0x27: {  	s1 =	sld [smem:$0x3FA8]  }
0x28: {  	s2 =	sld [smem:$0x3FA9]  }
0x29: {  	s4 =	sld [smem:$0x3FAB]  }
0x2a: {  	p0 =	seq.s32 s5, $0x0;
	s5 =	sld [smem:$0x3FAC]  }
0x2b: {  	s6 =	sld [smem:$0x3FAD]  }
0x2c: {  	s7 =	sld [smem:$0x3FAE]  }
0x2d: {  	s3 =	simm.s32 $0x108;
	s8 =	sld [smem:$0x3FAF]  }
0x2e: {  	s3 =	simm.s32 @!p0 $0x1082;
	s9 =	sld [smem:$0x3FB0]  }
0x2f: {  	lr =	sadd.s32 s0, s3;
	s0 =	sld [smem:$0x3FA7]  }
0x30: {  	s3 =	sld [smem:$0x3FAA]  }
0x31: {  	[smem:$0x3FB3] =	sst s10  }
0x32: {  	s10 =	sld [smem:$0x3FB1];
	_ =	sdelay $0x3  }
0x33: {  	p0 =	seq.s32 s10, $0x1;
	s10 =	sld [smem:$0x3FB3];
	_ =	sdelay $0x3  }
0x34: {  	[smem:$0x3FB3] =	sst s10  }
0x35: {  	s10 =	sld [smem:$0x3FB2];
	_ =	sdelay $0x3  }
0x36: {  	p1 =	seq.s32 s10, $0x1;
	s10 =	sld [smem:$0x3FB3];
	_ =	sdelay $0x3  }
0x37: {  	[smem:$0x3FB3] =	sst s10  }
0x38: {  	s10 =	sld [smem:$0x3FB4]  }
0x39: {  	_ = 	snop;
	(pc) =	sbr.ind lr, $3  }
0x3a: {  	_ = 	snop  }
0x3b: {  	_ = 	snop  }
0x3c: {  	p2 =	seq.s32 s10, $0x1;
	s10 =	sld [smem:$0x3FB3]  }
0x3d: {  	_ =	shalt  }
0x3e: {  	_ =	shalt  }
0x3f: {  	_ =	shalt  }
0x40: {  	_ =	shalt  }
0x41: {  	_ =	shalt  }
0x42: {  	_ =	shalt  }
0x43: {  	_ =	shalt  }
0x44: {  	_ =	shalt  }
0x45: {  	_ =	shalt  }
0x46: {  	_ =	shalt  }
0x47: {  	_ =	shalt  }
0x48: {  	_ =	shalt  }
0x49: {  	_ =	shalt  }
0x4a: {  	_ =	shalt  }
0x4b: {  	_ =	shalt  }
0x4c: {  	_ =	shalt  }
0x4d: {  	_ =	shalt  }
0x4e: {  	_ =	shalt  }
0x4f: {  	_ =	shalt  }
0x50: {  	_ =	shalt  }
0x51: {  	_ =	shalt  }
0x52: {  	_ =	shalt  }
0x53: {  	_ =	shalt  }
0x54: {  	_ =	shalt  }
0x55: {  	_ =	shalt  }
0x56: {  	_ =	shalt  }
0x57: {  	_ =	shalt  }
0x58: {  	_ =	shalt  }
0x59: {  	_ =	shalt  }
0x5a: {  	_ =	shalt  }
0x5b: {  	_ =	shalt  }
0x5c: {  	_ =	shalt  }
0x5d: {  	_ =	shalt  }
0x5e: {  	_ =	shalt  }
0x5f: {  	_ =	shalt  }
0x60: {  	_ =	shalt  }
0x61: {  	_ =	shalt  }
0x62: {  	_ =	shalt  }
0x63: {  	_ =	shalt  }
0x64: {  	_ =	shalt  }
0x65: {  	_ =	shalt  }
0x66: {  	_ =	shalt  }
0x67: {  	_ =	shalt  }
0x68: {  	_ =	shalt  }
0x69: {  	_ =	shalt  }
0x6a: {  	_ =	shalt  }
0x6b: {  	_ =	shalt  }
0x6c: {  	_ =	shalt  }
0x6d: {  	_ =	shalt  }
0x6e: {  	_ =	shalt  }
0x6f: {  	_ =	shalt  }
0x70: {  	_ =	shalt  }
0x71: {  	_ =	shalt  }
0x72: {  	_ =	shalt  }
0x73: {  	_ =	shalt  }
0x74: {  	_ =	shalt  }
0x75: {  	_ =	shalt  }
0x76: {  	_ =	shalt  }
0x77: {  	_ =	shalt  }
0x78: {  	_ =	shalt  }
0x79: {  	_ =	shalt  }
0x7a: {  	_ =	shalt  }
0x7b: {  	_ =	shalt  }
0x7c: {  	_ =	shalt  }
0x7d: {  	_ =	shalt  }
0x7e: {  	_ =	shalt  }
0x7f: {  	_ =	shalt  }
0x80: {  	_ =	shalt  }
0x81: {  	_ =	shalt  }
0x82: {  	_ =	shalt  }
0x83: {  	_ =	shalt  }
0x84: {  	_ =	shalt  }
0x85: {  	_ =	shalt  }
0x86: {  	_ =	shalt  }
0x87: {  	_ =	shalt  }
.Lfunc_end0:
.L_simem_size_0:
called_computation.2_lowered:
.L_overlay_start_0:
0x88: {  	s2 =	sld [smem:$0x3FD9]  }
0x89: {  	s3 =	sld [smem:$0x3FFE];
	_ =	sdelay $0x1  }
0x8a: {  	s1 =	srdreg.scid  }
0x8b: {  	s0 =	sand.u32 $0x1, s1  }
0x8c: {  	s16 =	sshll.u32 s0, $0xA;
	s2 =	sadd.s32 s3, s2  }
0x8d: {  	s2 =	sadd.s32 s2, s16  }
0x8e: {  	[smem:$0x3FBF] =	sst s2  }
0x8f: {  	_ = 	snop  }
0x90: {  	(tm) =	ssettm $0x1  }
0x91: {  	s17 =	sld [smem:$0x3FFB];
	_ =	sdelay $0x3  }
0x92: {  	_ =	strace s17  }
0x93: {  	s2 =	sld [smem:$0x3FFC];
	_ =	sdelay $0x3  }
0x94: {  	_ =	strace s2  }
0x95: {  	s2 =	sld [smem:$0x3FFD];
	_ =	sdelay $0x3  }
0x96: {  	_ =	strace s2  }
0x97: {  	_ =	strace $0x8FFFFFFF  }
0x98: {  	s18 =	sld [smem:$0x3FDB];
	_ =	sdelay $0x1  }
0x99: {  	s19 =	simm.s32 $_scs_section_size  }
0x9a: {  	s4 =	simm.s32 $_size__tile_overlayer_lowered;
	s5 =	simm.s32 $_tile_overlayer_lowered  }
0x9b: {  	s22 =	simm.s32 $0x1BFF;
	s21 =	sshll.u32 s5, $0x1;
	s2 =	sadd.s32 s19, s18  }
0x9c: {  	s6 =	simm.s32 $0x0;
	s20 =	sshll.u32 s4, $0x1;
	s4 =	sadd.s32 s21, s2  }
0x9d: {  	[timem:s6], [sflag:s22] =	dma.local [hbm:s4], s20  }
0x9e: {  	_ =	swait.ge [sflag:s22], s20  }
0x9f: {  	s3 =	ssub.s32 $0x0, s20;
	[sflag:s22] =	ssyncset.done $0x0  }
0xa0: {  	[sflag:s22] =	ssyncadd.s32 s3;
	_ =	sdelay $0x1  }
0xa1: {  	s23 =	simm.s32 $0x1B8B  }
0xa2: {  	_ =	swait.ge [sflag:s23], $0x1  }
0xa3: {  	[sflag:s23] =	ssyncset.done $0x0  }
0xa4: {  	s25 =	simm.s32 $0x1B8E;
	s24 =	sld [smem:$0x3FFE];
	[sflag:s23] =	ssyncadd.s32 $0xFFFFFFFF  }
0xa5: {  	s26 =	simm.s32 $execute0_lowered;
	[smem:$0x3FD2] =	sst s25  }
0xa6: {  	s4 =	sshll.u32 s26, $0x1;
	_ =	strace $0x8000004C;
	[dreg:$0x1] =	wrdreg $0xFFFFFFFF  }
0xa7: {  	s28 =	simm.s32 $_size_execute0_lowered;
	s2 =	sadd.s32 s2, s4;
	[dreg:$0x0] =	wrdreg $0x0  }
0xa8: {  	s4 =	sshll.u32 s28, $0x1;
	[dreg:$0x2] =	wrdreg s2  }
0xa9: {  	[dreg:$0x3] =	wrdreg s4  }
0xaa: {  	[dreg:$0x4] =	wrdreg $0xC0  }
0xab: {  	_ =	task [dreg:s6], $0x5FFFF  }
0xac: {  	[dreg:$0x1] =	wrdreg $0xFFFFFFFF  }
0xad: {  	[dreg:$0x0] =	wrdreg $0x60  }
0xae: {  	[dreg:$0x2] =	wrdreg s24  }
0xaf: {  	[dreg:$0x3] =	wrdreg $0x130000  }
0xb0: {  	[dreg:$0x4] =	wrdreg $0x90000  }
0xb1: {  	[dreg:$0x5] =	wrdreg $0x9  }
0xb2: {  	_ =	task.clear_ibuf [dreg:s6], $0x6FFFF;
	_ =	strace $0x9000004C  }
0xb3: {  	s29 =	simm.s32 $0x9;
	_ =	strace $0x8000004E  }
0xb4: {  	_ =	swait.ge [sflag:s29], $0x1  }
0xb5: {  	[sflag:s29] =	ssyncadd.s32 $0xFFFFFFFF  }
0xb6: {  	_ =	strace $0x9000004E  }
0xb7: {  	_ =	sfence  }
0xb8: {  	s30 =	sld [smem:$0x0];
	_ =	sdelay $0x2  }
0xb9: {  	s31 =	sshll.u32 s1, $0xD;
	s1 =	sshrl.u32 s1, $0x2  }
0xba: {  	s3 =	sand.u32 $0x4000, s31;
	s1 =	sadd.s32 s1, s30  }
0xbb: {  	s0 =	sor.u32 s3, s0;
	s1 =	sshll.u32 s1, $0x11  }
0xbc: {  	s0 =	sor.u32 s1, s0  }
0xbd: {  	s0 =	sadd.s32 $0x8F2B, s0  }
0xbe: {  	[sflag:s0] =	ssyncadd.remote.s32 $0x1  }
0xbf: {  	_ =	sfence.sel $0xFFFF  }
0xc0: {  	[dreg:$0x0] =	wrdreg $0xFFFFFFFF;
	(pc) =	sbr.abs _section_cstart, $3  }
0xc1: {  	[dreg:$0x1] =	wrdreg $0xFFFFFFFF  }
0xc2: {  	_ =	task.clear_ibuf [dreg:s6], $0x2FFFF;
	_ =	strace $0x9FFFFFFF  }
0xc3: {  	(tm) =	ssettm $0x7FFFFFFF  }
tec
execute0_lowered:
.L_overlay_start_1:
0x0: {  	(tag) =	ssettag $0x1  }
0x1: {  	s0 =	rddreg [dreg:$0x0]  }
0x2: {  	s1 =	rddreg [dreg:$0x1]  }
0x3: {  	s2 =	rddreg [dreg:$0x2];
	s3 =	srdreg.scid;
	s4 =	simm.s32 $0x0  }
0x4: {  	s9 =	stileid.u32;
	s29 =	simm.s32 $0x3;
	s30 =	simm.s32 $0x2800  }
0x5: {  	s31 =	simm.s32 $0x5000;
	s3 =	sand.u32 $0x1, s3;
	[smem:$0x7FF] =	sst s4  }
0x6: {  	s5 =	sshll.u32 s3, $0x4;
	s6 =	ssub.s32 $0x2, s3;
	s3 =	smul.u32 $0xA0000, s3  }
0x7: {  	s8 =	sadd.s32 $0x16800, s0;
	s5 =	sor.u32 s9, s5;
	s9 =	smul.u32 $0xA000, s9  }
0x8: {  	_ =	strace $0x8000004D;
	s7 =	sshrl.u32 s6, $0x1;
	s5 =	smul.u32 $0x500, s5  }
0x9: {  	s6 =	ssub.s32 s6, s7;
	s20 =	sshrl.u32 s9, $0x3;
	s7 =	sadd.s32 s9, s1  }
0xa: {  	s21 =	sadd.s32 $0x2000, s9;
	s10 =	sadd.s32 s9, s2;
	s24 =	sadd.s32 $0x6000, s9  }
0xb: {  	s26 =	sadd.s32 $0x8000, s9;
	s28 =	smax.u32 s6, $0x1;
	s6 =	simm.s32 $0x2  }
0xc: {  	s5 =	sadd.s32 s5, s0;
	s0 =	sadd.s32 $0x2A800, s0;
	[dreg:$0x7] =	wrdreg s10  }
0xd: {  	s10 =	sadd.s32 s21, s1;
	s11 =	sshrl.u32 s21, $0x3;
	s14 =	sshrl.u32 s24, $0x3  }
0xe: {  	s12 =	sadd.s32 s21, s2;
	s15 =	sshrl.u32 s26, $0x3;
	s25 =	sadd.s32 s3, s24  }
0xf: {  	s19 =	sadd.s32 $0x2800, s5;
	s5 =	sadd.s32 $0xC800, s5;
	[dreg:$0x9] =	wrdreg s12  }
0x10: {  	s11 =	sadd.s32 s8, s11;
	s14 =	sadd.s32 s8, s14;
	[dreg:$0x4] =	wrdreg s19  }
0x11: {  	s15 =	sadd.s32 s8, s15;
	[dreg:$0x5] =	wrdreg s5;
	s5 =	sadd.s32 s8, s20  }
0x12: {  	[dreg:$0x8] =	wrdreg s11;
	s11 =	sadd.s32 $0x4000, s9;
	s9 =	sadd.s32 s9, s3  }
0x13: {  	[dreg:$0x6] =	wrdreg s5;
	s13 =	sshrl.u32 s11, $0x3;
	s5 =	sadd.s32 s3, s21  }
0x14: {  	s9 =	sshrl.u32 s9, $0x3;
	s23 =	sadd.s32 s3, s11;
	s3 =	sadd.s32 s3, s26  }
0x15: {  	s21 =	sadd.s32 s11, s1;
	s22 =	sadd.s32 s8, s13;
	s5 =	sshrl.u32 s5, $0x3  }
0x16: {  	s16 =	sadd.s32 s0, s9;
	s8 =	sshrl.u32 s25, $0x3;
	s3 =	sshrl.u32 s3, $0x3  }
0x17: {  	s25 =	sadd.s32 s26, s1;
	s26 =	sadd.s32 s26, s2;
	[dreg:$0xa] =	wrdreg s22  }
0x18: {  	s17 =	sadd.s32 s0, s5;
	s5 =	sshrl.u32 s23, $0x3;
	s19 =	sadd.s32 s0, s8  }
0x19: {  	s20 =	sadd.s32 s0, s3;
	s22 =	sadd.s32 s11, s2;
	s23 =	sadd.s32 s24, s1  }
0x1a: {  	s24 =	sadd.s32 s24, s2;
	s3 =	simm.s32 $0x80;
	s8 =	simm.s32 $0x0  }
0x1b: {  	v0 =	vimm.f32 $0.0e+00;
	s18 =	sadd.s32 s0, s5;
	s0 =	simm.s32 $0x7000;
	s5 =	simm.s32 $0x1  }
.LBB2_1:
0x1c: {  	s9 =	rddreg [dreg:$0x4]  }
0x1d: {  	[tilespmem:s4], [sflag:$0x3] =	stream.linear.gather [hbm4b:s9+s4], $0x2800, $0x38;
	[tilespmem:$0x1D000] =	vst v63  }
0x1e: {  	_ =	swait.ge [sflag:s29], $0x2800  }
0x1f: {  	[sflag:s29] =	ssyncset.done $0x0  }
0x20: {  	s13 =	rddreg [dreg:$0x5];
	[sflag:s29] =	ssyncadd.s32 $0xFFFFD800  }
0x21: {  	[tilespmem:s30], [sflag:$0x3] =	stream.linear.gather [hbm4b:s13+s4], $0x2800, $0x38;
	[tilespmem:$0x1D000] =	vst v63  }
0x22: {  	_ =	swait.ge [sflag:s29], $0x2800  }
0x23: {  	[sflag:s29] =	ssyncset.done $0x0  }
0x24: {  	s11 =	simm.s32 $0x100;
	s9 =	simm.s32 $0x0;
	[sflag:s29] =	ssyncadd.s32 $0xFFFFD800  }
.LBB2_2:
0x25: {  	p0 =	sne.s32 s11, $0x7F00;
	[tilespmem:s9+$0x5030] =	vst v0;
	s12 =	smov.u32 s11;
	s11 =	sadd.s32 $0x100, s11  }
.Ltmp0:
0x26: {  	[tilespmem:s9+$0x5020] =	vst v0;
	(pc) =	sbr.rel @p0 .LBB2_2-.Ltmp0, $3  }
0x27: {  	[tilespmem:s9+$0x5000] =	vst v0  }
0x28: {  	[tilespmem:s9+$0x5010] =	vst v0;
	_ =	sdelay $0x1  }
0x29: {  	s9 =	sshra.s32 s12, $0x2  }
0x2a: {  	[tilespmem:s9+$0x5030] =	vst v0  }
0x2b: {  	[tilespmem:s9+$0x5020] =	vst v0  }
0x2c: {  	[tilespmem:s9+$0x5000] =	vst v0  }
0x2d: {  	[tilespmem:s9+$0x5010] =	vst v0  }
0x2e: {  	[spmem:s7] =	stream.linear.scatter [tilespmem:s31], [sflag:$0x3], $0x2000, $0x38;
	[tilespmem:$0x1D000] =	vst v63  }
0x2f: {  	_ =	swait.ge [sflag:s29], $0x2000  }
0x30: {  	[sflag:s29] =	ssyncset.done $0x0  }
0x31: {  	s11 =	rddreg [dreg:$0x6];
	[sflag:s29] =	ssyncadd.s32 $0xFFFFE000  }
0x32: {  	[tilespmem:s0], [sflag:$0x3] =	stream.linear.gather [hbm4b:s11+s4], $0x2000, $0x38;
	[tilespmem:$0x1D000] =	vst v63  }
0x33: {  	_ =	swait.ge [sflag:s29], $0x2000  }
0x34: {  	[sflag:s29] =	ssyncset.done $0x0  }
0x35: {  	s12 =	rddreg [dreg:$0x7];
	[sflag:s29] =	ssyncadd.s32 $0xFFFFE000  }
0x36: {  	[spmem:s12] =	stream.linear.scatter [tilespmem:s0], [sflag:$0x3], $0x2000, $0x38;
	[tilespmem:$0x1D000] =	vst v63  }
0x37: {  	_ =	swait.ge [sflag:s29], $0x2000  }
0x38: {  	[sflag:s29] =	ssyncset.done $0x0  }
0x39: {  	[sflag:s29] =	ssyncadd.s32 $0xFFFFE000  }
0x3a: {  	[spmem:s10] =	stream.linear.scatter [tilespmem:s31], [sflag:$0x3], $0x2000, $0x38;
	[tilespmem:$0x1D000] =	vst v63  }
0x3b: {  	_ =	swait.ge [sflag:s29], $0x2000  }
0x3c: {  	[sflag:s29] =	ssyncset.done $0x0  }
0x3d: {  	s13 =	rddreg [dreg:$0x8];
	[sflag:s29] =	ssyncadd.s32 $0xFFFFE000  }
0x3e: {  	[tilespmem:s0], [sflag:$0x3] =	stream.linear.gather [hbm4b:s13+s4], $0x2000, $0x38;
	[tilespmem:$0x1D000] =	vst v63  }
0x3f: {  	_ =	swait.ge [sflag:s29], $0x2000  }
0x40: {  	[sflag:s29] =	ssyncset.done $0x0  }
0x41: {  	s11 =	rddreg [dreg:$0x9];
	[sflag:s29] =	ssyncadd.s32 $0xFFFFE000  }
0x42: {  	[spmem:s11] =	stream.linear.scatter [tilespmem:s0], [sflag:$0x3], $0x2000, $0x38;
	[tilespmem:$0x1D000] =	vst v63  }
0x43: {  	_ =	swait.ge [sflag:s29], $0x2000  }
0x44: {  	[sflag:s29] =	ssyncset.done $0x0  }
0x45: {  	[sflag:s29] =	ssyncadd.s32 $0xFFFFE000  }
0x46: {  	[spmem:s21] =	stream.linear.scatter [tilespmem:s31], [sflag:$0x3], $0x2000, $0x38;
	[tilespmem:$0x1D000] =	vst v63  }
0x47: {  	_ =	swait.ge [sflag:s29], $0x2000  }
0x48: {  	[sflag:s29] =	ssyncset.done $0x0  }
0x49: {  	s12 =	rddreg [dreg:$0xa];
	[sflag:s29] =	ssyncadd.s32 $0xFFFFE000  }
0x4a: {  	[tilespmem:s0], [sflag:$0x3] =	stream.linear.gather [hbm4b:s12+s4], $0x2000, $0x38;
	[tilespmem:$0x1D000] =	vst v63  }
0x4b: {  	_ =	swait.ge [sflag:s29], $0x2000  }
0x4c: {  	[sflag:s29] =	ssyncset.done $0x0  }
0x4d: {  	[sflag:s29] =	ssyncadd.s32 $0xFFFFE000  }
0x4e: {  	[spmem:s22] =	stream.linear.scatter [tilespmem:s0], [sflag:$0x3], $0x2000, $0x38;
	[tilespmem:$0x1D000] =	vst v63  }
0x4f: {  	_ =	swait.ge [sflag:s29], $0x2000  }
0x50: {  	[sflag:s29] =	ssyncset.done $0x0  }
0x51: {  	[sflag:s29] =	ssyncadd.s32 $0xFFFFE000  }
0x52: {  	[spmem:s23] =	stream.linear.scatter [tilespmem:s31], [sflag:$0x3], $0x2000, $0x38;
	[tilespmem:$0x1D000] =	vst v63  }
0x53: {  	_ =	swait.ge [sflag:s29], $0x2000  }
0x54: {  	[sflag:s29] =	ssyncset.done $0x0  }
0x55: {  	[sflag:s29] =	ssyncadd.s32 $0xFFFFE000  }
0x56: {  	[tilespmem:s0], [sflag:$0x3] =	stream.linear.gather [hbm4b:s14+s4], $0x2000, $0x38;
	[tilespmem:$0x1D000] =	vst v63  }
0x57: {  	_ =	swait.ge [sflag:s29], $0x2000  }
0x58: {  	[sflag:s29] =	ssyncset.done $0x0  }
0x59: {  	[sflag:s29] =	ssyncadd.s32 $0xFFFFE000  }
0x5a: {  	[spmem:s24] =	stream.linear.scatter [tilespmem:s0], [sflag:$0x3], $0x2000, $0x38;
	[tilespmem:$0x1D000] =	vst v63  }
0x5b: {  	_ =	swait.ge [sflag:s29], $0x2000  }
0x5c: {  	[sflag:s29] =	ssyncset.done $0x0  }
0x5d: {  	[sflag:s29] =	ssyncadd.s32 $0xFFFFE000  }
0x5e: {  	[spmem:s25] =	stream.linear.scatter [tilespmem:s31], [sflag:$0x3], $0x2000, $0x38;
	[tilespmem:$0x1D000] =	vst v63  }
0x5f: {  	_ =	swait.ge [sflag:s29], $0x2000  }
0x60: {  	[sflag:s29] =	ssyncset.done $0x0  }
0x61: {  	[sflag:s29] =	ssyncadd.s32 $0xFFFFE000  }
0x62: {  	[tilespmem:s0], [sflag:$0x3] =	stream.linear.gather [hbm4b:s15+s4], $0x2000, $0x38;
	[tilespmem:$0x1D000] =	vst v63  }
0x63: {  	_ =	swait.ge [sflag:s29], $0x2000  }
0x64: {  	[sflag:s29] =	ssyncset.done $0x0  }
0x65: {  	[sflag:s29] =	ssyncadd.s32 $0xFFFFE000  }
0x66: {  	[spmem:s26] =	stream.linear.scatter [tilespmem:s0], [sflag:$0x3], $0x2000, $0x38;
	[tilespmem:$0x1D000] =	vst v63  }
0x67: {  	_ =	swait.ge [sflag:s29], $0x2000  }
0x68: {  	[sflag:s29] =	ssyncset.done $0x0  }
0x69: {  	[sflag:s29] =	ssyncadd.s32 $0xFFFFE000  }
0x6a: {  	[bflag:$0x0] =	sbarrier.arrive $0xFFFF  }
0x6b: {  	[tilespmem:s31], [sflag:$0x1] =	stream.indirect.gather [spmem:s2], $0x40, s4, s3, $0xb8;
	[tilespmem:$0x1D000] =	vst v63  }
0x6c: {  	_ = 	snop  }
0x6d: {  	[tilespmem:s0], [sflag:$0x2] =	stream.indirect.gather [spmem:s2], $0x40, s3, s3, $0xb8;
	[tilespmem:$0x1D000] =	vst v63  }
0x6e: {  	_ =	swait.ge [sflag:s5], $0x2000  }
0x6f: {  	[sflag:s5] =	ssyncset.done $0x0  }
0x70: {  	[sflag:s5] =	ssyncadd.s32 $0xFFFFE000  }
0x71: {  	[spmem:s1] =	stream.indirect.scatter.add.f32 [tilespmem:s31], [sflag:$0x3], $0x40, s30, s3, $0xb8;
	[tilespmem:$0x1D000] =	vst v63  }
0x72: {  	_ =	swait.ge [sflag:s29], $0x2000  }
0x73: {  	[sflag:s29] =	ssyncset.done $0x0  }
0x74: {  	s13 =	simm.s32 $0x100;
	[sflag:s29] =	ssyncadd.s32 $0xFFFFE000  }
0x75: {  	[tilespmem:s31], [sflag:$0x1] =	stream.indirect.gather [spmem:s2], $0x40, s13, s3, $0xb8;
	[tilespmem:$0x1D000] =	vst v63  }
0x76: {  	_ =	swait.ge [sflag:s6], $0x2000  }
0x77: {  	[sflag:s6] =	ssyncset.done $0x0  }
0x78: {  	s11 =	simm.s32 $0x2880;
	[sflag:s6] =	ssyncadd.s32 $0xFFFFE000  }
0x79: {  	[spmem:s1] =	stream.indirect.scatter.add.f32 [tilespmem:s0], [sflag:$0x3], $0x40, s11, s3, $0xb8;
	[tilespmem:$0x1D000] =	vst v63  }
0x7a: {  	_ =	swait.ge [sflag:s29], $0x2000  }
0x7b: {  	[sflag:s29] =	ssyncset.done $0x0  }
0x7c: {  	s12 =	simm.s32 $0x180;
	[sflag:s29] =	ssyncadd.s32 $0xFFFFE000  }
0x7d: {  	[tilespmem:s0], [sflag:$0x2] =	stream.indirect.gather [spmem:s2], $0x40, s12, s3, $0xb8;
	[tilespmem:$0x1D000] =	vst v63  }
0x7e: {  	_ =	swait.ge [sflag:s5], $0x2000  }
0x7f: {  	[sflag:s5] =	ssyncset.done $0x0  }
0x80: {  	s13 =	simm.s32 $0x2900;
	[sflag:s5] =	ssyncadd.s32 $0xFFFFE000  }
0x81: {  	[spmem:s1] =	stream.indirect.scatter.add.f32 [tilespmem:s31], [sflag:$0x3], $0x40, s13, s3, $0xb8;
	[tilespmem:$0x1D000] =	vst v63  }
0x82: {  	_ =	swait.ge [sflag:s29], $0x2000  }
0x83: {  	s9 =	simm.s32 $0xFFFF6C00;
	s11 =	simm.s32 $0xFFFFDA00;
	[sflag:s29] =	ssyncset.done $0x0  }
.LBB2_4:
0x84: {  	s12 =	sadd.s32 $0x2800, s11  }
0x85: {  	[sflag:s29] =	ssyncadd.s32 $0xFFFFE000;
	s13 =	smov.u32 s9;
	s9 =	sadd.s32 $0x400, s9  }
0x86: {  	[tilespmem:s31], [sflag:$0x1] =	stream.indirect.gather [spmem:s2], $0x40, s12, s3, $0xb8;
	[tilespmem:$0x1D000] =	vst v63  }
0x87: {  	p0 =	sne.s32 s9, $0x0;
	_ =	swait.ge [sflag:s6], $0x2000  }
0x88: {  	[sflag:s6] =	ssyncset.done $0x0  }
0x89: {  	s12 =	sadd.s32 $0x4F80, s11;
	[sflag:s6] =	ssyncadd.s32 $0xFFFFE000  }
0x8a: {  	[spmem:s1] =	stream.indirect.scatter.add.f32 [tilespmem:s0], [sflag:$0x3], $0x40, s12, s3, $0xb8;
	[tilespmem:$0x1D000] =	vst v63  }
0x8b: {  	_ =	swait.ge [sflag:s29], $0x2000  }
0x8c: {  	[sflag:s29] =	ssyncset.done $0x0  }
0x8d: {  	s12 =	sadd.s32 $0x2880, s11;
	[sflag:s29] =	ssyncadd.s32 $0xFFFFE000  }
0x8e: {  	[tilespmem:s0], [sflag:$0x2] =	stream.indirect.gather [spmem:s2], $0x40, s12, s3, $0xb8;
	[tilespmem:$0x1D000] =	vst v63  }
0x8f: {  	_ =	swait.ge [sflag:s5], $0x2000  }
.Ltmp1:
0x90: {  	[sflag:s5] =	ssyncset.done $0x0;
	(pc) =	sbr.rel @p0 .LBB2_4-.Ltmp1, $4  }
0x91: {  	s11 =	sadd.s32 $0x5000, s11;
	[sflag:s5] =	ssyncadd.s32 $0xFFFFE000  }
0x92: {  	[spmem:s1] =	stream.indirect.scatter.add.f32 [tilespmem:s31], [sflag:$0x3], $0x40, s11, s3, $0xb8;
	[tilespmem:$0x1D000] =	vst v63  }
0x93: {  	_ =	swait.ge [sflag:s29], $0x2000  }
0x94: {  	s11 =	sshra.s32 s13, $0x2;
	[sflag:s29] =	ssyncset.done $0x0  }
0x95: {  	s12 =	sadd.s32 $0x2800, s11;
	[sflag:s29] =	ssyncadd.s32 $0xFFFFE000  }
0x96: {  	[tilespmem:s31], [sflag:$0x1] =	stream.indirect.gather [spmem:s2], $0x40, s12, s3, $0xb8;
	[tilespmem:$0x1D000] =	vst v63  }
0x97: {  	_ =	swait.ge [sflag:s6], $0x2000  }
0x98: {  	[sflag:s6] =	ssyncset.done $0x0  }
0x99: {  	s13 =	sadd.s32 $0x4F80, s11;
	[sflag:s6] =	ssyncadd.s32 $0xFFFFE000  }
0x9a: {  	[spmem:s1] =	stream.indirect.scatter.add.f32 [tilespmem:s0], [sflag:$0x3], $0x40, s13, s3, $0xb8;
	[tilespmem:$0x1D000] =	vst v63  }
0x9b: {  	_ =	swait.ge [sflag:s29], $0x2000  }
0x9c: {  	[sflag:s29] =	ssyncset.done $0x0  }
0x9d: {  	s13 =	sadd.s32 $0x2880, s11;
	[sflag:s29] =	ssyncadd.s32 $0xFFFFE000  }
0x9e: {  	[tilespmem:s0], [sflag:$0x2] =	stream.indirect.gather [spmem:s2], $0x40, s13, s3, $0xb8;
	[tilespmem:$0x1D000] =	vst v63  }
0x9f: {  	_ =	swait.ge [sflag:s5], $0x2000  }
0xa0: {  	[sflag:s5] =	ssyncset.done $0x0  }
0xa1: {  	s13 =	sadd.s32 $0x5000, s11;
	[sflag:s5] =	ssyncadd.s32 $0xFFFFE000  }
0xa2: {  	[spmem:s1] =	stream.indirect.scatter.add.f32 [tilespmem:s31], [sflag:$0x3], $0x40, s13, s3, $0xb8;
	[tilespmem:$0x1D000] =	vst v63  }
0xa3: {  	_ =	swait.ge [sflag:s29], $0x2000  }
0xa4: {  	[sflag:s29] =	ssyncset.done $0x0  }
0xa5: {  	[sflag:s29] =	ssyncadd.s32 $0xFFFFE000  }
0xa6: {  	_ =	swait.ge [sflag:s6], $0x2000  }
0xa7: {  	s9 =	sshra.s32 s9, $0x2;
	[sflag:s6] =	ssyncset.done $0x0  }
0xa8: {  	s9 =	sadd.s32 $0x4F80, s9;
	[sflag:s6] =	ssyncadd.s32 $0xFFFFE000  }
0xa9: {  	[spmem:s1] =	stream.indirect.scatter.add.f32 [tilespmem:s0], [sflag:$0x3], $0x40, s9, s3, $0xb8;
	[tilespmem:$0x1D000] =	vst v63  }
0xaa: {  	_ =	swait.ge [sflag:s29], $0x2000  }
0xab: {  	[sflag:s29] =	ssyncset.done $0x0  }
0xac: {  	[sflag:s29] =	ssyncadd.s32 $0xFFFFE000  }
0xad: {  	[bflag:$0x0] =	sbarrier.arrive $0xFFFF  }
0xae: {  	[tilespmem:s31], [sflag:$0x3] =	stream.linear.gather [spmem:s7], $0x2000, $0x38;
	[tilespmem:$0x1D000] =	vst v63  }
0xaf: {  	_ =	swait.ge [sflag:s29], $0x2000  }
0xb0: {  	[sflag:s29] =	ssyncset.done $0x0  }
0xb1: {  	[sflag:s29] =	ssyncadd.s32 $0xFFFFE000  }
0xb2: {  	[hbm4b:s16+s4] =	stream.linear.scatter [tilespmem:s31], [sflag:$0x3], $0x2000, $0x38;
	[tilespmem:$0x1D000] =	vst v63  }
0xb3: {  	_ =	swait.ge [sflag:s29], $0x2000  }
0xb4: {  	[sflag:s29] =	ssyncset.done $0x0  }
0xb5: {  	[sflag:s29] =	ssyncadd.s32 $0xFFFFE000  }
0xb6: {  	[tilespmem:s31], [sflag:$0x3] =	stream.linear.gather [spmem:s10], $0x2000, $0x38;
	[tilespmem:$0x1D000] =	vst v63  }
0xb7: {  	_ =	swait.ge [sflag:s29], $0x2000  }
0xb8: {  	[sflag:s29] =	ssyncset.done $0x0  }
0xb9: {  	[sflag:s29] =	ssyncadd.s32 $0xFFFFE000  }
0xba: {  	[hbm4b:s17+s4] =	stream.linear.scatter [tilespmem:s31], [sflag:$0x3], $0x2000, $0x38;
	[tilespmem:$0x1D000] =	vst v63  }
0xbb: {  	_ =	swait.ge [sflag:s29], $0x2000  }
0xbc: {  	[sflag:s29] =	ssyncset.done $0x0  }
0xbd: {  	[sflag:s29] =	ssyncadd.s32 $0xFFFFE000  }
0xbe: {  	[tilespmem:s31], [sflag:$0x3] =	stream.linear.gather [spmem:s21], $0x2000, $0x38;
	[tilespmem:$0x1D000] =	vst v63  }
0xbf: {  	_ =	swait.ge [sflag:s29], $0x2000  }
0xc0: {  	[sflag:s29] =	ssyncset.done $0x0  }
0xc1: {  	[sflag:s29] =	ssyncadd.s32 $0xFFFFE000  }
0xc2: {  	[hbm4b:s18+s4] =	stream.linear.scatter [tilespmem:s31], [sflag:$0x3], $0x2000, $0x38;
	[tilespmem:$0x1D000] =	vst v63  }
0xc3: {  	_ =	swait.ge [sflag:s29], $0x2000  }
0xc4: {  	[sflag:s29] =	ssyncset.done $0x0  }
0xc5: {  	[sflag:s29] =	ssyncadd.s32 $0xFFFFE000  }
0xc6: {  	[tilespmem:s31], [sflag:$0x3] =	stream.linear.gather [spmem:s23], $0x2000, $0x38;
	[tilespmem:$0x1D000] =	vst v63  }
0xc7: {  	_ =	swait.ge [sflag:s29], $0x2000  }
0xc8: {  	[sflag:s29] =	ssyncset.done $0x0  }
0xc9: {  	[sflag:s29] =	ssyncadd.s32 $0xFFFFE000  }
0xca: {  	[hbm4b:s19+s4] =	stream.linear.scatter [tilespmem:s31], [sflag:$0x3], $0x2000, $0x38;
	[tilespmem:$0x1D000] =	vst v63  }
0xcb: {  	_ =	swait.ge [sflag:s29], $0x2000  }
0xcc: {  	[sflag:s29] =	ssyncset.done $0x0  }
0xcd: {  	[sflag:s29] =	ssyncadd.s32 $0xFFFFE000  }
0xce: {  	[tilespmem:s31], [sflag:$0x3] =	stream.linear.gather [spmem:s25], $0x2000, $0x38;
	[tilespmem:$0x1D000] =	vst v63  }
0xcf: {  	s8 =	sadd.s32 $0x1, s8;
	_ =	swait.ge [sflag:s29], $0x2000  }
0xd0: {  	p0 =	sne.s32 s8, s28;
	[sflag:s29] =	ssyncset.done $0x0  }
.Ltmp2:
0xd1: {  	[sflag:s29] =	ssyncadd.s32 $0xFFFFE000;
	(pc) =	sbr.rel @p0 .LBB2_1-.Ltmp2, $4  }
0xd2: {  	[hbm4b:s20+s4] =	stream.linear.scatter [tilespmem:s31], [sflag:$0x3], $0x2000, $0x38;
	[tilespmem:$0x1D000] =	vst v63  }
0xd3: {  	_ =	swait.ge [sflag:s29], $0x2000  }
0xd4: {  	[sflag:s29] =	ssyncset.done $0x0  }
0xd5: {  	[sflag:s29] =	ssyncadd.s32 $0xFFFFE000  }
0xd6: {  	_ =	sfence.sel $0x180000  }
0xd7: {  	[bflag:$0x0] =	sbarrier.arrive $0xFFFF  }
0xd8: {  	_ =	strace $0x9000004D  }
0xd9: {  	s0 =	stileid.u32;
	[bflag:$0x2] =	sbarrier.arrive $0xFFFF  }
0xda: {  	p0 =	sne.s32 s0, $0x0;
	s0 =	rddreg [dreg:$0x3]  }
0xdb: {  	s0 =	sadd.s32 @!p0 $0x100000, s0  }
0xdc: {  	[sflag:s0] =	ssyncadd.tile.s32 @!p0 $0x1;
	_ =	shalt  }
.Lfunc_end2:
_tile_overlayer_lowered:
.L_overlay_start_2:
0xdd: {  	(tag) =	ssettag $0x2  }
0xde: {  	s0 =	rddreg [dreg:$0x0];
	s2 =	stileid.u32  }
0xdf: {  	s1 =	rddreg [dreg:$0x1];
	p0 =	sne.s32 s2, $0x0  }
0xe0: {  	s3 =	rddreg [dreg:$0x2];
	[bflag:$0x3] =	sbarrier.arrive $0xFFFF;
	s2 =	simm.s32 @!p0 $0x1C03  }
0xe1: {  	[timem:s3], [sflag:s2] =	dma.local @!p0 [hbm:s0], s1  }
0xe2: {  	s0 =	simm.s32 @!p0 $0x3  }
0xe3: {  	_ =	swait.ge @!p0 [sflag:s0], s1  }
0xe4: {  	s1 =	ssub.s32 @!p0 $0x0, s1;
	[sflag:s0] =	ssyncset.done @!p0 $0x0  }
0xe5: {  	[sflag:s0] =	ssyncadd.s32 @!p0 s1  }
0xe6: {  	[bflag:$0x3] =	sbarrier.arrive $0xFFFF  }
0xe7: {  	_ =	shalt  }

// kernel: kernel.9.cloned.1.call-start
scs
__scs_entry_jumppad:
0x0: {  	(pc) =	sbr.rel $0x88, $3  }
0x1: {  	(tag) =	ssettag $0x0;
	lr =	simm.s32 $0x1  }
0x2: {  	[smem:$0x3F98] =	sst lr;
	_ =	strace $0xD0000000  }
0x3: {  	_ = 	snop  }
0x4: {  	_ = 	snop  }
0x5: {  	_ = 	snop  }
0x6: {  	_ = 	snop  }
0x7: {  	_ = 	snop  }
__scs_overlays_trampoline_lowered:
0x8: {  	[smem:$0x3FA7] =	sst s0  }
0x9: {  	[smem:$0x3FA8] =	sst s1  }
0xa: {  	[smem:$0x3FA9] =	sst s2  }
0xb: {  	[smem:$0x3FAA] =	sst s3  }
0xc: {  	[smem:$0x3FAB] =	sst s4  }
0xd: {  	[smem:$0x3FAC] =	sst s5  }
0xe: {  	[smem:$0x3FAD] =	sst s6  }
0xf: {  	[smem:$0x3FAE] =	sst s7  }
0x10: {  	[smem:$0x3FAF] =	sst s8  }
0x11: {  	[smem:$0x3FB0] =	sst s9;
	s0 =	simm.s32 @!p0 $0x0  }
0x12: {  	s1 =	sld [smem:$0x3F96];
	s0 =	simm.s32 @p0 $0x1  }
0x13: {  	[smem:$0x3FB1] =	sst s0;
	s0 =	simm.s32 @!p1 $0x0  }
0x14: {  	s2 =	sld [smem:$0x3F95];
	s0 =	simm.s32 @p1 $0x1  }
0x15: {  	[smem:$0x3FB2] =	sst s0;
	s0 =	simm.s32 @!p2 $0x0  }
0x16: {  	s3 =	sld [smem:$0x3FDB];
	s0 =	simm.s32 @p2 $0x1  }
0x17: {  	s4 =	simm.s32 $0x1BF5;
	[smem:$0x3FB4] =	sst s0  }
0x18: {  	s0 =	sld [smem:$0x3F97];
	_ =	swait.ge [sflag:s4], $0x0  }
0x19: {  	s7 =	sld [smem:$0x3F98]  }
0x1a: {  	s8 =	sadd.s32 $0xFFFFE003, lr  }
0x1b: {  	s9 =	sadd.s32 $0xFFFFFEF7, lr;
	s5 =	simm.s32 $0xFFFFFFFF;
	p2 =	slt.u32 s8, $0xFFFFF086  }
0x1c: {  	p1 =	slt.u32 s9, $0xF7A;
	s5 =	simm.s32 @!p2 $0x0  }
0x1d: {  	s5 =	simm.s32 @p1 $0x1;
	p0 =	seq.s32 s7, s2  }
0x1e: {  	s7 =	smul.u32 @!p0 $0xF7A, s2;
	p2 =	seq.s32 @!p0 s5, $0x0  }
0x1f: {  	s9 =	smul.u32 $0xF7A, s1;
	s8 =	simm.s32 @!p0 $0x1BF5;
	p2 =	por !p2, p0  }
0x20: {  	[sflag:s8] =	ssyncset.s32 @!p0 $0xFFFFF086;
	s6 =	sadd.s32 @!p0 s3, s7;
	s7 =	simm.s32 @!p0 $0x108  }
0x21: {  	s3 =	sadd.s32 s3, s9;
	s6 =	sadd.s32 @!p0 $0x88, s6;
	s7 =	simm.s32 @p2 $0x1082  }
0x22: {  	[simem:s7], [sflag:s8] =	dma.local @!p0 [hbm:s6], $0xF7A  }
0x23: {  	s9 =	sor.u32 $0xD0000000, s2;
	s6 =	simm.s32 $0x108;
	_ =	swait.ge @!p0 [sflag:s8], $0x0  }
0x24: {  	s3 =	sadd.s32 $0x88, s3;
	s6 =	simm.s32 @!p1 $0x1082;
	[sflag:s4] =	ssyncset.s32 $0xFFFFF086  }
0x25: {  	[simem:s6], [sflag:s4] =	dma.local [hbm:s3], $0xF7A  }
0x26: {  	[smem:$0x3F98] =	sst s1;
	(tag) =	ssettag s2;
	_ =	strace s9  }
0x27: {  	s1 =	sld [smem:$0x3FA8]  }
0x28: {  	s2 =	sld [smem:$0x3FA9]  }
0x29: {  	s4 =	sld [smem:$0x3FAB]  }
0x2a: {  	p0 =	seq.s32 s5, $0x0;
	s5 =	sld [smem:$0x3FAC]  }
0x2b: {  	s6 =	sld [smem:$0x3FAD]  }
0x2c: {  	s7 =	sld [smem:$0x3FAE]  }
0x2d: {  	s3 =	simm.s32 $0x108;
	s8 =	sld [smem:$0x3FAF]  }
0x2e: {  	s3 =	simm.s32 @!p0 $0x1082;
	s9 =	sld [smem:$0x3FB0]  }
0x2f: {  	lr =	sadd.s32 s0, s3;
	s0 =	sld [smem:$0x3FA7]  }
0x30: {  	s3 =	sld [smem:$0x3FAA]  }
0x31: {  	[smem:$0x3FB3] =	sst s10  }
0x32: {  	s10 =	sld [smem:$0x3FB1];
	_ =	sdelay $0x3  }
0x33: {  	p0 =	seq.s32 s10, $0x1;
	s10 =	sld [smem:$0x3FB3];
	_ =	sdelay $0x3  }
0x34: {  	[smem:$0x3FB3] =	sst s10  }
0x35: {  	s10 =	sld [smem:$0x3FB2];
	_ =	sdelay $0x3  }
0x36: {  	p1 =	seq.s32 s10, $0x1;
	s10 =	sld [smem:$0x3FB3];
	_ =	sdelay $0x3  }
0x37: {  	[smem:$0x3FB3] =	sst s10  }
0x38: {  	s10 =	sld [smem:$0x3FB4]  }
0x39: {  	_ = 	snop;
	(pc) =	sbr.ind lr, $3  }
0x3a: {  	_ = 	snop  }
0x3b: {  	_ = 	snop  }
0x3c: {  	p2 =	seq.s32 s10, $0x1;
	s10 =	sld [smem:$0x3FB3]  }
0x3d: {  	_ =	shalt  }
0x3e: {  	_ =	shalt  }
0x3f: {  	_ =	shalt  }
0x40: {  	_ =	shalt  }
0x41: {  	_ =	shalt  }
0x42: {  	_ =	shalt  }
0x43: {  	_ =	shalt  }
0x44: {  	_ =	shalt  }
0x45: {  	_ =	shalt  }
0x46: {  	_ =	shalt  }
0x47: {  	_ =	shalt  }
0x48: {  	_ =	shalt  }
0x49: {  	_ =	shalt  }
0x4a: {  	_ =	shalt  }
0x4b: {  	_ =	shalt  }
0x4c: {  	_ =	shalt  }
0x4d: {  	_ =	shalt  }
0x4e: {  	_ =	shalt  }
0x4f: {  	_ =	shalt  }
0x50: {  	_ =	shalt  }
0x51: {  	_ =	shalt  }
0x52: {  	_ =	shalt  }
0x53: {  	_ =	shalt  }
0x54: {  	_ =	shalt  }
0x55: {  	_ =	shalt  }
0x56: {  	_ =	shalt  }
0x57: {  	_ =	shalt  }
0x58: {  	_ =	shalt  }
0x59: {  	_ =	shalt  }
0x5a: {  	_ =	shalt  }
0x5b: {  	_ =	shalt  }
0x5c: {  	_ =	shalt  }
0x5d: {  	_ =	shalt  }
0x5e: {  	_ =	shalt  }
0x5f: {  	_ =	shalt  }
0x60: {  	_ =	shalt  }
0x61: {  	_ =	shalt  }
0x62: {  	_ =	shalt  }
0x63: {  	_ =	shalt  }
0x64: {  	_ =	shalt  }
0x65: {  	_ =	shalt  }
0x66: {  	_ =	shalt  }
0x67: {  	_ =	shalt  }
0x68: {  	_ =	shalt  }
0x69: {  	_ =	shalt  }
0x6a: {  	_ =	shalt  }
0x6b: {  	_ =	shalt  }
0x6c: {  	_ =	shalt  }
0x6d: {  	_ =	shalt  }
0x6e: {  	_ =	shalt  }
0x6f: {  	_ =	shalt  }
0x70: {  	_ =	shalt  }
0x71: {  	_ =	shalt  }
0x72: {  	_ =	shalt  }
0x73: {  	_ =	shalt  }
0x74: {  	_ =	shalt  }
0x75: {  	_ =	shalt  }
0x76: {  	_ =	shalt  }
0x77: {  	_ =	shalt  }
0x78: {  	_ =	shalt  }
0x79: {  	_ =	shalt  }
0x7a: {  	_ =	shalt  }
0x7b: {  	_ =	shalt  }
0x7c: {  	_ =	shalt  }
0x7d: {  	_ =	shalt  }
0x7e: {  	_ =	shalt  }
0x7f: {  	_ =	shalt  }
0x80: {  	_ =	shalt  }
0x81: {  	_ =	shalt  }
0x82: {  	_ =	shalt  }
0x83: {  	_ =	shalt  }
0x84: {  	_ =	shalt  }
0x85: {  	_ =	shalt  }
0x86: {  	_ =	shalt  }
0x87: {  	_ =	shalt  }
.Lfunc_end0:
.L_simem_size_0:
called_computation_lowered:
.L_overlay_start_0:
0x88: {  	s2 =	sld [smem:$0x3FD9]  }
0x89: {  	s3 =	sld [smem:$0x3FFE];
	_ =	sdelay $0x1  }
0x8a: {  	s1 =	srdreg.scid  }
0x8b: {  	s0 =	sand.u32 $0x1, s1  }
0x8c: {  	s17 =	sshll.u32 s0, $0xA;
	s2 =	sadd.s32 s3, s2  }
0x8d: {  	s2 =	sadd.s32 s2, s17  }
0x8e: {  	[smem:$0x3FBF] =	sst s2  }
0x8f: {  	_ = 	snop  }
0x90: {  	s2 =	sld [smem:$0x3FD0];
	(tm) =	ssettm $0x1  }
0x91: {  	s18 =	sld [smem:$0x3FFB];
	_ =	sdelay $0x3  }
0x92: {  	_ =	strace s18  }
0x93: {  	s3 =	sld [smem:$0x3FFC];
	_ =	sdelay $0x3  }
0x94: {  	_ =	strace s3  }
0x95: {  	s3 =	sld [smem:$0x3FFD];
	_ =	sdelay $0x3  }
0x96: {  	_ =	strace s3  }
0x97: {  	_ =	strace $0x8FFFFFFF  }
0x98: {  	s19 =	sld [smem:$0x3FDB];
	_ =	sdelay $0x1  }
0x99: {  	s4 =	simm.s32 $_scs_section_size  }
0x9a: {  	s5 =	simm.s32 $_size__tile_overlayer_lowered;
	s6 =	simm.s32 $_tile_overlayer_lowered  }
0x9b: {  	s22 =	simm.s32 $0x1BFF;
	s21 =	sshll.u32 s6, $0x1;
	s3 =	sadd.s32 s4, s19  }
0x9c: {  	s7 =	simm.s32 $0x0;
	s20 =	sshll.u32 s5, $0x1;
	s5 =	sadd.s32 s21, s3  }
0x9d: {  	[timem:s7], [sflag:s22] =	dma.local [hbm:s5], s20  }
0x9e: {  	_ =	swait.ge [sflag:s22], s20  }
0x9f: {  	s4 =	ssub.s32 $0x0, s20;
	[sflag:s22] =	ssyncset.done $0x0  }
0xa0: {  	[sflag:s22] =	ssyncadd.s32 s4;
	_ =	sdelay $0x1  }
0xa1: {  	s23 =	simm.s32 $0x1B8B  }
0xa2: {  	_ =	swait.ge [sflag:s23], $0x1  }
0xa3: {  	[sflag:s23] =	ssyncset.done $0x0  }
0xa4: {  	s25 =	simm.s32 $0x1B8E;
	s24 =	sld [smem:$0x3FFE];
	[sflag:s23] =	ssyncadd.s32 $0xFFFFFFFF  }
0xa5: {  	s26 =	simm.s32 $execute0_lowered;
	[smem:$0x3FD2] =	sst s25  }
0xa6: {  	s5 =	sshll.u32 s26, $0x1;
	_ =	strace $0x80000046;
	[dreg:$0x1] =	wrdreg $0xFFFFFFFF  }
0xa7: {  	s28 =	simm.s32 $_size_execute0_lowered;
	s3 =	sadd.s32 s3, s5;
	[dreg:$0x0] =	wrdreg $0x0  }
0xa8: {  	s5 =	sshll.u32 s28, $0x1;
	[dreg:$0x2] =	wrdreg s3  }
0xa9: {  	[dreg:$0x3] =	wrdreg s5  }
0xaa: {  	[dreg:$0x4] =	wrdreg $0xC0  }
0xab: {  	_ =	task [dreg:s7], $0x5FFFF  }
0xac: {  	[dreg:$0x1] =	wrdreg $0xFFFFFFFF  }
0xad: {  	[dreg:$0x0] =	wrdreg $0x60  }
0xae: {  	[dreg:$0x2] =	wrdreg s24  }
0xaf: {  	[dreg:$0x3] =	wrdreg s2  }
0xb0: {  	[dreg:$0x4] =	wrdreg $0x28800  }
0xb1: {  	[dreg:$0x5] =	wrdreg $0x9  }
0xb2: {  	_ =	task.clear_ibuf [dreg:s7], $0x6FFFF;
	_ =	strace $0x90000046  }
0xb3: {  	s29 =	simm.s32 $0x9;
	_ =	strace $0x80000048  }
0xb4: {  	_ =	swait.ge [sflag:s29], $0x1  }
0xb5: {  	[sflag:s29] =	ssyncadd.s32 $0xFFFFFFFF  }
0xb6: {  	_ =	strace $0x90000048  }
0xb7: {  	_ =	sfence  }
0xb8: {  	s30 =	sld [smem:$0x0];
	_ =	sdelay $0x2  }
0xb9: {  	s31 =	sshll.u32 s1, $0xD;
	s1 =	sshrl.u32 s1, $0x2  }
0xba: {  	s3 =	sand.u32 $0x4000, s31;
	s1 =	sadd.s32 s1, s30  }
0xbb: {  	s0 =	sor.u32 s3, s0;
	s1 =	sshll.u32 s1, $0x11  }
0xbc: {  	s0 =	sor.u32 s1, s0  }
0xbd: {  	s0 =	sadd.s32 $0x8F2B, s0  }
0xbe: {  	[sflag:s0] =	ssyncadd.remote.s32 $0x1  }
0xbf: {  	_ =	sfence.sel $0xFFFF  }
0xc0: {  	[dreg:$0x0] =	wrdreg $0xFFFFFFFF;
	(pc) =	sbr.abs _section_cstart, $3  }
0xc1: {  	[dreg:$0x1] =	wrdreg $0xFFFFFFFF  }
0xc2: {  	_ =	task.clear_ibuf [dreg:s7], $0x2FFFF;
	_ =	strace $0x9FFFFFFF  }
0xc3: {  	(tm) =	ssettm $0x7FFFFFFF  }
tec
execute0_lowered:
.L_overlay_start_1:
0x0: {  	(tag) =	ssettag $0x1  }
0x1: {  	s4 =	rddreg [dreg:$0x0]  }
0x2: {  	s14 =	rddreg [dreg:$0x1]  }
0x3: {  	s0 =	srdreg.scid;
	s2 =	rddreg [dreg:$0x2]  }
0x4: {  	s3 =	simm.s32 $0x0;
	s6 =	sand.u32 $0x1, s0;
	s0 =	stileid.u32  }
0x5: {  	s19 =	simm.s32 $0x0;
	[smem:$0x7FF] =	sst s3;
	s9 =	smul.u32 $0x280, s0  }
0x6: {  	s1 =	sshll.u32 s6, $0x4;
	s7 =	ssub.s32 $0x2, s6;
	s12 =	smul.u32 $0x2800, s6  }
0x7: {  	s5 =	sor.u32 s0, s1;
	s1 =	rddreg [dreg:$0x3];
	s29 =	sshrl.u32 s7, $0x1  }
0x8: {  	_ =	strace $0x80000047;
	s5 =	smul.u32 $0x500, s5;
	s15 =	ssub.s32 s7, s29  }
0x9: {  	s10 =	sadd.s32 $0x80, s9;
	s13 =	sadd.s32 $0x100, s9;
	s16 =	sadd.s32 $0x180, s9  }
0xa: {  	s11 =	sadd.s32 s9, s12;
	s17 =	sadd.s32 $0x200, s9;
	s6 =	sadd.s32 s10, s2  }
0xb: {  	s7 =	sadd.s32 s13, s2;
	s8 =	sadd.s32 s16, s2;
	s11 =	sshrl.u32 s11, $0x3  }
0xc: {  	s18 =	sadd.s32 s12, s10;
	s13 =	sadd.s32 s12, s13;
	s16 =	sadd.s32 s12, s16  }
0xd: {  	s15 =	smax.u32 s15, $0x1;
	s4 =	sadd.s32 s5, s4;
	s5 =	sadd.s32 s9, s2  }
0xe: {  	s9 =	sadd.s32 s17, s2;
	s10 =	sadd.s32 s14, s11;
	s30 =	sshrl.u32 s18, $0x3  }
0xf: {  	s13 =	sshrl.u32 s13, $0x3;
	s16 =	sshrl.u32 s16, $0x3;
	s17 =	sadd.s32 s12, s17  }
0x10: {  	s18 =	simm.s32 $0x80;
	s4 =	sadd.s32 $0xC800, s4;
	s11 =	sadd.s32 s14, s30  }
0x11: {  	s12 =	sadd.s32 s14, s13;
	s13 =	sadd.s32 s14, s16;
	s31 =	sshrl.u32 s17, $0x3  }
0x12: {  	v0 =	vimm.f32 $0.0e+00;
	v1 =	vimm.f32 $1.000000000e+00;
	s16 =	simm.s32 $0x1;
	s17 =	simm.s32 $0x2800;
	s14 =	sadd.s32 s14, s31  }
.LBB2_1:
0x13: {  	[tilespmem:s3], [sflag:$0x1] =	stream.linear.gather [hbm4b:s4+s3], $0x2800, $0x38;
	[tilespmem:$0x2B00] =	vst v63  }
0x14: {  	_ =	swait.ge [sflag:s16], $0x2800  }
0x15: {  	[sflag:s16] =	ssyncset.done $0x0  }
0x16: {  	[sflag:s16] =	ssyncadd.s32 $0xFFFFD800  }
0x17: {  	[tilespmem:$0x2800] =	vst v0  }
0x18: {  	[tilespmem:$0x2810] =	vst v0  }
0x19: {  	[tilespmem:$0x2820] =	vst v0  }
0x1a: {  	[tilespmem:$0x2830] =	vst v0  }
0x1b: {  	[tilespmem:$0x2840] =	vst v0  }
0x1c: {  	[tilespmem:$0x2850] =	vst v0  }
0x1d: {  	[tilespmem:$0x2860] =	vst v0  }
0x1e: {  	[tilespmem:$0x2870] =	vst v0  }
0x1f: {  	[spmem:s5] =	stream.linear.scatter [tilespmem:s17], [sflag:$0x1], $0x80, $0x38;
	[tilespmem:$0x2B00] =	vst v63  }
0x20: {  	_ =	swait.ge [sflag:s16], $0x80  }
0x21: {  	[sflag:s16] =	ssyncset.done $0x0  }
0x22: {  	[sflag:s16] =	ssyncadd.s32 $0xFFFFFF80  }
0x23: {  	[spmem:s6] =	stream.linear.scatter [tilespmem:s17], [sflag:$0x1], $0x80, $0x38;
	[tilespmem:$0x2B00] =	vst v63  }
0x24: {  	_ =	swait.ge [sflag:s16], $0x80  }
0x25: {  	[sflag:s16] =	ssyncset.done $0x0  }
0x26: {  	[sflag:s16] =	ssyncadd.s32 $0xFFFFFF80  }
0x27: {  	[spmem:s7] =	stream.linear.scatter [tilespmem:s17], [sflag:$0x1], $0x80, $0x38;
	[tilespmem:$0x2B00] =	vst v63  }
0x28: {  	_ =	swait.ge [sflag:s16], $0x80  }
0x29: {  	[sflag:s16] =	ssyncset.done $0x0  }
0x2a: {  	[sflag:s16] =	ssyncadd.s32 $0xFFFFFF80  }
0x2b: {  	[spmem:s8] =	stream.linear.scatter [tilespmem:s17], [sflag:$0x1], $0x80, $0x38;
	[tilespmem:$0x2B00] =	vst v63  }
0x2c: {  	_ =	swait.ge [sflag:s16], $0x80  }
0x2d: {  	[sflag:s16] =	ssyncset.done $0x0  }
0x2e: {  	[sflag:s16] =	ssyncadd.s32 $0xFFFFFF80  }
0x2f: {  	[spmem:s9] =	stream.linear.scatter [tilespmem:s17], [sflag:$0x1], $0x80, $0x38;
	[tilespmem:$0x2B00] =	vst v63  }
0x30: {  	_ =	swait.ge [sflag:s16], $0x80  }
0x31: {  	[sflag:s16] =	ssyncset.done $0x0  }
0x32: {  	[sflag:s16] =	ssyncadd.s32 $0xFFFFFF80  }
0x33: {  	[bflag:$0x0] =	sbarrier.arrive $0xFFFF  }
0x34: {  	[tilespmem:$0x2800] =	vst v1  }
0x35: {  	[tilespmem:$0x2810] =	vst v1  }
0x36: {  	[tilespmem:$0x2820] =	vst v1  }
0x37: {  	[tilespmem:$0x2830] =	vst v1  }
0x38: {  	[tilespmem:$0x2840] =	vst v1  }
0x39: {  	[tilespmem:$0x2850] =	vst v1  }
0x3a: {  	[tilespmem:$0x2860] =	vst v1  }
0x3b: {  	s20 =	simm.s32 $0x0;
	[tilespmem:$0x2870] =	vst v1  }
0x3c: {  	[spmem:s2] =	stream.indirect.scatter.add.f32 [tilespmem:s17], [sflag:$0x1], $0x1, s20, s18, $0xb8;
	[tilespmem:$0x2B00] =	vst v63  }
0x3d: {  	_ =	swait.ge [sflag:s16], $0x80  }
0x3e: {  	s20 =	simm.s32 $0x200;
	[sflag:s16] =	ssyncset.done $0x0  }
.LBB2_2:
0x3f: {  	s21 =	sshra.s32 s20, $0x2;
	[sflag:s16] =	ssyncadd.s32 $0xFFFFFF80;
	p0 =	sne.s32 s20, $0x9E00  }
0x40: {  	[spmem:s2] =	stream.indirect.scatter.add.f32 [tilespmem:s17], [sflag:$0x1], $0x1, s21, s18, $0xb8;
	[tilespmem:$0x2B00] =	vst v63  }
.Ltmp0:
0x41: {  	_ = 	snop;
	(pc) =	sbr.rel @p0 .LBB2_2-.Ltmp0, $4  }
0x42: {  	_ = 	snop  }
0x43: {  	s20 =	sadd.s32 $0x200, s20  }
0x44: {  	_ =	swait.ge [sflag:s16], $0x80  }
0x45: {  	[sflag:s16] =	ssyncset.done $0x0  }
0x46: {  	[sflag:s16] =	ssyncadd.s32 $0xFFFFFF80  }
0x47: {  	[bflag:$0x0] =	sbarrier.arrive $0xFFFF  }
0x48: {  	[tilespmem:s17], [sflag:$0x1] =	stream.linear.gather [spmem:s5], $0x80, $0x38;
	[tilespmem:$0x2B00] =	vst v63  }
0x49: {  	_ =	swait.ge [sflag:s16], $0x80  }
0x4a: {  	[sflag:s16] =	ssyncset.done $0x0  }
0x4b: {  	[sflag:s16] =	ssyncadd.s32 $0xFFFFFF80  }
0x4c: {  	[hbm4b:s10+s3] =	stream.linear.scatter [tilespmem:s17], [sflag:$0x1], $0x80, $0x38;
	[tilespmem:$0x2B00] =	vst v63  }
0x4d: {  	_ =	swait.ge [sflag:s16], $0x80  }
0x4e: {  	[sflag:s16] =	ssyncset.done $0x0  }
0x4f: {  	[sflag:s16] =	ssyncadd.s32 $0xFFFFFF80  }
0x50: {  	[tilespmem:s17], [sflag:$0x1] =	stream.linear.gather [spmem:s6], $0x80, $0x38;
	[tilespmem:$0x2B00] =	vst v63  }
0x51: {  	_ =	swait.ge [sflag:s16], $0x80  }
0x52: {  	[sflag:s16] =	ssyncset.done $0x0  }
0x53: {  	[sflag:s16] =	ssyncadd.s32 $0xFFFFFF80  }
0x54: {  	[hbm4b:s11+s3] =	stream.linear.scatter [tilespmem:s17], [sflag:$0x1], $0x80, $0x38;
	[tilespmem:$0x2B00] =	vst v63  }
0x55: {  	_ =	swait.ge [sflag:s16], $0x80  }
0x56: {  	[sflag:s16] =	ssyncset.done $0x0  }
0x57: {  	[sflag:s16] =	ssyncadd.s32 $0xFFFFFF80  }
0x58: {  	[tilespmem:s17], [sflag:$0x1] =	stream.linear.gather [spmem:s7], $0x80, $0x38;
	[tilespmem:$0x2B00] =	vst v63  }
0x59: {  	_ =	swait.ge [sflag:s16], $0x80  }
0x5a: {  	[sflag:s16] =	ssyncset.done $0x0  }
0x5b: {  	[sflag:s16] =	ssyncadd.s32 $0xFFFFFF80  }
0x5c: {  	[hbm4b:s12+s3] =	stream.linear.scatter [tilespmem:s17], [sflag:$0x1], $0x80, $0x38;
	[tilespmem:$0x2B00] =	vst v63  }
0x5d: {  	_ =	swait.ge [sflag:s16], $0x80  }
0x5e: {  	[sflag:s16] =	ssyncset.done $0x0  }
0x5f: {  	[sflag:s16] =	ssyncadd.s32 $0xFFFFFF80  }
0x60: {  	[tilespmem:s17], [sflag:$0x1] =	stream.linear.gather [spmem:s8], $0x80, $0x38;
	[tilespmem:$0x2B00] =	vst v63  }
0x61: {  	_ =	swait.ge [sflag:s16], $0x80  }
0x62: {  	[sflag:s16] =	ssyncset.done $0x0  }
0x63: {  	[sflag:s16] =	ssyncadd.s32 $0xFFFFFF80  }
0x64: {  	[hbm4b:s13+s3] =	stream.linear.scatter [tilespmem:s17], [sflag:$0x1], $0x80, $0x38;
	[tilespmem:$0x2B00] =	vst v63  }
0x65: {  	_ =	swait.ge [sflag:s16], $0x80  }
0x66: {  	[sflag:s16] =	ssyncset.done $0x0  }
0x67: {  	[sflag:s16] =	ssyncadd.s32 $0xFFFFFF80  }
0x68: {  	[tilespmem:s17], [sflag:$0x1] =	stream.linear.gather [spmem:s9], $0x80, $0x38;
	[tilespmem:$0x2B00] =	vst v63  }
0x69: {  	s19 =	sadd.s32 $0x1, s19;
	_ =	swait.ge [sflag:s16], $0x80  }
0x6a: {  	p0 =	sne.s32 s19, s15;
	[sflag:s16] =	ssyncset.done $0x0  }
.Ltmp1:
0x6b: {  	[sflag:s16] =	ssyncadd.s32 $0xFFFFFF80;
	(pc) =	sbr.rel @p0 .LBB2_1-.Ltmp1, $4  }
0x6c: {  	[hbm4b:s14+s3] =	stream.linear.scatter [tilespmem:s17], [sflag:$0x1], $0x80, $0x38;
	[tilespmem:$0x2B00] =	vst v63  }
0x6d: {  	_ =	swait.ge [sflag:s16], $0x80  }
0x6e: {  	[sflag:s16] =	ssyncset.done $0x0  }
0x6f: {  	[sflag:s16] =	ssyncadd.s32 $0xFFFFFF80  }
0x70: {  	_ =	sfence.sel $0x180000  }
0x71: {  	[bflag:$0x0] =	sbarrier.arrive $0xFFFF  }
0x72: {  	p0 =	sne.s32 s0, $0x0;
	_ =	strace $0x90000047  }
0x73: {  	s0 =	sadd.s32 @!p0 $0x100000, s1;
	[bflag:$0x2] =	sbarrier.arrive $0xFFFF  }
0x74: {  	[sflag:s0] =	ssyncadd.tile.s32 @!p0 $0x1;
	_ =	shalt  }
.Lfunc_end2:
_tile_overlayer_lowered:
.L_overlay_start_2:
0x75: {  	(tag) =	ssettag $0x2  }
0x76: {  	s0 =	rddreg [dreg:$0x0];
	s2 =	stileid.u32  }
0x77: {  	s1 =	rddreg [dreg:$0x1];
	p0 =	sne.s32 s2, $0x0  }
0x78: {  	s3 =	rddreg [dreg:$0x2];
	[bflag:$0x3] =	sbarrier.arrive $0xFFFF;
	s2 =	simm.s32 @!p0 $0x1C01  }
0x79: {  	[timem:s3], [sflag:s2] =	dma.local @!p0 [hbm:s0], s1  }
0x7a: {  	s0 =	simm.s32 @!p0 $0x1  }
0x7b: {  	_ =	swait.ge @!p0 [sflag:s0], s1  }
0x7c: {  	s1 =	ssub.s32 @!p0 $0x0, s1;
	[sflag:s0] =	ssyncset.done @!p0 $0x0  }
0x7d: {  	[sflag:s0] =	ssyncadd.s32 @!p0 s1  }
0x7e: {  	[bflag:$0x3] =	sbarrier.arrive $0xFFFF  }
0x7f: {  	_ =	shalt  }

</sc_bundles>
